<compile_context>
chip_gen: v7x
topology: tpu7x:2x2x1
jax: 0.10.2.dev20260603
libtpu: 0.0.44.dev20260713+nightly
codegen_flags: <defaults>
</compile_context>

<pallas_src>
import functools

import jax
import jax.numpy as jnp
from jax import lax
from jax.experimental import pallas as pl
from jax.experimental.pallas import tpu as pltpu
from jax.experimental.pallas import tpu_sc as plsc

FACTOR = 32
BLK = 128
PACK = 4
G = 8
CHUNK = 128


def _gather_sc(batch, n_rows):
    info = plsc.get_sparse_core_info()
    nc, ns = info.num_cores, info.num_subcores
    nw = nc * ns
    b_per_w = batch // nw
    nchunk = b_per_w // CHUNK
    ngrp = b_per_w // G
    mesh = plsc.VectorSubcoreMesh(core_axis_name="c", subcore_axis_name="s")

    @functools.partial(
        pl.kernel,
        mesh=mesh,
        out_type=[
            jax.ShapeDtypeStruct((batch // PACK, PACK * FACTOR), jnp.float32),
            jax.ShapeDtypeStruct((batch // PACK, PACK * FACTOR), jnp.float32),
        ],
        scratch_types=[
            pltpu.VMEM((nchunk, CHUNK), jnp.int32),
            pltpu.VMEM((nchunk, CHUNK), jnp.int32),
            pltpu.VMEM((nchunk, CHUNK), jnp.int32),
            pltpu.VMEM((nchunk, CHUNK), jnp.int32),
            pltpu.VMEM((2, G, FACTOR, BLK), jnp.float32),
            pltpu.VMEM((b_per_w // PACK, 128), jnp.float32),
            pltpu.VMEM((b_per_w // PACK, 128), jnp.float32),
            pltpu.SemaphoreType.DMA,
            pltpu.SemaphoreType.DMA,
        ],
        compiler_params=pltpu.CompilerParams(needs_layout_passes=False),
    )
    def gather_kernel(euT_hbm, eiT_hbm, ubk_hbm, ibk_hbm, uco_hbm, ico_hbm,
                      u_out, i_out,
                      ubk_v, ibk_v, uco_v, ico_v, bufs,
                      urows_v, irows_v, sem0, sem1):
        wid = lax.axis_index("s") * nc + lax.axis_index("c")
        base = wid * (b_per_w // PACK)
        pltpu.sync_copy(ubk_hbm.at[wid], ubk_v)
        pltpu.sync_copy(ibk_hbm.at[wid], ibk_v)
        pltpu.sync_copy(uco_hbm.at[wid], uco_v)
        pltpu.sync_copy(ico_hbm.at[wid], ico_v)
        feat_lo = lax.iota(jnp.int32, 16)
        feat_hi = feat_lo + 16

        def phase(tab_hbm, bk_v, co_v, rows_v):
            def fire(g):
                par = jnp.bitwise_and(g, 1)

                def fire_k(k, _):
                    r = g * G + k
                    jj = jnp.full((16,), r // CHUNK, jnp.int32)
                    rr = jnp.full((16,), r % CHUNK, jnp.int32)
                    blk = jnp.max(plsc.load_gather(bk_v, [jj, rr]))
                    start = pl.multiple_of(blk * BLK, BLK)
                    cp0 = pltpu.make_async_copy(
                        tab_hbm.at[:, pl.ds(start, BLK)],
                        bufs.at[0, k], sem0)
                    cp1 = pltpu.make_async_copy(
                        tab_hbm.at[:, pl.ds(start, BLK)],
                        bufs.at[1, k], sem1)

                    @pl.when(par == 0)
                    def _():
                        cp0.start()

                    @pl.when(par == 1)
                    def _():
                        cp1.start()
                    return 0

                lax.fori_loop(0, G, fire_k, 0)

            def drain(g):
                par = jnp.bitwise_and(g, 1)

                def wait_k(k, _):
                    @pl.when(par == 0)
                    def _():
                        pltpu.make_async_copy(
                            tab_hbm.at[:, pl.ds(0, BLK)],
                            bufs.at[0, k], sem0).wait()

                    @pl.when(par == 1)
                    def _():
                        pltpu.make_async_copy(
                            tab_hbm.at[:, pl.ds(0, BLK)],
                            bufs.at[1, k], sem1).wait()
                    return 0

                lax.fori_loop(0, G, wait_k, 0)

            def extract(g):
                par = jnp.bitwise_and(g, 1)

                def ex_k(k, _):
                    r = g * G + k
                    jj = jnp.full((16,), r // CHUNK, jnp.int32)
                    rr = jnp.full((16,), r % CHUNK, jnp.int32)
                    co = plsc.load_gather(co_v, [jj, rr])
                    ps = jnp.full((16,), par, jnp.int32)
                    ks = jnp.full((16,), k, jnp.int32)
                    lo = plsc.load_gather(bufs, [ps, ks, feat_lo, co])
                    hi = plsc.load_gather(bufs, [ps, ks, feat_hi, co])
                    ro = r // PACK
                    cc = (r % PACK) * FACTOR
                    rows_v[ro, pl.ds(cc, 16)] = lo
                    rows_v[ro, pl.ds(cc + 16, 16)] = hi
                    return 0

                lax.fori_loop(0, G, ex_k, 0)

            fire(0)

            def grp_body(g, _):
                drain(g)

                @pl.when(g + 1 < ngrp)
                def _():
                    fire(g + 1)

                extract(g)
                return 0

            lax.fori_loop(0, ngrp, grp_body, 0)

        phase(euT_hbm, ubk_v, uco_v, urows_v)
        phase(eiT_hbm, ibk_v, ico_v, irows_v)
        pltpu.sync_copy(urows_v, u_out.at[pl.ds(base, b_per_w // PACK)])
        pltpu.sync_copy(irows_v, i_out.at[pl.ds(base, b_per_w // PACK)])

    return gather_kernel, nw, nchunk


def _mlp_body(u_ref, i_ref, w0u_ref, w0i_ref, b0_ref, w1_ref, b1_ref,
              wo_ref, bo_ref, out_ref):
    x = jnp.dot(u_ref[...], w0u_ref[...], preferred_element_type=jnp.float32)
    x += jnp.dot(i_ref[...], w0i_ref[...], preferred_element_type=jnp.float32)
    x = jnp.maximum(x + b0_ref[...], 0.0)
    x = jnp.dot(x, w1_ref[...], preferred_element_type=jnp.float32)
    x = jnp.maximum(x + b1_ref[...], 0.0)
    out_ref[...] = (
        jnp.dot(x, wo_ref[...], preferred_element_type=jnp.float32)
        + bo_ref[0, 0])


def _mlp_call(u_rows, i_rows, w0u, w0i, b0r, w1, b1r, wo, bo2):
    bp = u_rows.shape[0]
    blk = bp // 2
    return pl.pallas_call(
        _mlp_body,
        grid=(bp // blk,),
        in_specs=[
            pl.BlockSpec((blk, 128), lambda i: (i, 0)),
            pl.BlockSpec((blk, 128), lambda i: (i, 0)),
            pl.BlockSpec(w0u.shape, lambda i: (0, 0)),
            pl.BlockSpec(w0i.shape, lambda i: (0, 0)),
            pl.BlockSpec((1, b0r.shape[1]), lambda i: (0, 0)),
            pl.BlockSpec(w1.shape, lambda i: (0, 0)),
            pl.BlockSpec((1, b1r.shape[1]), lambda i: (0, 0)),
            pl.BlockSpec(wo.shape, lambda i: (0, 0)),
            pl.BlockSpec((1, 1), lambda i: (0, 0)),
        ],
        out_specs=pl.BlockSpec((blk, PACK), lambda i: (i, 0)),
        out_shape=jax.ShapeDtypeStruct((bp, PACK), jnp.float32),
    )(u_rows, i_rows, w0u, w0i, b0r, w1, b1r, wo, bo2)


@jax.jit
def kernel(user, item, embed_user, embed_item, W0, b0, W1, b1, Wo, bo):
    batch = user.shape[0]
    n_rows = embed_user.shape[0]
    half = batch // 2
    gather_kernel, nw, nchunk = _gather_sc(half, n_rows)

    euT = embed_user.T
    eiT = embed_item.T
    user = user.astype(jnp.int32)
    item = item.astype(jnp.int32)
    ubk = (user // BLK).reshape(2, nw, nchunk, CHUNK)
    ibk = (item // BLK).reshape(2, nw, nchunk, CHUNK)
    uco = (user % BLK).reshape(2, nw, nchunk, CHUNK)
    ico = (item % BLK).reshape(2, nw, nchunk, CHUNK)

    eye = jnp.eye(PACK, dtype=jnp.float32)
    w0u = jnp.kron(eye, W0[:FACTOR, :])
    w0i = jnp.kron(eye, W0[FACTOR:, :])
    w1 = jnp.kron(eye, W1)
    wo = jnp.kron(eye, Wo)
    b0r = jnp.tile(b0, PACK).reshape(1, -1)
    b1r = jnp.tile(b1, PACK).reshape(1, -1)
    bo2 = bo.reshape(1, 1)

    outs = []
    rows = [gather_kernel(euT, eiT, ubk[h], ibk[h], uco[h], ico[h])
            for h in range(2)]
    for h in range(2):
        u_rows, i_rows = rows[h]
        outs.append(_mlp_call(u_rows, i_rows, w0u, w0i, b0r, w1, b1r,
                              wo, bo2))
    return jnp.concatenate(outs, axis=0).reshape(batch)

# --- scband reference (transcript-rebuilt; emitter-appended) ---
"""Pipeline reference for scband-mlprec-model-42949673480 (READ-ONLY COPY).

The authoritative reference and input builder live on the scoring server;
editing this copy changes nothing except your own understanding.
"""

import jax, jax.numpy as jnp
import numpy as np

USER_NUM = 1000000
ITEM_NUM = 1000000
FACTOR = 32
LAYERS = [64, 32]
BATCH = 16384


def setup_inputs(seed: int = 0) -> dict:
    key = jax.random.key(seed)
    ks = jax.random.split(key, 12)
    user = jax.random.randint(ks[0], (BATCH,), 0, USER_NUM, dtype=jnp.int64 if jax.config.jax_enable_x64 else jnp.int32)
    item = jax.random.randint(ks[1], (BATCH,), 0, ITEM_NUM, dtype=jnp.int64 if jax.config.jax_enable_x64 else jnp.int32)
    # kaiming-normal-like init for embeddings
    embed_user = jax.random.normal(ks[2], (USER_NUM, FACTOR), dtype=jnp.float32) * np.sqrt(2.0 / FACTOR)
    embed_item = jax.random.normal(ks[3], (ITEM_NUM, FACTOR), dtype=jnp.float32) * np.sqrt(2.0 / FACTOR)
    in_dims = [2 * FACTOR] + LAYERS
    W0 = jax.random.normal(ks[4], (in_dims[0], LAYERS[0]), dtype=jnp.float32) * np.sqrt(1.0 / in_dims[0])
    b0 = jnp.zeros((LAYERS[0],), dtype=jnp.float32)
    W1 = jax.random.normal(ks[5], (in_dims[1], LAYERS[1]), dtype=jnp.float32) * np.sqrt(1.0 / in_dims[1])
    b1 = jnp.zeros((LAYERS[1],), dtype=jnp.float32)
    Wo = jax.random.normal(ks[6], (LAYERS[-1], 1), dtype=jnp.float32) * np.sqrt(1.0 / LAYERS[-1])
    bo = jnp.zeros((1,), dtype=jnp.float32)
    return {"user": user, "item": item, "embed_user": embed_user, "embed_item": embed_item,
            "W0": W0, "b0": b0, "W1": W1, "b1": b1, "Wo": Wo, "bo": bo}


def reference(user, item, embed_user, embed_item, W0, b0, W1, b1, Wo, bo):
    vec_user = jnp.take(embed_user, user, axis=0)
    vec_item = jnp.take(embed_item, item, axis=0)
    x = jnp.concatenate([vec_user, vec_item], axis=-1)
    x = jax.nn.relu(x @ W0 + b0)
    x = jax.nn.relu(x @ W1 + b1)
    prediction = (x @ Wo + bo).squeeze(-1)
    return prediction

if __name__ == "__main__":
    import jax
    _d = setup_inputs()
    print(jax.jit(kernel)(*tuple(_d.values())))

</pallas_src>

<mosaic_0001>
#map = affine_map<(d0, d1) -> (0, 0)>
#map1 = affine_map<(d0, d1) -> (0, 0, 0)>
module attributes {stable_mosaic.version = 14 : i64} {
  func.func @gather_kernel(%arg0: i32, %arg1: i32, %arg2: memref<32x1000000xf32, #tpu.memory_space<hbm>>, %arg3: memref<32x1000000xf32, #tpu.memory_space<hbm>>, %arg4: memref<32x2x128xi32, #tpu.memory_space<hbm>>, %arg5: memref<32x2x128xi32, #tpu.memory_space<hbm>>, %arg6: memref<32x2x128xi32, #tpu.memory_space<hbm>>, %arg7: memref<32x2x128xi32, #tpu.memory_space<hbm>>, %arg8: memref<2048x128xf32, #tpu.memory_space<hbm>>, %arg9: memref<2048x128xf32, #tpu.memory_space<hbm>>, %arg10: memref<2x128xi32, #tpu.memory_space<vmem>>, %arg11: memref<2x128xi32, #tpu.memory_space<vmem>>, %arg12: memref<2x128xi32, #tpu.memory_space<vmem>>, %arg13: memref<2x128xi32, #tpu.memory_space<vmem>>, %arg14: memref<2x8x32x128xf32, #tpu.memory_space<vmem>>, %arg15: memref<64x128xf32, #tpu.memory_space<vmem>>, %arg16: memref<64x128xf32, #tpu.memory_space<vmem>>, %arg17: memref<!tpu.dma_semaphore, #tpu.memory_space<semaphore_mem>>, %arg18: memref<!tpu.dma_semaphore, #tpu.memory_space<semaphore_mem>>) attributes {dimension_semantics = [#tpu.dimension_semantics<core_parallel>, #tpu.dimension_semantics<subcore_parallel>], iteration_bounds = array<i64: 2, 16>, scalar_prefetch = 0 : i64, scratch_operands = 9 : i64, tpu.core_type = #tpu.core_type<sc_vector_subcore>, window_params = [{transform_indices = #map}, {transform_indices = #map}, {transform_indices = #map1}, {transform_indices = #map1}, {transform_indices = #map1}, {transform_indices = #map1}, {transform_indices = #map}, {transform_indices = #map}]} {
    %mul3A = arith.constant 2 : i32
    %mul3A_0 = arith.muli %arg1, %mul3A : i32
    %add3A = arith.addi %mul3A_0, %arg0 : i32
    %mul3A_1 = arith.constant 64 : i32
    %mul3A_2 = arith.muli %add3A, %mul3A_1 : i32
    "tpu.region"() ({
      %run_scoped3A = tpu.sem_alloc : memref<!tpu.dma_semaphore, #tpu.memory_space<semaphore_mem>>
      %dma_start3A = arith.constant 0 : i32
      %dma_start3A_38 = arith.constant 0 : i32
      %dma_start3A_39 = tpu.memref_slice %arg4[%add3A, %dma_start3A, %dma_start3A_38] : memref<32x2x128xi32, #tpu.memory_space<hbm>> -> memref<1x2x128xi32, #tpu.memory_space<hbm>>
      %dma_start3A_40 = tpu.memref_squeeze %dma_start3A_39 : memref<1x2x128xi32, #tpu.memory_space<hbm>> -> memref<2x128xi32, #tpu.memory_space<hbm>>
      %dma_start3A_41 = arith.constant 0 : i32
      %dma_start3A_42 = arith.constant 0 : i32
      %dma_start3A_43 = tpu.memref_slice %arg4[%add3A, %dma_start3A_41, %dma_start3A_42] : memref<32x2x128xi32, #tpu.memory_space<hbm>> -> memref<1x2x128xi32, #tpu.memory_space<hbm>>
      %dma_start3A_44 = tpu.memref_squeeze %dma_start3A_43 : memref<1x2x128xi32, #tpu.memory_space<hbm>> -> memref<2x128xi32, #tpu.memory_space<hbm>>
      tpu.enqueue_dma source(%dma_start3A_44 : memref<2x128xi32, #tpu.memory_space<hbm>>) target(%arg10 : memref<2x128xi32, #tpu.memory_space<vmem>>) target_semaphore(%run_scoped3A : memref<!tpu.dma_semaphore, #tpu.memory_space<semaphore_mem>>)
      %dma_wait3A = arith.constant 0 : i32
      %dma_wait3A_45 = arith.constant 0 : i32
      %dma_wait3A_46 = tpu.memref_slice %arg4[%add3A, %dma_wait3A, %dma_wait3A_45] : memref<32x2x128xi32, #tpu.memory_space<hbm>> -> memref<1x2x128xi32, #tpu.memory_space<hbm>>
      %dma_wait3A_47 = tpu.memref_squeeze %dma_wait3A_46 : memref<1x2x128xi32, #tpu.memory_space<hbm>> -> memref<2x128xi32, #tpu.memory_space<hbm>>
      %dma_wait3A_48 = arith.constant 0 : i32
      %dma_wait3A_49 = arith.constant 0 : i32
      %dma_wait3A_50 = tpu.memref_slice %arg4[%add3A, %dma_wait3A_48, %dma_wait3A_49] : memref<32x2x128xi32, #tpu.memory_space<hbm>> -> memref<1x2x128xi32, #tpu.memory_space<hbm>>
      %dma_wait3A_51 = tpu.memref_squeeze %dma_wait3A_50 : memref<1x2x128xi32, #tpu.memory_space<hbm>> -> memref<2x128xi32, #tpu.memory_space<hbm>>
      tpu.wait_dma2 semaphore(%run_scoped3A : memref<!tpu.dma_semaphore, #tpu.memory_space<semaphore_mem>>) src(%dma_wait3A_51 : memref<2x128xi32, #tpu.memory_space<hbm>>) dst(%arg10 : memref<2x128xi32, #tpu.memory_space<vmem>>)
      tpu.yield
    }) : () -> ()
    "tpu.region"() ({
      %run_scoped3A = tpu.sem_alloc : memref<!tpu.dma_semaphore, #tpu.memory_space<semaphore_mem>>
      %dma_start3A = arith.constant 0 : i32
      %dma_start3A_38 = arith.constant 0 : i32
      %dma_start3A_39 = tpu.memref_slice %arg5[%add3A, %dma_start3A, %dma_start3A_38] : memref<32x2x128xi32, #tpu.memory_space<hbm>> -> memref<1x2x128xi32, #tpu.memory_space<hbm>>
      %dma_start3A_40 = tpu.memref_squeeze %dma_start3A_39 : memref<1x2x128xi32, #tpu.memory_space<hbm>> -> memref<2x128xi32, #tpu.memory_space<hbm>>
      %dma_start3A_41 = arith.constant 0 : i32
      %dma_start3A_42 = arith.constant 0 : i32
      %dma_start3A_43 = tpu.memref_slice %arg5[%add3A, %dma_start3A_41, %dma_start3A_42] : memref<32x2x128xi32, #tpu.memory_space<hbm>> -> memref<1x2x128xi32, #tpu.memory_space<hbm>>
      %dma_start3A_44 = tpu.memref_squeeze %dma_start3A_43 : memref<1x2x128xi32, #tpu.memory_space<hbm>> -> memref<2x128xi32, #tpu.memory_space<hbm>>
      tpu.enqueue_dma source(%dma_start3A_44 : memref<2x128xi32, #tpu.memory_space<hbm>>) target(%arg11 : memref<2x128xi32, #tpu.memory_space<vmem>>) target_semaphore(%run_scoped3A : memref<!tpu.dma_semaphore, #tpu.memory_space<semaphore_mem>>)
      %dma_wait3A = arith.constant 0 : i32
      %dma_wait3A_45 = arith.constant 0 : i32
      %dma_wait3A_46 = tpu.memref_slice %arg5[%add3A, %dma_wait3A, %dma_wait3A_45] : memref<32x2x128xi32, #tpu.memory_space<hbm>> -> memref<1x2x128xi32, #tpu.memory_space<hbm>>
      %dma_wait3A_47 = tpu.memref_squeeze %dma_wait3A_46 : memref<1x2x128xi32, #tpu.memory_space<hbm>> -> memref<2x128xi32, #tpu.memory_space<hbm>>
      %dma_wait3A_48 = arith.constant 0 : i32
      %dma_wait3A_49 = arith.constant 0 : i32
      %dma_wait3A_50 = tpu.memref_slice %arg5[%add3A, %dma_wait3A_48, %dma_wait3A_49] : memref<32x2x128xi32, #tpu.memory_space<hbm>> -> memref<1x2x128xi32, #tpu.memory_space<hbm>>
      %dma_wait3A_51 = tpu.memref_squeeze %dma_wait3A_50 : memref<1x2x128xi32, #tpu.memory_space<hbm>> -> memref<2x128xi32, #tpu.memory_space<hbm>>
      tpu.wait_dma2 semaphore(%run_scoped3A : memref<!tpu.dma_semaphore, #tpu.memory_space<semaphore_mem>>) src(%dma_wait3A_51 : memref<2x128xi32, #tpu.memory_space<hbm>>) dst(%arg11 : memref<2x128xi32, #tpu.memory_space<vmem>>)
      tpu.yield
    }) : () -> ()
    "tpu.region"() ({
      %run_scoped3A = tpu.sem_alloc : memref<!tpu.dma_semaphore, #tpu.memory_space<semaphore_mem>>
      %dma_start3A = arith.constant 0 : i32
      %dma_start3A_38 = arith.constant 0 : i32
      %dma_start3A_39 = tpu.memref_slice %arg6[%add3A, %dma_start3A, %dma_start3A_38] : memref<32x2x128xi32, #tpu.memory_space<hbm>> -> memref<1x2x128xi32, #tpu.memory_space<hbm>>
      %dma_start3A_40 = tpu.memref_squeeze %dma_start3A_39 : memref<1x2x128xi32, #tpu.memory_space<hbm>> -> memref<2x128xi32, #tpu.memory_space<hbm>>
      %dma_start3A_41 = arith.constant 0 : i32
      %dma_start3A_42 = arith.constant 0 : i32
      %dma_start3A_43 = tpu.memref_slice %arg6[%add3A, %dma_start3A_41, %dma_start3A_42] : memref<32x2x128xi32, #tpu.memory_space<hbm>> -> memref<1x2x128xi32, #tpu.memory_space<hbm>>
      %dma_start3A_44 = tpu.memref_squeeze %dma_start3A_43 : memref<1x2x128xi32, #tpu.memory_space<hbm>> -> memref<2x128xi32, #tpu.memory_space<hbm>>
      tpu.enqueue_dma source(%dma_start3A_44 : memref<2x128xi32, #tpu.memory_space<hbm>>) target(%arg12 : memref<2x128xi32, #tpu.memory_space<vmem>>) target_semaphore(%run_scoped3A : memref<!tpu.dma_semaphore, #tpu.memory_space<semaphore_mem>>)
      %dma_wait3A = arith.constant 0 : i32
      %dma_wait3A_45 = arith.constant 0 : i32
      %dma_wait3A_46 = tpu.memref_slice %arg6[%add3A, %dma_wait3A, %dma_wait3A_45] : memref<32x2x128xi32, #tpu.memory_space<hbm>> -> memref<1x2x128xi32, #tpu.memory_space<hbm>>
      %dma_wait3A_47 = tpu.memref_squeeze %dma_wait3A_46 : memref<1x2x128xi32, #tpu.memory_space<hbm>> -> memref<2x128xi32, #tpu.memory_space<hbm>>
      %dma_wait3A_48 = arith.constant 0 : i32
      %dma_wait3A_49 = arith.constant 0 : i32
      %dma_wait3A_50 = tpu.memref_slice %arg6[%add3A, %dma_wait3A_48, %dma_wait3A_49] : memref<32x2x128xi32, #tpu.memory_space<hbm>> -> memref<1x2x128xi32, #tpu.memory_space<hbm>>
      %dma_wait3A_51 = tpu.memref_squeeze %dma_wait3A_50 : memref<1x2x128xi32, #tpu.memory_space<hbm>> -> memref<2x128xi32, #tpu.memory_space<hbm>>
      tpu.wait_dma2 semaphore(%run_scoped3A : memref<!tpu.dma_semaphore, #tpu.memory_space<semaphore_mem>>) src(%dma_wait3A_51 : memref<2x128xi32, #tpu.memory_space<hbm>>) dst(%arg12 : memref<2x128xi32, #tpu.memory_space<vmem>>)
      tpu.yield
    }) : () -> ()
    "tpu.region"() ({
      %run_scoped3A = tpu.sem_alloc : memref<!tpu.dma_semaphore, #tpu.memory_space<semaphore_mem>>
      %dma_start3A = arith.constant 0 : i32
      %dma_start3A_38 = arith.constant 0 : i32
      %dma_start3A_39 = tpu.memref_slice %arg7[%add3A, %dma_start3A, %dma_start3A_38] : memref<32x2x128xi32, #tpu.memory_space<hbm>> -> memref<1x2x128xi32, #tpu.memory_space<hbm>>
      %dma_start3A_40 = tpu.memref_squeeze %dma_start3A_39 : memref<1x2x128xi32, #tpu.memory_space<hbm>> -> memref<2x128xi32, #tpu.memory_space<hbm>>
      %dma_start3A_41 = arith.constant 0 : i32
      %dma_start3A_42 = arith.constant 0 : i32
      %dma_start3A_43 = tpu.memref_slice %arg7[%add3A, %dma_start3A_41, %dma_start3A_42] : memref<32x2x128xi32, #tpu.memory_space<hbm>> -> memref<1x2x128xi32, #tpu.memory_space<hbm>>
      %dma_start3A_44 = tpu.memref_squeeze %dma_start3A_43 : memref<1x2x128xi32, #tpu.memory_space<hbm>> -> memref<2x128xi32, #tpu.memory_space<hbm>>
      tpu.enqueue_dma source(%dma_start3A_44 : memref<2x128xi32, #tpu.memory_space<hbm>>) target(%arg13 : memref<2x128xi32, #tpu.memory_space<vmem>>) target_semaphore(%run_scoped3A : memref<!tpu.dma_semaphore, #tpu.memory_space<semaphore_mem>>)
      %dma_wait3A = arith.constant 0 : i32
      %dma_wait3A_45 = arith.constant 0 : i32
      %dma_wait3A_46 = tpu.memref_slice %arg7[%add3A, %dma_wait3A, %dma_wait3A_45] : memref<32x2x128xi32, #tpu.memory_space<hbm>> -> memref<1x2x128xi32, #tpu.memory_space<hbm>>
      %dma_wait3A_47 = tpu.memref_squeeze %dma_wait3A_46 : memref<1x2x128xi32, #tpu.memory_space<hbm>> -> memref<2x128xi32, #tpu.memory_space<hbm>>
      %dma_wait3A_48 = arith.constant 0 : i32
      %dma_wait3A_49 = arith.constant 0 : i32
      %dma_wait3A_50 = tpu.memref_slice %arg7[%add3A, %dma_wait3A_48, %dma_wait3A_49] : memref<32x2x128xi32, #tpu.memory_space<hbm>> -> memref<1x2x128xi32, #tpu.memory_space<hbm>>
      %dma_wait3A_51 = tpu.memref_squeeze %dma_wait3A_50 : memref<1x2x128xi32, #tpu.memory_space<hbm>> -> memref<2x128xi32, #tpu.memory_space<hbm>>
      tpu.wait_dma2 semaphore(%run_scoped3A : memref<!tpu.dma_semaphore, #tpu.memory_space<semaphore_mem>>) src(%dma_wait3A_51 : memref<2x128xi32, #tpu.memory_space<hbm>>) dst(%arg13 : memref<2x128xi32, #tpu.memory_space<vmem>>)
      tpu.yield
    }) : () -> ()
    %iota3A = tpu.iota {dimensions = array<i32: 0>} : vector<16xi32>
    %add3A_3 = arith.constant 16 : i32
    %add3A_4 = vector.broadcast %add3A_3 : i32 to vector<16xi32>
    %add3A_5 = arith.addi %iota3A, %add3A_4 : vector<16xi32>
    %and3A = arith.constant 0 : i32
    %and3A_6 = arith.constant 1 : i32
    %and3A_7 = arith.andi %and3A, %and3A_6 : i32
    %scan3A = arith.constant 0 : i32
    %scan3A_8 = arith.constant 0 : i32
    %scan3A_9 = arith.constant 8 : i32
    %scan3A_10 = arith.addi %scan3A_8, %scan3A_9 : i32
    %scan3A_11 = arith.constant 1 : i32
    %scan3A_12 = scf.for %scan3A_38 = %scan3A_8 to %scan3A_10 step %scan3A_11 iter_args(%scan3A_39 = %scan3A) -> (i32)  : i32 {
      %add3A_40 = arith.constant 0 : i32
      %add3A_41 = arith.addi %add3A_40, %scan3A_38 : i32
      %jit3A = arith.constant 128 : i32
      %div3A = arith.divsi %add3A_41, %jit3A : i32
      %sign3A = arith.constant 0 : i32
      %sign3A_42 = arith.cmpi sgt, %add3A_41, %sign3A : i32
      %sign3A_43 = arith.extui %sign3A_42 : i1 to i32
      %sign3A_44 = arith.constant 0 : i32
      %sign3A_45 = arith.cmpi slt, %add3A_41, %sign3A_44 : i32
      %sign3A_46 = arith.extui %sign3A_45 : i1 to i32
      %sign3A_47 = arith.subi %sign3A_43, %sign3A_46 : i32
      %sign3A_48 = arith.constant 0 : i32
      %sign3A_49 = arith.cmpi sgt, %jit3A, %sign3A_48 : i32
      %sign3A_50 = arith.extui %sign3A_49 : i1 to i32
      %sign3A_51 = arith.constant 0 : i32
      %sign3A_52 = arith.cmpi slt, %jit3A, %sign3A_51 : i32
      %sign3A_53 = arith.extui %sign3A_52 : i1 to i32
      %sign3A_54 = arith.subi %sign3A_50, %sign3A_53 : i32
      %ne3A = arith.cmpi ne, %sign3A_47, %sign3A_54 : i32
      %rem3A = arith.remsi %add3A_41, %jit3A : i32
      %ne3A_55 = arith.constant 0 : i32
      %ne3A_56 = arith.cmpi ne, %rem3A, %ne3A_55 : i32
      %and3A_57 = arith.andi %ne3A, %ne3A_56 : i1
      %sub3A = arith.constant 1 : i32
      %sub3A_58 = arith.subi %div3A, %sub3A : i32
      %select_n3A = arith.select %and3A_57, %sub3A_58, %div3A : i32
      %broadcast_in_dim3A = vector.broadcast %select_n3A : i32 to vector<16xi32>
      %jit3A_59 = arith.constant 128 : i32
      %eq3A = arith.constant 0 : i32
      %eq3A_60 = arith.cmpi eq, %jit3A_59, %eq3A : i32
      %jit3A_61 = arith.constant 1 : i32
      %select_n3A_62 = arith.select %eq3A_60, %jit3A_61, %jit3A_59 : i32
      %rem3A_63 = arith.remsi %add3A_41, %select_n3A_62 : i32
      %ne3A_64 = arith.constant 0 : i32
      %ne3A_65 = arith.cmpi ne, %rem3A_63, %ne3A_64 : i32
      %lt3A = arith.constant 0 : i32
      %lt3A_66 = arith.cmpi slt, %rem3A_63, %lt3A : i32
      %lt3A_67 = arith.constant 0 : i32
      %lt3A_68 = arith.cmpi slt, %select_n3A_62, %lt3A_67 : i32
      %ne3A_69 = arith.xori %lt3A_66, %lt3A_68 : i1
      %and3A_70 = arith.andi %ne3A_69, %ne3A_65 : i1
      %add3A_71 = arith.addi %rem3A_63, %select_n3A_62 : i32
      %select_n3A_72 = arith.select %and3A_70, %add3A_71, %rem3A_63 : i32
      %broadcast_in_dim3A_73 = vector.broadcast %select_n3A_72 : i32 to vector<16xi32>
      %gather3A = tpu.vector_load_idx %arg10[%broadcast_in_dim3A, %broadcast_in_dim3A_73] : memref<2x128xi32, #tpu.memory_space<vmem>>[vector<16xi32>, vector<16xi32>], vector<16xi32>,
      %reduce_max3A = arith.constant true
      %reduce_max3A_74 = vector.broadcast %reduce_max3A : i1 to vector<16xi1>
      %reduce_max3A_75 = arith.constant -2147483648 : i32
      %reduce_max3A_76 = vector.broadcast %reduce_max3A_75 : i32 to vector<16xi32>
      %reduce_max3A_77 = arith.xori %gather3A, %reduce_max3A_76 : vector<16xi32>
      %reduce_max3A_78 = tpu.scan <max>, %reduce_max3A_77 masked %reduce_max3A_74 : vector<16xi32>, vector<16xi1> -> vector<16xi32>
      %reduce_max3A_79 = arith.xori %reduce_max3A_78, %reduce_max3A_76 : vector<16xi32>
      %reduce_max3A_80 = vector.extract %reduce_max3A_79[15] : i32 from vector<16xi32>
      %mul3A_81 = arith.constant 128 : i32
      %mul3A_82 = arith.muli %reduce_max3A_80, %mul3A_81 : i32
      %multiple_of3A = tpu.assume_multiple %mul3A_82, 128 : i32
      %eq3A_83 = arith.constant 0 : i32
      %eq3A_84 = arith.cmpi eq, %and3A_7, %eq3A_83 : i32
      %convert_element_type3A = arith.extui %eq3A_84 : i1 to i32
      %cond3A = arith.constant 0 : i32
      %cond3A_85 = arith.constant 0 : i32
      %cond3A_86 = arith.cmpi ne, %convert_element_type3A, %cond3A_85 : i32
      scf.if %cond3A_86 {
        %dma_start3A = arith.constant 0 : i32
        %dma_start3A_94 = arith.constant 0 : i32
        %dma_start3A_95 = tpu.memref_slice %arg14[%cond3A, %scan3A_38, %dma_start3A, %dma_start3A_94] : memref<2x8x32x128xf32, #tpu.memory_space<vmem>> -> memref<1x1x32x128xf32, #tpu.memory_space<vmem>>
        %dma_start3A_96 = tpu.memref_squeeze %dma_start3A_95 : memref<1x1x32x128xf32, #tpu.memory_space<vmem>> -> memref<32x128xf32, #tpu.memory_space<vmem>>
        %dma_start3A_97 = arith.constant 0 : i32
        %dma_start3A_98 = tpu.memref_slice %arg2[%dma_start3A_97, %multiple_of3A] : memref<32x1000000xf32, #tpu.memory_space<hbm>> -> memref<32x128xf32, #tpu.memory_space<hbm>>
        %dma_start3A_99 = arith.constant 0 : i32
        %dma_start3A_100 = arith.constant 0 : i32
        %dma_start3A_101 = tpu.memref_slice %arg14[%cond3A, %scan3A_38, %dma_start3A_99, %dma_start3A_100] : memref<2x8x32x128xf32, #tpu.memory_space<vmem>> -> memref<1x1x32x128xf32, #tpu.memory_space<vmem>>
        %dma_start3A_102 = tpu.memref_squeeze %dma_start3A_101 : memref<1x1x32x128xf32, #tpu.memory_space<vmem>> -> memref<32x128xf32, #tpu.memory_space<vmem>>
        %dma_start3A_103 = arith.constant 0 : i32
        %dma_start3A_104 = tpu.memref_slice %arg2[%dma_start3A_103, %multiple_of3A] : memref<32x1000000xf32, #tpu.memory_space<hbm>> -> memref<32x128xf32, #tpu.memory_space<hbm>>
        tpu.enqueue_dma source(%dma_start3A_104 : memref<32x128xf32, #tpu.memory_space<hbm>>) target(%dma_start3A_102 : memref<32x128xf32, #tpu.memory_space<vmem>>) target_semaphore(%arg17 : memref<!tpu.dma_semaphore, #tpu.memory_space<semaphore_mem>>)
      } else {
      }
      %eq3A_87 = arith.constant 1 : i32
      %eq3A_88 = arith.cmpi eq, %and3A_7, %eq3A_87 : i32
      %convert_element_type3A_89 = arith.extui %eq3A_88 : i1 to i32
      %cond3A_90 = arith.constant 1 : i32
      %cond3A_91 = arith.constant 0 : i32
      %cond3A_92 = arith.cmpi ne, %convert_element_type3A_89, %cond3A_91 : i32
      scf.if %cond3A_92 {
        %dma_start3A = arith.constant 0 : i32
        %dma_start3A_94 = arith.constant 0 : i32
        %dma_start3A_95 = tpu.memref_slice %arg14[%cond3A_90, %scan3A_38, %dma_start3A, %dma_start3A_94] : memref<2x8x32x128xf32, #tpu.memory_space<vmem>> -> memref<1x1x32x128xf32, #tpu.memory_space<vmem>>
        %dma_start3A_96 = tpu.memref_squeeze %dma_start3A_95 : memref<1x1x32x128xf32, #tpu.memory_space<vmem>> -> memref<32x128xf32, #tpu.memory_space<vmem>>
        %dma_start3A_97 = arith.constant 0 : i32
        %dma_start3A_98 = tpu.memref_slice %arg2[%dma_start3A_97, %multiple_of3A] : memref<32x1000000xf32, #tpu.memory_space<hbm>> -> memref<32x128xf32, #tpu.memory_space<hbm>>
        %dma_start3A_99 = arith.constant 0 : i32
        %dma_start3A_100 = arith.constant 0 : i32
        %dma_start3A_101 = tpu.memref_slice %arg14[%cond3A_90, %scan3A_38, %dma_start3A_99, %dma_start3A_100] : memref<2x8x32x128xf32, #tpu.memory_space<vmem>> -> memref<1x1x32x128xf32, #tpu.memory_space<vmem>>
        %dma_start3A_102 = tpu.memref_squeeze %dma_start3A_101 : memref<1x1x32x128xf32, #tpu.memory_space<vmem>> -> memref<32x128xf32, #tpu.memory_space<vmem>>
        %dma_start3A_103 = arith.constant 0 : i32
        %dma_start3A_104 = tpu.memref_slice %arg2[%dma_start3A_103, %multiple_of3A] : memref<32x1000000xf32, #tpu.memory_space<hbm>> -> memref<32x128xf32, #tpu.memory_space<hbm>>
        tpu.enqueue_dma source(%dma_start3A_104 : memref<32x128xf32, #tpu.memory_space<hbm>>) target(%dma_start3A_102 : memref<32x128xf32, #tpu.memory_space<vmem>>) target_semaphore(%arg18 : memref<!tpu.dma_semaphore, #tpu.memory_space<semaphore_mem>>)
      } else {
      }
      %scan3A_93 = arith.constant 0 : i32
      scf.yield %scan3A_93 : i32
    }
    %scan3A_13 = arith.constant 8 : i32
    %scan3A_14 = arith.constant 0 : i32
    %scan3A_15 = arith.constant 0 : i32
    %scan3A_16 = arith.constant 32 : i32
    %scan3A_17 = arith.addi %scan3A_15, %scan3A_16 : i32
    %scan3A_18 = arith.constant 1 : i32
    %scan3A_19 = scf.for %scan3A_38 = %scan3A_15 to %scan3A_17 step %scan3A_18 iter_args(%scan3A_39 = %scan3A_14) -> (i32)  : i32 {
      %and3A_40 = arith.constant 1 : i32
      %and3A_41 = arith.andi %scan3A_38, %and3A_40 : i32
      %scan3A_42 = arith.constant 0 : i32
      %scan3A_43 = arith.constant 0 : i32
      %scan3A_44 = arith.constant 8 : i32
      %scan3A_45 = arith.addi %scan3A_43, %scan3A_44 : i32
      %scan3A_46 = arith.constant 1 : i32
      %scan3A_47 = scf.for %scan3A_63 = %scan3A_43 to %scan3A_45 step %scan3A_46 iter_args(%scan3A_64 = %scan3A_42) -> (i32)  : i32 {
        %eq3A = arith.constant 0 : i32
        %eq3A_65 = arith.cmpi eq, %and3A_41, %eq3A : i32
        %convert_element_type3A_66 = arith.extui %eq3A_65 : i1 to i32
        %cond3A_67 = arith.constant 0 : i32
        %cond3A_68 = arith.cmpi ne, %convert_element_type3A_66, %cond3A_67 : i32
        scf.if %cond3A_68 {
          %dma_wait3A = arith.constant 0 : i32
          %dma_wait3A_75 = arith.constant 0 : i32
          %dma_wait3A_76 = arith.constant 0 : i32
          %dma_wait3A_77 = tpu.memref_slice %arg14[%dma_wait3A, %scan3A_63, %dma_wait3A_75, %dma_wait3A_76] : memref<2x8x32x128xf32, #tpu.memory_space<vmem>> -> memref<1x1x32x128xf32, #tpu.memory_space<vmem>>
          %dma_wait3A_78 = tpu.memref_squeeze %dma_wait3A_77 : memref<1x1x32x128xf32, #tpu.memory_space<vmem>> -> memref<32x128xf32, #tpu.memory_space<vmem>>
          %dma_wait3A_79 = arith.constant 0 : i32
          %dma_wait3A_80 = arith.constant 0 : i32
          %dma_wait3A_81 = tpu.memref_slice %arg2[%dma_wait3A_79, %dma_wait3A_80] : memref<32x1000000xf32, #tpu.memory_space<hbm>> -> memref<32x128xf32, #tpu.memory_space<hbm>>
          %dma_wait3A_82 = arith.constant 0 : i32
          %dma_wait3A_83 = arith.constant 0 : i32
          %dma_wait3A_84 = tpu.memref_slice %arg14[%dma_wait3A, %scan3A_63, %dma_wait3A_82, %dma_wait3A_83] : memref<2x8x32x128xf32, #tpu.memory_space<vmem>> -> memref<1x1x32x128xf32, #tpu.memory_space<vmem>>
          %dma_wait3A_85 = tpu.memref_squeeze %dma_wait3A_84 : memref<1x1x32x128xf32, #tpu.memory_space<vmem>> -> memref<32x128xf32, #tpu.memory_space<vmem>>
          %dma_wait3A_86 = arith.constant 0 : i32
          %dma_wait3A_87 = arith.constant 0 : i32
          %dma_wait3A_88 = tpu.memref_slice %arg2[%dma_wait3A_86, %dma_wait3A_87] : memref<32x1000000xf32, #tpu.memory_space<hbm>> -> memref<32x128xf32, #tpu.memory_space<hbm>>
          tpu.wait_dma2 semaphore(%arg17 : memref<!tpu.dma_semaphore, #tpu.memory_space<semaphore_mem>>) src(%dma_wait3A_88 : memref<32x128xf32, #tpu.memory_space<hbm>>) dst(%dma_wait3A_85 : memref<32x128xf32, #tpu.memory_space<vmem>>)
        } else {
        }
        %eq3A_69 = arith.constant 1 : i32
        %eq3A_70 = arith.cmpi eq, %and3A_41, %eq3A_69 : i32
        %convert_element_type3A_71 = arith.extui %eq3A_70 : i1 to i32
        %cond3A_72 = arith.constant 0 : i32
        %cond3A_73 = arith.cmpi ne, %convert_element_type3A_71, %cond3A_72 : i32
        scf.if %cond3A_73 {
          %dma_wait3A = arith.constant 1 : i32
          %dma_wait3A_75 = arith.constant 0 : i32
          %dma_wait3A_76 = arith.constant 0 : i32
          %dma_wait3A_77 = tpu.memref_slice %arg14[%dma_wait3A, %scan3A_63, %dma_wait3A_75, %dma_wait3A_76] : memref<2x8x32x128xf32, #tpu.memory_space<vmem>> -> memref<1x1x32x128xf32, #tpu.memory_space<vmem>>
          %dma_wait3A_78 = tpu.memref_squeeze %dma_wait3A_77 : memref<1x1x32x128xf32, #tpu.memory_space<vmem>> -> memref<32x128xf32, #tpu.memory_space<vmem>>
          %dma_wait3A_79 = arith.constant 0 : i32
          %dma_wait3A_80 = arith.constant 0 : i32
          %dma_wait3A_81 = tpu.memref_slice %arg2[%dma_wait3A_79, %dma_wait3A_80] : memref<32x1000000xf32, #tpu.memory_space<hbm>> -> memref<32x128xf32, #tpu.memory_space<hbm>>
          %dma_wait3A_82 = arith.constant 0 : i32
          %dma_wait3A_83 = arith.constant 0 : i32
          %dma_wait3A_84 = tpu.memref_slice %arg14[%dma_wait3A, %scan3A_63, %dma_wait3A_82, %dma_wait3A_83] : memref<2x8x32x128xf32, #tpu.memory_space<vmem>> -> memref<1x1x32x128xf32, #tpu.memory_space<vmem>>
          %dma_wait3A_85 = tpu.memref_squeeze %dma_wait3A_84 : memref<1x1x32x128xf32, #tpu.memory_space<vmem>> -> memref<32x128xf32, #tpu.memory_space<vmem>>
          %dma_wait3A_86 = arith.constant 0 : i32
          %dma_wait3A_87 = arith.constant 0 : i32
          %dma_wait3A_88 = tpu.memref_slice %arg2[%dma_wait3A_86, %dma_wait3A_87] : memref<32x1000000xf32, #tpu.memory_space<hbm>> -> memref<32x128xf32, #tpu.memory_space<hbm>>
          tpu.wait_dma2 semaphore(%arg18 : memref<!tpu.dma_semaphore, #tpu.memory_space<semaphore_mem>>) src(%dma_wait3A_88 : memref<32x128xf32, #tpu.memory_space<hbm>>) dst(%dma_wait3A_85 : memref<32x128xf32, #tpu.memory_space<vmem>>)
        } else {
        }
        %scan3A_74 = arith.constant 0 : i32
        scf.yield %scan3A_74 : i32
      }
      %scan3A_48 = arith.constant 8 : i32
      %add3A_49 = arith.constant 1 : i32
      %add3A_50 = arith.addi %scan3A_38, %add3A_49 : i32
      %lt3A = arith.constant 32 : i32
      %lt3A_51 = arith.cmpi slt, %add3A_50, %lt3A : i32
      %convert_element_type3A = arith.extui %lt3A_51 : i1 to i32
      %cond3A = arith.constant 0 : i32
      %cond3A_52 = arith.cmpi ne, %convert_element_type3A, %cond3A : i32
      scf.if %cond3A_52 {
        %add3A_63 = arith.constant 1 : i32
        %add3A_64 = arith.addi %scan3A_38, %add3A_63 : i32
        %and3A_65 = arith.constant 1 : i32
        %and3A_66 = arith.andi %add3A_64, %and3A_65 : i32
        %scan3A_67 = arith.constant 0 : i32
        %scan3A_68 = arith.constant 0 : i32
        %scan3A_69 = arith.constant 8 : i32
        %scan3A_70 = arith.addi %scan3A_68, %scan3A_69 : i32
        %scan3A_71 = arith.constant 1 : i32
        %scan3A_72 = scf.for %scan3A_74 = %scan3A_68 to %scan3A_70 step %scan3A_71 iter_args(%scan3A_75 = %scan3A_67) -> (i32)  : i32 {
          %mul3A_76 = arith.constant 8 : i32
          %mul3A_77 = arith.muli %add3A_64, %mul3A_76 : i32
          %add3A_78 = arith.addi %mul3A_77, %scan3A_74 : i32
          %jit3A = arith.constant 128 : i32
          %div3A = arith.divsi %add3A_78, %jit3A : i32
          %sign3A = arith.constant 0 : i32
          %sign3A_79 = arith.cmpi sgt, %add3A_78, %sign3A : i32
          %sign3A_80 = arith.extui %sign3A_79 : i1 to i32
          %sign3A_81 = arith.constant 0 : i32
          %sign3A_82 = arith.cmpi slt, %add3A_78, %sign3A_81 : i32
          %sign3A_83 = arith.extui %sign3A_82 : i1 to i32
          %sign3A_84 = arith.subi %sign3A_80, %sign3A_83 : i32
          %sign3A_85 = arith.constant 0 : i32
          %sign3A_86 = arith.cmpi sgt, %jit3A, %sign3A_85 : i32
          %sign3A_87 = arith.extui %sign3A_86 : i1 to i32
          %sign3A_88 = arith.constant 0 : i32
          %sign3A_89 = arith.cmpi slt, %jit3A, %sign3A_88 : i32
          %sign3A_90 = arith.extui %sign3A_89 : i1 to i32
          %sign3A_91 = arith.subi %sign3A_87, %sign3A_90 : i32
          %ne3A = arith.cmpi ne, %sign3A_84, %sign3A_91 : i32
          %rem3A = arith.remsi %add3A_78, %jit3A : i32
          %ne3A_92 = arith.constant 0 : i32
          %ne3A_93 = arith.cmpi ne, %rem3A, %ne3A_92 : i32
          %and3A_94 = arith.andi %ne3A, %ne3A_93 : i1
          %sub3A = arith.constant 1 : i32
          %sub3A_95 = arith.subi %div3A, %sub3A : i32
          %select_n3A = arith.select %and3A_94, %sub3A_95, %div3A : i32
          %broadcast_in_dim3A = vector.broadcast %select_n3A : i32 to vector<16xi32>
          %jit3A_96 = arith.constant 128 : i32
          %eq3A = arith.constant 0 : i32
          %eq3A_97 = arith.cmpi eq, %jit3A_96, %eq3A : i32
          %jit3A_98 = arith.constant 1 : i32
          %select_n3A_99 = arith.select %eq3A_97, %jit3A_98, %jit3A_96 : i32
          %rem3A_100 = arith.remsi %add3A_78, %select_n3A_99 : i32
          %ne3A_101 = arith.constant 0 : i32
          %ne3A_102 = arith.cmpi ne, %rem3A_100, %ne3A_101 : i32
          %lt3A_103 = arith.constant 0 : i32
          %lt3A_104 = arith.cmpi slt, %rem3A_100, %lt3A_103 : i32
          %lt3A_105 = arith.constant 0 : i32
          %lt3A_106 = arith.cmpi slt, %select_n3A_99, %lt3A_105 : i32
          %ne3A_107 = arith.xori %lt3A_104, %lt3A_106 : i1
          %and3A_108 = arith.andi %ne3A_107, %ne3A_102 : i1
          %add3A_109 = arith.addi %rem3A_100, %select_n3A_99 : i32
          %select_n3A_110 = arith.select %and3A_108, %add3A_109, %rem3A_100 : i32
          %broadcast_in_dim3A_111 = vector.broadcast %select_n3A_110 : i32 to vector<16xi32>
          %gather3A = tpu.vector_load_idx %arg10[%broadcast_in_dim3A, %broadcast_in_dim3A_111] : memref<2x128xi32, #tpu.memory_space<vmem>>[vector<16xi32>, vector<16xi32>], vector<16xi32>,
          %reduce_max3A = arith.constant true
          %reduce_max3A_112 = vector.broadcast %reduce_max3A : i1 to vector<16xi1>
          %reduce_max3A_113 = arith.constant -2147483648 : i32
          %reduce_max3A_114 = vector.broadcast %reduce_max3A_113 : i32 to vector<16xi32>
          %reduce_max3A_115 = arith.xori %gather3A, %reduce_max3A_114 : vector<16xi32>
          %reduce_max3A_116 = tpu.scan <max>, %reduce_max3A_115 masked %reduce_max3A_112 : vector<16xi32>, vector<16xi1> -> vector<16xi32>
          %reduce_max3A_117 = arith.xori %reduce_max3A_116, %reduce_max3A_114 : vector<16xi32>
          %reduce_max3A_118 = vector.extract %reduce_max3A_117[15] : i32 from vector<16xi32>
          %mul3A_119 = arith.constant 128 : i32
          %mul3A_120 = arith.muli %reduce_max3A_118, %mul3A_119 : i32
          %multiple_of3A = tpu.assume_multiple %mul3A_120, 128 : i32
          %eq3A_121 = arith.constant 0 : i32
          %eq3A_122 = arith.cmpi eq, %and3A_66, %eq3A_121 : i32
          %convert_element_type3A_123 = arith.extui %eq3A_122 : i1 to i32
          %cond3A_124 = arith.constant 0 : i32
          %cond3A_125 = arith.constant 0 : i32
          %cond3A_126 = arith.cmpi ne, %convert_element_type3A_123, %cond3A_125 : i32
          scf.if %cond3A_126 {
            %dma_start3A = arith.constant 0 : i32
            %dma_start3A_134 = arith.constant 0 : i32
            %dma_start3A_135 = tpu.memref_slice %arg14[%cond3A_124, %scan3A_74, %dma_start3A, %dma_start3A_134] : memref<2x8x32x128xf32, #tpu.memory_space<vmem>> -> memref<1x1x32x128xf32, #tpu.memory_space<vmem>>
            %dma_start3A_136 = tpu.memref_squeeze %dma_start3A_135 : memref<1x1x32x128xf32, #tpu.memory_space<vmem>> -> memref<32x128xf32, #tpu.memory_space<vmem>>
            %dma_start3A_137 = arith.constant 0 : i32
            %dma_start3A_138 = tpu.memref_slice %arg2[%dma_start3A_137, %multiple_of3A] : memref<32x1000000xf32, #tpu.memory_space<hbm>> -> memref<32x128xf32, #tpu.memory_space<hbm>>
            %dma_start3A_139 = arith.constant 0 : i32
            %dma_start3A_140 = arith.constant 0 : i32
            %dma_start3A_141 = tpu.memref_slice %arg14[%cond3A_124, %scan3A_74, %dma_start3A_139, %dma_start3A_140] : memref<2x8x32x128xf32, #tpu.memory_space<vmem>> -> memref<1x1x32x128xf32, #tpu.memory_space<vmem>>
            %dma_start3A_142 = tpu.memref_squeeze %dma_start3A_141 : memref<1x1x32x128xf32, #tpu.memory_space<vmem>> -> memref<32x128xf32, #tpu.memory_space<vmem>>
            %dma_start3A_143 = arith.constant 0 : i32
            %dma_start3A_144 = tpu.memref_slice %arg2[%dma_start3A_143, %multiple_of3A] : memref<32x1000000xf32, #tpu.memory_space<hbm>> -> memref<32x128xf32, #tpu.memory_space<hbm>>
            tpu.enqueue_dma source(%dma_start3A_144 : memref<32x128xf32, #tpu.memory_space<hbm>>) target(%dma_start3A_142 : memref<32x128xf32, #tpu.memory_space<vmem>>) target_semaphore(%arg17 : memref<!tpu.dma_semaphore, #tpu.memory_space<semaphore_mem>>)
          } else {
          }
          %eq3A_127 = arith.constant 1 : i32
          %eq3A_128 = arith.cmpi eq, %and3A_66, %eq3A_127 : i32
          %convert_element_type3A_129 = arith.extui %eq3A_128 : i1 to i32
          %cond3A_130 = arith.constant 1 : i32
          %cond3A_131 = arith.constant 0 : i32
          %cond3A_132 = arith.cmpi ne, %convert_element_type3A_129, %cond3A_131 : i32
          scf.if %cond3A_132 {
            %dma_start3A = arith.constant 0 : i32
            %dma_start3A_134 = arith.constant 0 : i32
            %dma_start3A_135 = tpu.memref_slice %arg14[%cond3A_130, %scan3A_74, %dma_start3A, %dma_start3A_134] : memref<2x8x32x128xf32, #tpu.memory_space<vmem>> -> memref<1x1x32x128xf32, #tpu.memory_space<vmem>>
            %dma_start3A_136 = tpu.memref_squeeze %dma_start3A_135 : memref<1x1x32x128xf32, #tpu.memory_space<vmem>> -> memref<32x128xf32, #tpu.memory_space<vmem>>
            %dma_start3A_137 = arith.constant 0 : i32
            %dma_start3A_138 = tpu.memref_slice %arg2[%dma_start3A_137, %multiple_of3A] : memref<32x1000000xf32, #tpu.memory_space<hbm>> -> memref<32x128xf32, #tpu.memory_space<hbm>>
            %dma_start3A_139 = arith.constant 0 : i32
            %dma_start3A_140 = arith.constant 0 : i32
            %dma_start3A_141 = tpu.memref_slice %arg14[%cond3A_130, %scan3A_74, %dma_start3A_139, %dma_start3A_140] : memref<2x8x32x128xf32, #tpu.memory_space<vmem>> -> memref<1x1x32x128xf32, #tpu.memory_space<vmem>>
            %dma_start3A_142 = tpu.memref_squeeze %dma_start3A_141 : memref<1x1x32x128xf32, #tpu.memory_space<vmem>> -> memref<32x128xf32, #tpu.memory_space<vmem>>
            %dma_start3A_143 = arith.constant 0 : i32
            %dma_start3A_144 = tpu.memref_slice %arg2[%dma_start3A_143, %multiple_of3A] : memref<32x1000000xf32, #tpu.memory_space<hbm>> -> memref<32x128xf32, #tpu.memory_space<hbm>>
            tpu.enqueue_dma source(%dma_start3A_144 : memref<32x128xf32, #tpu.memory_space<hbm>>) target(%dma_start3A_142 : memref<32x128xf32, #tpu.memory_space<vmem>>) target_semaphore(%arg18 : memref<!tpu.dma_semaphore, #tpu.memory_space<semaphore_mem>>)
          } else {
          }
          %scan3A_133 = arith.constant 0 : i32
          scf.yield %scan3A_133 : i32
        }
        %scan3A_73 = arith.constant 8 : i32
      } else {
      }
      %and3A_53 = arith.constant 1 : i32
      %and3A_54 = arith.andi %scan3A_38, %and3A_53 : i32
      %scan3A_55 = arith.constant 0 : i32
      %scan3A_56 = arith.constant 0 : i32
      %scan3A_57 = arith.constant 8 : i32
      %scan3A_58 = arith.addi %scan3A_56, %scan3A_57 : i32
      %scan3A_59 = arith.constant 1 : i32
      %scan3A_60 = scf.for %scan3A_63 = %scan3A_56 to %scan3A_58 step %scan3A_59 iter_args(%scan3A_64 = %scan3A_55) -> (i32)  : i32 {
        %mul3A_65 = arith.constant 8 : i32
        %mul3A_66 = arith.muli %scan3A_38, %mul3A_65 : i32
        %add3A_67 = arith.addi %mul3A_66, %scan3A_63 : i32
        %jit3A = arith.constant 128 : i32
        %div3A = arith.divsi %add3A_67, %jit3A : i32
        %sign3A = arith.constant 0 : i32
        %sign3A_68 = arith.cmpi sgt, %add3A_67, %sign3A : i32
        %sign3A_69 = arith.extui %sign3A_68 : i1 to i32
        %sign3A_70 = arith.constant 0 : i32
        %sign3A_71 = arith.cmpi slt, %add3A_67, %sign3A_70 : i32
        %sign3A_72 = arith.extui %sign3A_71 : i1 to i32
        %sign3A_73 = arith.subi %sign3A_69, %sign3A_72 : i32
        %sign3A_74 = arith.constant 0 : i32
        %sign3A_75 = arith.cmpi sgt, %jit3A, %sign3A_74 : i32
        %sign3A_76 = arith.extui %sign3A_75 : i1 to i32
        %sign3A_77 = arith.constant 0 : i32
        %sign3A_78 = arith.cmpi slt, %jit3A, %sign3A_77 : i32
        %sign3A_79 = arith.extui %sign3A_78 : i1 to i32
        %sign3A_80 = arith.subi %sign3A_76, %sign3A_79 : i32
        %ne3A = arith.cmpi ne, %sign3A_73, %sign3A_80 : i32
        %rem3A = arith.remsi %add3A_67, %jit3A : i32
        %ne3A_81 = arith.constant 0 : i32
        %ne3A_82 = arith.cmpi ne, %rem3A, %ne3A_81 : i32
        %and3A_83 = arith.andi %ne3A, %ne3A_82 : i1
        %sub3A = arith.constant 1 : i32
        %sub3A_84 = arith.subi %div3A, %sub3A : i32
        %select_n3A = arith.select %and3A_83, %sub3A_84, %div3A : i32
        %broadcast_in_dim3A = vector.broadcast %select_n3A : i32 to vector<16xi32>
        %jit3A_85 = arith.constant 128 : i32
        %eq3A = arith.constant 0 : i32
        %eq3A_86 = arith.cmpi eq, %jit3A_85, %eq3A : i32
        %jit3A_87 = arith.constant 1 : i32
        %select_n3A_88 = arith.select %eq3A_86, %jit3A_87, %jit3A_85 : i32
        %rem3A_89 = arith.remsi %add3A_67, %select_n3A_88 : i32
        %ne3A_90 = arith.constant 0 : i32
        %ne3A_91 = arith.cmpi ne, %rem3A_89, %ne3A_90 : i32
        %lt3A_92 = arith.constant 0 : i32
        %lt3A_93 = arith.cmpi slt, %rem3A_89, %lt3A_92 : i32
        %lt3A_94 = arith.constant 0 : i32
        %lt3A_95 = arith.cmpi slt, %select_n3A_88, %lt3A_94 : i32
        %ne3A_96 = arith.xori %lt3A_93, %lt3A_95 : i1
        %and3A_97 = arith.andi %ne3A_96, %ne3A_91 : i1
        %add3A_98 = arith.addi %rem3A_89, %select_n3A_88 : i32
        %select_n3A_99 = arith.select %and3A_97, %add3A_98, %rem3A_89 : i32
        %broadcast_in_dim3A_100 = vector.broadcast %select_n3A_99 : i32 to vector<16xi32>
        %gather3A = tpu.vector_load_idx %arg12[%broadcast_in_dim3A, %broadcast_in_dim3A_100] : memref<2x128xi32, #tpu.memory_space<vmem>>[vector<16xi32>, vector<16xi32>], vector<16xi32>,
        %broadcast_in_dim3A_101 = vector.broadcast %and3A_54 : i32 to vector<16xi32>
        %broadcast_in_dim3A_102 = vector.broadcast %scan3A_63 : i32 to vector<16xi32>
        %gather3A_103 = tpu.vector_load_idx %arg14[%broadcast_in_dim3A_101, %broadcast_in_dim3A_102, %iota3A, %gather3A] : memref<2x8x32x128xf32, #tpu.memory_space<vmem>>[vector<16xi32>, vector<16xi32>, vector<16xi32>, vector<16xi32>], vector<16xf32>,
        %gather3A_104 = tpu.vector_load_idx %arg14[%broadcast_in_dim3A_101, %broadcast_in_dim3A_102, %add3A_5, %gather3A] : memref<2x8x32x128xf32, #tpu.memory_space<vmem>>[vector<16xi32>, vector<16xi32>, vector<16xi32>, vector<16xi32>], vector<16xf32>,
        %jit3A_105 = arith.constant 4 : i32
        %div3A_106 = arith.divsi %add3A_67, %jit3A_105 : i32
        %sign3A_107 = arith.constant 0 : i32
        %sign3A_108 = arith.cmpi sgt, %add3A_67, %sign3A_107 : i32
        %sign3A_109 = arith.extui %sign3A_108 : i1 to i32
        %sign3A_110 = arith.constant 0 : i32
        %sign3A_111 = arith.cmpi slt, %add3A_67, %sign3A_110 : i32
        %sign3A_112 = arith.extui %sign3A_111 : i1 to i32
        %sign3A_113 = arith.subi %sign3A_109, %sign3A_112 : i32
        %sign3A_114 = arith.constant 0 : i32
        %sign3A_115 = arith.cmpi sgt, %jit3A_105, %sign3A_114 : i32
        %sign3A_116 = arith.extui %sign3A_115 : i1 to i32
        %sign3A_117 = arith.constant 0 : i32
        %sign3A_118 = arith.cmpi slt, %jit3A_105, %sign3A_117 : i32
        %sign3A_119 = arith.extui %sign3A_118 : i1 to i32
        %sign3A_120 = arith.subi %sign3A_116, %sign3A_119 : i32
        %ne3A_121 = arith.cmpi ne, %sign3A_113, %sign3A_120 : i32
        %rem3A_122 = arith.remsi %add3A_67, %jit3A_105 : i32
        %ne3A_123 = arith.constant 0 : i32
        %ne3A_124 = arith.cmpi ne, %rem3A_122, %ne3A_123 : i32
        %and3A_125 = arith.andi %ne3A_121, %ne3A_124 : i1
        %sub3A_126 = arith.constant 1 : i32
        %sub3A_127 = arith.subi %div3A_106, %sub3A_126 : i32
        %select_n3A_128 = arith.select %and3A_125, %sub3A_127, %div3A_106 : i32
        %jit3A_129 = arith.constant 4 : i32
        %eq3A_130 = arith.constant 0 : i32
        %eq3A_131 = arith.cmpi eq, %jit3A_129, %eq3A_130 : i32
        %jit3A_132 = arith.constant 1 : i32
        %select_n3A_133 = arith.select %eq3A_131, %jit3A_132, %jit3A_129 : i32
        %rem3A_134 = arith.remsi %add3A_67, %select_n3A_133 : i32
        %ne3A_135 = arith.constant 0 : i32
        %ne3A_136 = arith.cmpi ne, %rem3A_134, %ne3A_135 : i32
        %lt3A_137 = arith.constant 0 : i32
        %lt3A_138 = arith.cmpi slt, %rem3A_134, %lt3A_137 : i32
        %lt3A_139 = arith.constant 0 : i32
        %lt3A_140 = arith.cmpi slt, %select_n3A_133, %lt3A_139 : i32
        %ne3A_141 = arith.xori %lt3A_138, %lt3A_140 : i1
        %and3A_142 = arith.andi %ne3A_141, %ne3A_136 : i1
        %add3A_143 = arith.addi %rem3A_134, %select_n3A_133 : i32
        %select_n3A_144 = arith.select %and3A_142, %add3A_143, %rem3A_134 : i32
        %mul3A_145 = arith.constant 32 : i32
        %mul3A_146 = arith.muli %select_n3A_144, %mul3A_145 : i32
        %swap3A = arith.index_cast %select_n3A_128 : i32 to index
        %swap3A_147 = arith.index_cast %mul3A_146 : i32 to index
        %swap3A_148 = tpu.vector_load %arg15[%swap3A, %swap3A_147] {strides = array<i32>} : memref<64x128xf32, #tpu.memory_space<vmem>>, vector<16xf32>,
        tpu.vector_store %arg15[%swap3A, %swap3A_147], %gather3A_103 {strides = array<i32>} : memref<64x128xf32, #tpu.memory_space<vmem>>, vector<16xf32>,
        %add3A_149 = arith.constant 16 : i32
        %add3A_150 = arith.addi %mul3A_146, %add3A_149 : i32
        %swap3A_151 = arith.index_cast %select_n3A_128 : i32 to index
        %swap3A_152 = arith.index_cast %add3A_150 : i32 to index
        %swap3A_153 = tpu.vector_load %arg15[%swap3A_151, %swap3A_152] {strides = array<i32>} : memref<64x128xf32, #tpu.memory_space<vmem>>, vector<16xf32>,
        tpu.vector_store %arg15[%swap3A_151, %swap3A_152], %gather3A_104 {strides = array<i32>} : memref<64x128xf32, #tpu.memory_space<vmem>>, vector<16xf32>,
        %scan3A_154 = arith.constant 0 : i32
        scf.yield %scan3A_154 : i32
      }
      %scan3A_61 = arith.constant 8 : i32
      %scan3A_62 = arith.constant 0 : i32
      scf.yield %scan3A_62 : i32
    }
    %scan3A_20 = arith.constant 32 : i32
    %and3A_21 = arith.constant 0 : i32
    %and3A_22 = arith.constant 1 : i32
    %and3A_23 = arith.andi %and3A_21, %and3A_22 : i32
    %scan3A_24 = arith.constant 0 : i32
    %scan3A_25 = arith.constant 0 : i32
    %scan3A_26 = arith.constant 8 : i32
    %scan3A_27 = arith.addi %scan3A_25, %scan3A_26 : i32
    %scan3A_28 = arith.constant 1 : i32
    %scan3A_29 = scf.for %scan3A_38 = %scan3A_25 to %scan3A_27 step %scan3A_28 iter_args(%scan3A_39 = %scan3A_24) -> (i32)  : i32 {
      %add3A_40 = arith.constant 0 : i32
      %add3A_41 = arith.addi %add3A_40, %scan3A_38 : i32
      %jit3A = arith.constant 128 : i32
      %div3A = arith.divsi %add3A_41, %jit3A : i32
      %sign3A = arith.constant 0 : i32
      %sign3A_42 = arith.cmpi sgt, %add3A_41, %sign3A : i32
      %sign3A_43 = arith.extui %sign3A_42 : i1 to i32
      %sign3A_44 = arith.constant 0 : i32
      %sign3A_45 = arith.cmpi slt, %add3A_41, %sign3A_44 : i32
      %sign3A_46 = arith.extui %sign3A_45 : i1 to i32
      %sign3A_47 = arith.subi %sign3A_43, %sign3A_46 : i32
      %sign3A_48 = arith.constant 0 : i32
      %sign3A_49 = arith.cmpi sgt, %jit3A, %sign3A_48 : i32
      %sign3A_50 = arith.extui %sign3A_49 : i1 to i32
      %sign3A_51 = arith.constant 0 : i32
      %sign3A_52 = arith.cmpi slt, %jit3A, %sign3A_51 : i32
      %sign3A_53 = arith.extui %sign3A_52 : i1 to i32
      %sign3A_54 = arith.subi %sign3A_50, %sign3A_53 : i32
      %ne3A = arith.cmpi ne, %sign3A_47, %sign3A_54 : i32
      %rem3A = arith.remsi %add3A_41, %jit3A : i32
      %ne3A_55 = arith.constant 0 : i32
      %ne3A_56 = arith.cmpi ne, %rem3A, %ne3A_55 : i32
      %and3A_57 = arith.andi %ne3A, %ne3A_56 : i1
      %sub3A = arith.constant 1 : i32
      %sub3A_58 = arith.subi %div3A, %sub3A : i32
      %select_n3A = arith.select %and3A_57, %sub3A_58, %div3A : i32
      %broadcast_in_dim3A = vector.broadcast %select_n3A : i32 to vector<16xi32>
      %jit3A_59 = arith.constant 128 : i32
      %eq3A = arith.constant 0 : i32
      %eq3A_60 = arith.cmpi eq, %jit3A_59, %eq3A : i32
      %jit3A_61 = arith.constant 1 : i32
      %select_n3A_62 = arith.select %eq3A_60, %jit3A_61, %jit3A_59 : i32
      %rem3A_63 = arith.remsi %add3A_41, %select_n3A_62 : i32
      %ne3A_64 = arith.constant 0 : i32
      %ne3A_65 = arith.cmpi ne, %rem3A_63, %ne3A_64 : i32
      %lt3A = arith.constant 0 : i32
      %lt3A_66 = arith.cmpi slt, %rem3A_63, %lt3A : i32
      %lt3A_67 = arith.constant 0 : i32
      %lt3A_68 = arith.cmpi slt, %select_n3A_62, %lt3A_67 : i32
      %ne3A_69 = arith.xori %lt3A_66, %lt3A_68 : i1
      %and3A_70 = arith.andi %ne3A_69, %ne3A_65 : i1
      %add3A_71 = arith.addi %rem3A_63, %select_n3A_62 : i32
      %select_n3A_72 = arith.select %and3A_70, %add3A_71, %rem3A_63 : i32
      %broadcast_in_dim3A_73 = vector.broadcast %select_n3A_72 : i32 to vector<16xi32>
      %gather3A = tpu.vector_load_idx %arg11[%broadcast_in_dim3A, %broadcast_in_dim3A_73] : memref<2x128xi32, #tpu.memory_space<vmem>>[vector<16xi32>, vector<16xi32>], vector<16xi32>,
      %reduce_max3A = arith.constant true
      %reduce_max3A_74 = vector.broadcast %reduce_max3A : i1 to vector<16xi1>
      %reduce_max3A_75 = arith.constant -2147483648 : i32
      %reduce_max3A_76 = vector.broadcast %reduce_max3A_75 : i32 to vector<16xi32>
      %reduce_max3A_77 = arith.xori %gather3A, %reduce_max3A_76 : vector<16xi32>
      %reduce_max3A_78 = tpu.scan <max>, %reduce_max3A_77 masked %reduce_max3A_74 : vector<16xi32>, vector<16xi1> -> vector<16xi32>
      %reduce_max3A_79 = arith.xori %reduce_max3A_78, %reduce_max3A_76 : vector<16xi32>
      %reduce_max3A_80 = vector.extract %reduce_max3A_79[15] : i32 from vector<16xi32>
      %mul3A_81 = arith.constant 128 : i32
      %mul3A_82 = arith.muli %reduce_max3A_80, %mul3A_81 : i32
      %multiple_of3A = tpu.assume_multiple %mul3A_82, 128 : i32
      %eq3A_83 = arith.constant 0 : i32
      %eq3A_84 = arith.cmpi eq, %and3A_23, %eq3A_83 : i32
      %convert_element_type3A = arith.extui %eq3A_84 : i1 to i32
      %cond3A = arith.constant 0 : i32
      %cond3A_85 = arith.constant 0 : i32
      %cond3A_86 = arith.cmpi ne, %convert_element_type3A, %cond3A_85 : i32
      scf.if %cond3A_86 {
        %dma_start3A = arith.constant 0 : i32
        %dma_start3A_94 = arith.constant 0 : i32
        %dma_start3A_95 = tpu.memref_slice %arg14[%cond3A, %scan3A_38, %dma_start3A, %dma_start3A_94] : memref<2x8x32x128xf32, #tpu.memory_space<vmem>> -> memref<1x1x32x128xf32, #tpu.memory_space<vmem>>
        %dma_start3A_96 = tpu.memref_squeeze %dma_start3A_95 : memref<1x1x32x128xf32, #tpu.memory_space<vmem>> -> memref<32x128xf32, #tpu.memory_space<vmem>>
        %dma_start3A_97 = arith.constant 0 : i32
        %dma_start3A_98 = tpu.memref_slice %arg3[%dma_start3A_97, %multiple_of3A] : memref<32x1000000xf32, #tpu.memory_space<hbm>> -> memref<32x128xf32, #tpu.memory_space<hbm>>
        %dma_start3A_99 = arith.constant 0 : i32
        %dma_start3A_100 = arith.constant 0 : i32
        %dma_start3A_101 = tpu.memref_slice %arg14[%cond3A, %scan3A_38, %dma_start3A_99, %dma_start3A_100] : memref<2x8x32x128xf32, #tpu.memory_space<vmem>> -> memref<1x1x32x128xf32, #tpu.memory_space<vmem>>
        %dma_start3A_102 = tpu.memref_squeeze %dma_start3A_101 : memref<1x1x32x128xf32, #tpu.memory_space<vmem>> -> memref<32x128xf32, #tpu.memory_space<vmem>>
        %dma_start3A_103 = arith.constant 0 : i32
        %dma_start3A_104 = tpu.memref_slice %arg3[%dma_start3A_103, %multiple_of3A] : memref<32x1000000xf32, #tpu.memory_space<hbm>> -> memref<32x128xf32, #tpu.memory_space<hbm>>
        tpu.enqueue_dma source(%dma_start3A_104 : memref<32x128xf32, #tpu.memory_space<hbm>>) target(%dma_start3A_102 : memref<32x128xf32, #tpu.memory_space<vmem>>) target_semaphore(%arg17 : memref<!tpu.dma_semaphore, #tpu.memory_space<semaphore_mem>>)
      } else {
      }
      %eq3A_87 = arith.constant 1 : i32
      %eq3A_88 = arith.cmpi eq, %and3A_23, %eq3A_87 : i32
      %convert_element_type3A_89 = arith.extui %eq3A_88 : i1 to i32
      %cond3A_90 = arith.constant 1 : i32
      %cond3A_91 = arith.constant 0 : i32
      %cond3A_92 = arith.cmpi ne, %convert_element_type3A_89, %cond3A_91 : i32
      scf.if %cond3A_92 {
        %dma_start3A = arith.constant 0 : i32
        %dma_start3A_94 = arith.constant 0 : i32
        %dma_start3A_95 = tpu.memref_slice %arg14[%cond3A_90, %scan3A_38, %dma_start3A, %dma_start3A_94] : memref<2x8x32x128xf32, #tpu.memory_space<vmem>> -> memref<1x1x32x128xf32, #tpu.memory_space<vmem>>
        %dma_start3A_96 = tpu.memref_squeeze %dma_start3A_95 : memref<1x1x32x128xf32, #tpu.memory_space<vmem>> -> memref<32x128xf32, #tpu.memory_space<vmem>>
        %dma_start3A_97 = arith.constant 0 : i32
        %dma_start3A_98 = tpu.memref_slice %arg3[%dma_start3A_97, %multiple_of3A] : memref<32x1000000xf32, #tpu.memory_space<hbm>> -> memref<32x128xf32, #tpu.memory_space<hbm>>
        %dma_start3A_99 = arith.constant 0 : i32
        %dma_start3A_100 = arith.constant 0 : i32
        %dma_start3A_101 = tpu.memref_slice %arg14[%cond3A_90, %scan3A_38, %dma_start3A_99, %dma_start3A_100] : memref<2x8x32x128xf32, #tpu.memory_space<vmem>> -> memref<1x1x32x128xf32, #tpu.memory_space<vmem>>
        %dma_start3A_102 = tpu.memref_squeeze %dma_start3A_101 : memref<1x1x32x128xf32, #tpu.memory_space<vmem>> -> memref<32x128xf32, #tpu.memory_space<vmem>>
        %dma_start3A_103 = arith.constant 0 : i32
        %dma_start3A_104 = tpu.memref_slice %arg3[%dma_start3A_103, %multiple_of3A] : memref<32x1000000xf32, #tpu.memory_space<hbm>> -> memref<32x128xf32, #tpu.memory_space<hbm>>
        tpu.enqueue_dma source(%dma_start3A_104 : memref<32x128xf32, #tpu.memory_space<hbm>>) target(%dma_start3A_102 : memref<32x128xf32, #tpu.memory_space<vmem>>) target_semaphore(%arg18 : memref<!tpu.dma_semaphore, #tpu.memory_space<semaphore_mem>>)
      } else {
      }
      %scan3A_93 = arith.constant 0 : i32
      scf.yield %scan3A_93 : i32
    }
    %scan3A_30 = arith.constant 8 : i32
    %scan3A_31 = arith.constant 0 : i32
    %scan3A_32 = arith.constant 0 : i32
    %scan3A_33 = arith.constant 32 : i32
    %scan3A_34 = arith.addi %scan3A_32, %scan3A_33 : i32
    %scan3A_35 = arith.constant 1 : i32
    %scan3A_36 = scf.for %scan3A_38 = %scan3A_32 to %scan3A_34 step %scan3A_35 iter_args(%scan3A_39 = %scan3A_31) -> (i32)  : i32 {
      %and3A_40 = arith.constant 1 : i32
      %and3A_41 = arith.andi %scan3A_38, %and3A_40 : i32
      %scan3A_42 = arith.constant 0 : i32
      %scan3A_43 = arith.constant 0 : i32
      %scan3A_44 = arith.constant 8 : i32
      %scan3A_45 = arith.addi %scan3A_43, %scan3A_44 : i32
      %scan3A_46 = arith.constant 1 : i32
      %scan3A_47 = scf.for %scan3A_63 = %scan3A_43 to %scan3A_45 step %scan3A_46 iter_args(%scan3A_64 = %scan3A_42) -> (i32)  : i32 {
        %eq3A = arith.constant 0 : i32
        %eq3A_65 = arith.cmpi eq, %and3A_41, %eq3A : i32
        %convert_element_type3A_66 = arith.extui %eq3A_65 : i1 to i32
        %cond3A_67 = arith.constant 0 : i32
        %cond3A_68 = arith.cmpi ne, %convert_element_type3A_66, %cond3A_67 : i32
        scf.if %cond3A_68 {
          %dma_wait3A = arith.constant 0 : i32
          %dma_wait3A_75 = arith.constant 0 : i32
          %dma_wait3A_76 = arith.constant 0 : i32
          %dma_wait3A_77 = tpu.memref_slice %arg14[%dma_wait3A, %scan3A_63, %dma_wait3A_75, %dma_wait3A_76] : memref<2x8x32x128xf32, #tpu.memory_space<vmem>> -> memref<1x1x32x128xf32, #tpu.memory_space<vmem>>
          %dma_wait3A_78 = tpu.memref_squeeze %dma_wait3A_77 : memref<1x1x32x128xf32, #tpu.memory_space<vmem>> -> memref<32x128xf32, #tpu.memory_space<vmem>>
          %dma_wait3A_79 = arith.constant 0 : i32
          %dma_wait3A_80 = arith.constant 0 : i32
          %dma_wait3A_81 = tpu.memref_slice %arg3[%dma_wait3A_79, %dma_wait3A_80] : memref<32x1000000xf32, #tpu.memory_space<hbm>> -> memref<32x128xf32, #tpu.memory_space<hbm>>
          %dma_wait3A_82 = arith.constant 0 : i32
          %dma_wait3A_83 = arith.constant 0 : i32
          %dma_wait3A_84 = tpu.memref_slice %arg14[%dma_wait3A, %scan3A_63, %dma_wait3A_82, %dma_wait3A_83] : memref<2x8x32x128xf32, #tpu.memory_space<vmem>> -> memref<1x1x32x128xf32, #tpu.memory_space<vmem>>
          %dma_wait3A_85 = tpu.memref_squeeze %dma_wait3A_84 : memref<1x1x32x128xf32, #tpu.memory_space<vmem>> -> memref<32x128xf32, #tpu.memory_space<vmem>>
          %dma_wait3A_86 = arith.constant 0 : i32
          %dma_wait3A_87 = arith.constant 0 : i32
          %dma_wait3A_88 = tpu.memref_slice %arg3[%dma_wait3A_86, %dma_wait3A_87] : memref<32x1000000xf32, #tpu.memory_space<hbm>> -> memref<32x128xf32, #tpu.memory_space<hbm>>
          tpu.wait_dma2 semaphore(%arg17 : memref<!tpu.dma_semaphore, #tpu.memory_space<semaphore_mem>>) src(%dma_wait3A_88 : memref<32x128xf32, #tpu.memory_space<hbm>>) dst(%dma_wait3A_85 : memref<32x128xf32, #tpu.memory_space<vmem>>)
        } else {
        }
        %eq3A_69 = arith.constant 1 : i32
        %eq3A_70 = arith.cmpi eq, %and3A_41, %eq3A_69 : i32
        %convert_element_type3A_71 = arith.extui %eq3A_70 : i1 to i32
        %cond3A_72 = arith.constant 0 : i32
        %cond3A_73 = arith.cmpi ne, %convert_element_type3A_71, %cond3A_72 : i32
        scf.if %cond3A_73 {
          %dma_wait3A = arith.constant 1 : i32
          %dma_wait3A_75 = arith.constant 0 : i32
          %dma_wait3A_76 = arith.constant 0 : i32
          %dma_wait3A_77 = tpu.memref_slice %arg14[%dma_wait3A, %scan3A_63, %dma_wait3A_75, %dma_wait3A_76] : memref<2x8x32x128xf32, #tpu.memory_space<vmem>> -> memref<1x1x32x128xf32, #tpu.memory_space<vmem>>
          %dma_wait3A_78 = tpu.memref_squeeze %dma_wait3A_77 : memref<1x1x32x128xf32, #tpu.memory_space<vmem>> -> memref<32x128xf32, #tpu.memory_space<vmem>>
          %dma_wait3A_79 = arith.constant 0 : i32
          %dma_wait3A_80 = arith.constant 0 : i32
          %dma_wait3A_81 = tpu.memref_slice %arg3[%dma_wait3A_79, %dma_wait3A_80] : memref<32x1000000xf32, #tpu.memory_space<hbm>> -> memref<32x128xf32, #tpu.memory_space<hbm>>
          %dma_wait3A_82 = arith.constant 0 : i32
          %dma_wait3A_83 = arith.constant 0 : i32
          %dma_wait3A_84 = tpu.memref_slice %arg14[%dma_wait3A, %scan3A_63, %dma_wait3A_82, %dma_wait3A_83] : memref<2x8x32x128xf32, #tpu.memory_space<vmem>> -> memref<1x1x32x128xf32, #tpu.memory_space<vmem>>
          %dma_wait3A_85 = tpu.memref_squeeze %dma_wait3A_84 : memref<1x1x32x128xf32, #tpu.memory_space<vmem>> -> memref<32x128xf32, #tpu.memory_space<vmem>>
          %dma_wait3A_86 = arith.constant 0 : i32
          %dma_wait3A_87 = arith.constant 0 : i32
          %dma_wait3A_88 = tpu.memref_slice %arg3[%dma_wait3A_86, %dma_wait3A_87] : memref<32x1000000xf32, #tpu.memory_space<hbm>> -> memref<32x128xf32, #tpu.memory_space<hbm>>
          tpu.wait_dma2 semaphore(%arg18 : memref<!tpu.dma_semaphore, #tpu.memory_space<semaphore_mem>>) src(%dma_wait3A_88 : memref<32x128xf32, #tpu.memory_space<hbm>>) dst(%dma_wait3A_85 : memref<32x128xf32, #tpu.memory_space<vmem>>)
        } else {
        }
        %scan3A_74 = arith.constant 0 : i32
        scf.yield %scan3A_74 : i32
      }
      %scan3A_48 = arith.constant 8 : i32
      %add3A_49 = arith.constant 1 : i32
      %add3A_50 = arith.addi %scan3A_38, %add3A_49 : i32
      %lt3A = arith.constant 32 : i32
      %lt3A_51 = arith.cmpi slt, %add3A_50, %lt3A : i32
      %convert_element_type3A = arith.extui %lt3A_51 : i1 to i32
      %cond3A = arith.constant 0 : i32
      %cond3A_52 = arith.cmpi ne, %convert_element_type3A, %cond3A : i32
      scf.if %cond3A_52 {
        %add3A_63 = arith.constant 1 : i32
        %add3A_64 = arith.addi %scan3A_38, %add3A_63 : i32
        %and3A_65 = arith.constant 1 : i32
        %and3A_66 = arith.andi %add3A_64, %and3A_65 : i32
        %scan3A_67 = arith.constant 0 : i32
        %scan3A_68 = arith.constant 0 : i32
        %scan3A_69 = arith.constant 8 : i32
        %scan3A_70 = arith.addi %scan3A_68, %scan3A_69 : i32
        %scan3A_71 = arith.constant 1 : i32
        %scan3A_72 = scf.for %scan3A_74 = %scan3A_68 to %scan3A_70 step %scan3A_71 iter_args(%scan3A_75 = %scan3A_67) -> (i32)  : i32 {
          %mul3A_76 = arith.constant 8 : i32
          %mul3A_77 = arith.muli %add3A_64, %mul3A_76 : i32
          %add3A_78 = arith.addi %mul3A_77, %scan3A_74 : i32
          %jit3A = arith.constant 128 : i32
          %div3A = arith.divsi %add3A_78, %jit3A : i32
          %sign3A = arith.constant 0 : i32
          %sign3A_79 = arith.cmpi sgt, %add3A_78, %sign3A : i32
          %sign3A_80 = arith.extui %sign3A_79 : i1 to i32
          %sign3A_81 = arith.constant 0 : i32
          %sign3A_82 = arith.cmpi slt, %add3A_78, %sign3A_81 : i32
          %sign3A_83 = arith.extui %sign3A_82 : i1 to i32
          %sign3A_84 = arith.subi %sign3A_80, %sign3A_83 : i32
          %sign3A_85 = arith.constant 0 : i32
          %sign3A_86 = arith.cmpi sgt, %jit3A, %sign3A_85 : i32
          %sign3A_87 = arith.extui %sign3A_86 : i1 to i32
          %sign3A_88 = arith.constant 0 : i32
          %sign3A_89 = arith.cmpi slt, %jit3A, %sign3A_88 : i32
          %sign3A_90 = arith.extui %sign3A_89 : i1 to i32
          %sign3A_91 = arith.subi %sign3A_87, %sign3A_90 : i32
          %ne3A = arith.cmpi ne, %sign3A_84, %sign3A_91 : i32
          %rem3A = arith.remsi %add3A_78, %jit3A : i32
          %ne3A_92 = arith.constant 0 : i32
          %ne3A_93 = arith.cmpi ne, %rem3A, %ne3A_92 : i32
          %and3A_94 = arith.andi %ne3A, %ne3A_93 : i1
          %sub3A = arith.constant 1 : i32
          %sub3A_95 = arith.subi %div3A, %sub3A : i32
          %select_n3A = arith.select %and3A_94, %sub3A_95, %div3A : i32
          %broadcast_in_dim3A = vector.broadcast %select_n3A : i32 to vector<16xi32>
          %jit3A_96 = arith.constant 128 : i32
          %eq3A = arith.constant 0 : i32
          %eq3A_97 = arith.cmpi eq, %jit3A_96, %eq3A : i32
          %jit3A_98 = arith.constant 1 : i32
          %select_n3A_99 = arith.select %eq3A_97, %jit3A_98, %jit3A_96 : i32
          %rem3A_100 = arith.remsi %add3A_78, %select_n3A_99 : i32
          %ne3A_101 = arith.constant 0 : i32
          %ne3A_102 = arith.cmpi ne, %rem3A_100, %ne3A_101 : i32
          %lt3A_103 = arith.constant 0 : i32
          %lt3A_104 = arith.cmpi slt, %rem3A_100, %lt3A_103 : i32
          %lt3A_105 = arith.constant 0 : i32
          %lt3A_106 = arith.cmpi slt, %select_n3A_99, %lt3A_105 : i32
          %ne3A_107 = arith.xori %lt3A_104, %lt3A_106 : i1
          %and3A_108 = arith.andi %ne3A_107, %ne3A_102 : i1
          %add3A_109 = arith.addi %rem3A_100, %select_n3A_99 : i32
          %select_n3A_110 = arith.select %and3A_108, %add3A_109, %rem3A_100 : i32
          %broadcast_in_dim3A_111 = vector.broadcast %select_n3A_110 : i32 to vector<16xi32>
          %gather3A = tpu.vector_load_idx %arg11[%broadcast_in_dim3A, %broadcast_in_dim3A_111] : memref<2x128xi32, #tpu.memory_space<vmem>>[vector<16xi32>, vector<16xi32>], vector<16xi32>,
          %reduce_max3A = arith.constant true
          %reduce_max3A_112 = vector.broadcast %reduce_max3A : i1 to vector<16xi1>
          %reduce_max3A_113 = arith.constant -2147483648 : i32
          %reduce_max3A_114 = vector.broadcast %reduce_max3A_113 : i32 to vector<16xi32>
          %reduce_max3A_115 = arith.xori %gather3A, %reduce_max3A_114 : vector<16xi32>
          %reduce_max3A_116 = tpu.scan <max>, %reduce_max3A_115 masked %reduce_max3A_112 : vector<16xi32>, vector<16xi1> -> vector<16xi32>
          %reduce_max3A_117 = arith.xori %reduce_max3A_116, %reduce_max3A_114 : vector<16xi32>
          %reduce_max3A_118 = vector.extract %reduce_max3A_117[15] : i32 from vector<16xi32>
          %mul3A_119 = arith.constant 128 : i32
          %mul3A_120 = arith.muli %reduce_max3A_118, %mul3A_119 : i32
          %multiple_of3A = tpu.assume_multiple %mul3A_120, 128 : i32
          %eq3A_121 = arith.constant 0 : i32
          %eq3A_122 = arith.cmpi eq, %and3A_66, %eq3A_121 : i32
          %convert_element_type3A_123 = arith.extui %eq3A_122 : i1 to i32
          %cond3A_124 = arith.constant 0 : i32
          %cond3A_125 = arith.constant 0 : i32
          %cond3A_126 = arith.cmpi ne, %convert_element_type3A_123, %cond3A_125 : i32
          scf.if %cond3A_126 {
            %dma_start3A = arith.constant 0 : i32
            %dma_start3A_134 = arith.constant 0 : i32
            %dma_start3A_135 = tpu.memref_slice %arg14[%cond3A_124, %scan3A_74, %dma_start3A, %dma_start3A_134] : memref<2x8x32x128xf32, #tpu.memory_space<vmem>> -> memref<1x1x32x128xf32, #tpu.memory_space<vmem>>
            %dma_start3A_136 = tpu.memref_squeeze %dma_start3A_135 : memref<1x1x32x128xf32, #tpu.memory_space<vmem>> -> memref<32x128xf32, #tpu.memory_space<vmem>>
            %dma_start3A_137 = arith.constant 0 : i32
            %dma_start3A_138 = tpu.memref_slice %arg3[%dma_start3A_137, %multiple_of3A] : memref<32x1000000xf32, #tpu.memory_space<hbm>> -> memref<32x128xf32, #tpu.memory_space<hbm>>
            %dma_start3A_139 = arith.constant 0 : i32
            %dma_start3A_140 = arith.constant 0 : i32
            %dma_start3A_141 = tpu.memref_slice %arg14[%cond3A_124, %scan3A_74, %dma_start3A_139, %dma_start3A_140] : memref<2x8x32x128xf32, #tpu.memory_space<vmem>> -> memref<1x1x32x128xf32, #tpu.memory_space<vmem>>
            %dma_start3A_142 = tpu.memref_squeeze %dma_start3A_141 : memref<1x1x32x128xf32, #tpu.memory_space<vmem>> -> memref<32x128xf32, #tpu.memory_space<vmem>>
            %dma_start3A_143 = arith.constant 0 : i32
            %dma_start3A_144 = tpu.memref_slice %arg3[%dma_start3A_143, %multiple_of3A] : memref<32x1000000xf32, #tpu.memory_space<hbm>> -> memref<32x128xf32, #tpu.memory_space<hbm>>
            tpu.enqueue_dma source(%dma_start3A_144 : memref<32x128xf32, #tpu.memory_space<hbm>>) target(%dma_start3A_142 : memref<32x128xf32, #tpu.memory_space<vmem>>) target_semaphore(%arg17 : memref<!tpu.dma_semaphore, #tpu.memory_space<semaphore_mem>>)
          } else {
          }
          %eq3A_127 = arith.constant 1 : i32
          %eq3A_128 = arith.cmpi eq, %and3A_66, %eq3A_127 : i32
          %convert_element_type3A_129 = arith.extui %eq3A_128 : i1 to i32
          %cond3A_130 = arith.constant 1 : i32
          %cond3A_131 = arith.constant 0 : i32
          %cond3A_132 = arith.cmpi ne, %convert_element_type3A_129, %cond3A_131 : i32
          scf.if %cond3A_132 {
            %dma_start3A = arith.constant 0 : i32
            %dma_start3A_134 = arith.constant 0 : i32
            %dma_start3A_135 = tpu.memref_slice %arg14[%cond3A_130, %scan3A_74, %dma_start3A, %dma_start3A_134] : memref<2x8x32x128xf32, #tpu.memory_space<vmem>> -> memref<1x1x32x128xf32, #tpu.memory_space<vmem>>
            %dma_start3A_136 = tpu.memref_squeeze %dma_start3A_135 : memref<1x1x32x128xf32, #tpu.memory_space<vmem>> -> memref<32x128xf32, #tpu.memory_space<vmem>>
            %dma_start3A_137 = arith.constant 0 : i32
            %dma_start3A_138 = tpu.memref_slice %arg3[%dma_start3A_137, %multiple_of3A] : memref<32x1000000xf32, #tpu.memory_space<hbm>> -> memref<32x128xf32, #tpu.memory_space<hbm>>
            %dma_start3A_139 = arith.constant 0 : i32
            %dma_start3A_140 = arith.constant 0 : i32
            %dma_start3A_141 = tpu.memref_slice %arg14[%cond3A_130, %scan3A_74, %dma_start3A_139, %dma_start3A_140] : memref<2x8x32x128xf32, #tpu.memory_space<vmem>> -> memref<1x1x32x128xf32, #tpu.memory_space<vmem>>
            %dma_start3A_142 = tpu.memref_squeeze %dma_start3A_141 : memref<1x1x32x128xf32, #tpu.memory_space<vmem>> -> memref<32x128xf32, #tpu.memory_space<vmem>>
            %dma_start3A_143 = arith.constant 0 : i32
            %dma_start3A_144 = tpu.memref_slice %arg3[%dma_start3A_143, %multiple_of3A] : memref<32x1000000xf32, #tpu.memory_space<hbm>> -> memref<32x128xf32, #tpu.memory_space<hbm>>
            tpu.enqueue_dma source(%dma_start3A_144 : memref<32x128xf32, #tpu.memory_space<hbm>>) target(%dma_start3A_142 : memref<32x128xf32, #tpu.memory_space<vmem>>) target_semaphore(%arg18 : memref<!tpu.dma_semaphore, #tpu.memory_space<semaphore_mem>>)
          } else {
          }
          %scan3A_133 = arith.constant 0 : i32
          scf.yield %scan3A_133 : i32
        }
        %scan3A_73 = arith.constant 8 : i32
      } else {
      }
      %and3A_53 = arith.constant 1 : i32
      %and3A_54 = arith.andi %scan3A_38, %and3A_53 : i32
      %scan3A_55 = arith.constant 0 : i32
      %scan3A_56 = arith.constant 0 : i32
      %scan3A_57 = arith.constant 8 : i32
      %scan3A_58 = arith.addi %scan3A_56, %scan3A_57 : i32
      %scan3A_59 = arith.constant 1 : i32
      %scan3A_60 = scf.for %scan3A_63 = %scan3A_56 to %scan3A_58 step %scan3A_59 iter_args(%scan3A_64 = %scan3A_55) -> (i32)  : i32 {
        %mul3A_65 = arith.constant 8 : i32
        %mul3A_66 = arith.muli %scan3A_38, %mul3A_65 : i32
        %add3A_67 = arith.addi %mul3A_66, %scan3A_63 : i32
        %jit3A = arith.constant 128 : i32
        %div3A = arith.divsi %add3A_67, %jit3A : i32
        %sign3A = arith.constant 0 : i32
        %sign3A_68 = arith.cmpi sgt, %add3A_67, %sign3A : i32
        %sign3A_69 = arith.extui %sign3A_68 : i1 to i32
        %sign3A_70 = arith.constant 0 : i32
        %sign3A_71 = arith.cmpi slt, %add3A_67, %sign3A_70 : i32
        %sign3A_72 = arith.extui %sign3A_71 : i1 to i32
        %sign3A_73 = arith.subi %sign3A_69, %sign3A_72 : i32
        %sign3A_74 = arith.constant 0 : i32
        %sign3A_75 = arith.cmpi sgt, %jit3A, %sign3A_74 : i32
        %sign3A_76 = arith.extui %sign3A_75 : i1 to i32
        %sign3A_77 = arith.constant 0 : i32
        %sign3A_78 = arith.cmpi slt, %jit3A, %sign3A_77 : i32
        %sign3A_79 = arith.extui %sign3A_78 : i1 to i32
        %sign3A_80 = arith.subi %sign3A_76, %sign3A_79 : i32
        %ne3A = arith.cmpi ne, %sign3A_73, %sign3A_80 : i32
        %rem3A = arith.remsi %add3A_67, %jit3A : i32
        %ne3A_81 = arith.constant 0 : i32
        %ne3A_82 = arith.cmpi ne, %rem3A, %ne3A_81 : i32
        %and3A_83 = arith.andi %ne3A, %ne3A_82 : i1
        %sub3A = arith.constant 1 : i32
        %sub3A_84 = arith.subi %div3A, %sub3A : i32
        %select_n3A = arith.select %and3A_83, %sub3A_84, %div3A : i32
        %broadcast_in_dim3A = vector.broadcast %select_n3A : i32 to vector<16xi32>
        %jit3A_85 = arith.constant 128 : i32
        %eq3A = arith.constant 0 : i32
        %eq3A_86 = arith.cmpi eq, %jit3A_85, %eq3A : i32
        %jit3A_87 = arith.constant 1 : i32
        %select_n3A_88 = arith.select %eq3A_86, %jit3A_87, %jit3A_85 : i32
        %rem3A_89 = arith.remsi %add3A_67, %select_n3A_88 : i32
        %ne3A_90 = arith.constant 0 : i32
        %ne3A_91 = arith.cmpi ne, %rem3A_89, %ne3A_90 : i32
        %lt3A_92 = arith.constant 0 : i32
        %lt3A_93 = arith.cmpi slt, %rem3A_89, %lt3A_92 : i32
        %lt3A_94 = arith.constant 0 : i32
        %lt3A_95 = arith.cmpi slt, %select_n3A_88, %lt3A_94 : i32
        %ne3A_96 = arith.xori %lt3A_93, %lt3A_95 : i1
        %and3A_97 = arith.andi %ne3A_96, %ne3A_91 : i1
        %add3A_98 = arith.addi %rem3A_89, %select_n3A_88 : i32
        %select_n3A_99 = arith.select %and3A_97, %add3A_98, %rem3A_89 : i32
        %broadcast_in_dim3A_100 = vector.broadcast %select_n3A_99 : i32 to vector<16xi32>
        %gather3A = tpu.vector_load_idx %arg13[%broadcast_in_dim3A, %broadcast_in_dim3A_100] : memref<2x128xi32, #tpu.memory_space<vmem>>[vector<16xi32>, vector<16xi32>], vector<16xi32>,
        %broadcast_in_dim3A_101 = vector.broadcast %and3A_54 : i32 to vector<16xi32>
        %broadcast_in_dim3A_102 = vector.broadcast %scan3A_63 : i32 to vector<16xi32>
        %gather3A_103 = tpu.vector_load_idx %arg14[%broadcast_in_dim3A_101, %broadcast_in_dim3A_102, %iota3A, %gather3A] : memref<2x8x32x128xf32, #tpu.memory_space<vmem>>[vector<16xi32>, vector<16xi32>, vector<16xi32>, vector<16xi32>], vector<16xf32>,
        %gather3A_104 = tpu.vector_load_idx %arg14[%broadcast_in_dim3A_101, %broadcast_in_dim3A_102, %add3A_5, %gather3A] : memref<2x8x32x128xf32, #tpu.memory_space<vmem>>[vector<16xi32>, vector<16xi32>, vector<16xi32>, vector<16xi32>], vector<16xf32>,
        %jit3A_105 = arith.constant 4 : i32
        %div3A_106 = arith.divsi %add3A_67, %jit3A_105 : i32
        %sign3A_107 = arith.constant 0 : i32
        %sign3A_108 = arith.cmpi sgt, %add3A_67, %sign3A_107 : i32
        %sign3A_109 = arith.extui %sign3A_108 : i1 to i32
        %sign3A_110 = arith.constant 0 : i32
        %sign3A_111 = arith.cmpi slt, %add3A_67, %sign3A_110 : i32
        %sign3A_112 = arith.extui %sign3A_111 : i1 to i32
        %sign3A_113 = arith.subi %sign3A_109, %sign3A_112 : i32
        %sign3A_114 = arith.constant 0 : i32
        %sign3A_115 = arith.cmpi sgt, %jit3A_105, %sign3A_114 : i32
        %sign3A_116 = arith.extui %sign3A_115 : i1 to i32
        %sign3A_117 = arith.constant 0 : i32
        %sign3A_118 = arith.cmpi slt, %jit3A_105, %sign3A_117 : i32
        %sign3A_119 = arith.extui %sign3A_118 : i1 to i32
        %sign3A_120 = arith.subi %sign3A_116, %sign3A_119 : i32
        %ne3A_121 = arith.cmpi ne, %sign3A_113, %sign3A_120 : i32
        %rem3A_122 = arith.remsi %add3A_67, %jit3A_105 : i32
        %ne3A_123 = arith.constant 0 : i32
        %ne3A_124 = arith.cmpi ne, %rem3A_122, %ne3A_123 : i32
        %and3A_125 = arith.andi %ne3A_121, %ne3A_124 : i1
        %sub3A_126 = arith.constant 1 : i32
        %sub3A_127 = arith.subi %div3A_106, %sub3A_126 : i32
        %select_n3A_128 = arith.select %and3A_125, %sub3A_127, %div3A_106 : i32
        %jit3A_129 = arith.constant 4 : i32
        %eq3A_130 = arith.constant 0 : i32
        %eq3A_131 = arith.cmpi eq, %jit3A_129, %eq3A_130 : i32
        %jit3A_132 = arith.constant 1 : i32
        %select_n3A_133 = arith.select %eq3A_131, %jit3A_132, %jit3A_129 : i32
        %rem3A_134 = arith.remsi %add3A_67, %select_n3A_133 : i32
        %ne3A_135 = arith.constant 0 : i32
        %ne3A_136 = arith.cmpi ne, %rem3A_134, %ne3A_135 : i32
        %lt3A_137 = arith.constant 0 : i32
        %lt3A_138 = arith.cmpi slt, %rem3A_134, %lt3A_137 : i32
        %lt3A_139 = arith.constant 0 : i32
        %lt3A_140 = arith.cmpi slt, %select_n3A_133, %lt3A_139 : i32
        %ne3A_141 = arith.xori %lt3A_138, %lt3A_140 : i1
        %and3A_142 = arith.andi %ne3A_141, %ne3A_136 : i1
        %add3A_143 = arith.addi %rem3A_134, %select_n3A_133 : i32
        %select_n3A_144 = arith.select %and3A_142, %add3A_143, %rem3A_134 : i32
        %mul3A_145 = arith.constant 32 : i32
        %mul3A_146 = arith.muli %select_n3A_144, %mul3A_145 : i32
        %swap3A = arith.index_cast %select_n3A_128 : i32 to index
        %swap3A_147 = arith.index_cast %mul3A_146 : i32 to index
        %swap3A_148 = tpu.vector_load %arg16[%swap3A, %swap3A_147] {strides = array<i32>} : memref<64x128xf32, #tpu.memory_space<vmem>>, vector<16xf32>,
        tpu.vector_store %arg16[%swap3A, %swap3A_147], %gather3A_103 {strides = array<i32>} : memref<64x128xf32, #tpu.memory_space<vmem>>, vector<16xf32>,
        %add3A_149 = arith.constant 16 : i32
        %add3A_150 = arith.addi %mul3A_146, %add3A_149 : i32
        %swap3A_151 = arith.index_cast %select_n3A_128 : i32 to index
        %swap3A_152 = arith.index_cast %add3A_150 : i32 to index
        %swap3A_153 = tpu.vector_load %arg16[%swap3A_151, %swap3A_152] {strides = array<i32>} : memref<64x128xf32, #tpu.memory_space<vmem>>, vector<16xf32>,
        tpu.vector_store %arg16[%swap3A_151, %swap3A_152], %gather3A_104 {strides = array<i32>} : memref<64x128xf32, #tpu.memory_space<vmem>>, vector<16xf32>,
        %scan3A_154 = arith.constant 0 : i32
        scf.yield %scan3A_154 : i32
      }
      %scan3A_61 = arith.constant 8 : i32
      %scan3A_62 = arith.constant 0 : i32
      scf.yield %scan3A_62 : i32
    }
    %scan3A_37 = arith.constant 32 : i32
    "tpu.region"() ({
      %run_scoped3A = tpu.sem_alloc : memref<!tpu.dma_semaphore, #tpu.memory_space<semaphore_mem>>
      %dma_start3A = arith.constant 0 : i32
      %dma_start3A_38 = tpu.memref_slice %arg8[%mul3A_2, %dma_start3A] : memref<2048x128xf32, #tpu.memory_space<hbm>> -> memref<64x128xf32, #tpu.memory_space<hbm>>
      %dma_start3A_39 = arith.constant 0 : i32
      %dma_start3A_40 = tpu.memref_slice %arg8[%mul3A_2, %dma_start3A_39] : memref<2048x128xf32, #tpu.memory_space<hbm>> -> memref<64x128xf32, #tpu.memory_space<hbm>>
      tpu.enqueue_dma source(%arg15 : memref<64x128xf32, #tpu.memory_space<vmem>>) target(%dma_start3A_40 : memref<64x128xf32, #tpu.memory_space<hbm>>) target_semaphore(%run_scoped3A : memref<!tpu.dma_semaphore, #tpu.memory_space<semaphore_mem>>)
      %dma_wait3A = arith.constant 0 : i32
      %dma_wait3A_41 = tpu.memref_slice %arg8[%mul3A_2, %dma_wait3A] : memref<2048x128xf32, #tpu.memory_space<hbm>> -> memref<64x128xf32, #tpu.memory_space<hbm>>
      %dma_wait3A_42 = arith.constant 0 : i32
      %dma_wait3A_43 = tpu.memref_slice %arg8[%mul3A_2, %dma_wait3A_42] : memref<2048x128xf32, #tpu.memory_space<hbm>> -> memref<64x128xf32, #tpu.memory_space<hbm>>
      tpu.wait_dma2 semaphore(%run_scoped3A : memref<!tpu.dma_semaphore, #tpu.memory_space<semaphore_mem>>) src(%arg15 : memref<64x128xf32, #tpu.memory_space<vmem>>) dst(%dma_wait3A_43 : memref<64x128xf32, #tpu.memory_space<hbm>>)
      tpu.yield
    }) : () -> ()
    "tpu.region"() ({
      %run_scoped3A = tpu.sem_alloc : memref<!tpu.dma_semaphore, #tpu.memory_space<semaphore_mem>>
      %dma_start3A = arith.constant 0 : i32
      %dma_start3A_38 = tpu.memref_slice %arg9[%mul3A_2, %dma_start3A] : memref<2048x128xf32, #tpu.memory_space<hbm>> -> memref<64x128xf32, #tpu.memory_space<hbm>>
      %dma_start3A_39 = arith.constant 0 : i32
      %dma_start3A_40 = tpu.memref_slice %arg9[%mul3A_2, %dma_start3A_39] : memref<2048x128xf32, #tpu.memory_space<hbm>> -> memref<64x128xf32, #tpu.memory_space<hbm>>
      tpu.enqueue_dma source(%arg16 : memref<64x128xf32, #tpu.memory_space<vmem>>) target(%dma_start3A_40 : memref<64x128xf32, #tpu.memory_space<hbm>>) target_semaphore(%run_scoped3A : memref<!tpu.dma_semaphore, #tpu.memory_space<semaphore_mem>>)
      %dma_wait3A = arith.constant 0 : i32
      %dma_wait3A_41 = tpu.memref_slice %arg9[%mul3A_2, %dma_wait3A] : memref<2048x128xf32, #tpu.memory_space<hbm>> -> memref<64x128xf32, #tpu.memory_space<hbm>>
      %dma_wait3A_42 = arith.constant 0 : i32
      %dma_wait3A_43 = tpu.memref_slice %arg9[%mul3A_2, %dma_wait3A_42] : memref<2048x128xf32, #tpu.memory_space<hbm>> -> memref<64x128xf32, #tpu.memory_space<hbm>>
      tpu.wait_dma2 semaphore(%run_scoped3A : memref<!tpu.dma_semaphore, #tpu.memory_space<semaphore_mem>>) src(%arg16 : memref<64x128xf32, #tpu.memory_space<vmem>>) dst(%dma_wait3A_43 : memref<64x128xf32, #tpu.memory_space<hbm>>)
      tpu.yield
    }) : () -> ()
    return
  }
}

#map = affine_map<(d0, d1) -> (0, 0)>
#map1 = affine_map<(d0, d1) -> (0, 0, 0)>
module attributes {stable_mosaic.version = 14 : i64} {
  func.func @gather_kernel(%arg0: i32, %arg1: i32, %arg2: memref<32x1000000xf32, #tpu.memory_space<hbm>>, %arg3: memref<32x1000000xf32, #tpu.memory_space<hbm>>, %arg4: memref<32x2x128xi32, #tpu.memory_space<hbm>>, %arg5: memref<32x2x128xi32, #tpu.memory_space<hbm>>, %arg6: memref<32x2x128xi32, #tpu.memory_space<hbm>>, %arg7: memref<32x2x128xi32, #tpu.memory_space<hbm>>, %arg8: memref<2048x128xf32, #tpu.memory_space<hbm>>, %arg9: memref<2048x128xf32, #tpu.memory_space<hbm>>, %arg10: memref<2x128xi32, #tpu.memory_space<vmem>>, %arg11: memref<2x128xi32, #tpu.memory_space<vmem>>, %arg12: memref<2x128xi32, #tpu.memory_space<vmem>>, %arg13: memref<2x128xi32, #tpu.memory_space<vmem>>, %arg14: memref<2x8x32x128xf32, #tpu.memory_space<vmem>>, %arg15: memref<64x128xf32, #tpu.memory_space<vmem>>, %arg16: memref<64x128xf32, #tpu.memory_space<vmem>>, %arg17: memref<!tpu.dma_semaphore, #tpu.memory_space<semaphore_mem>>, %arg18: memref<!tpu.dma_semaphore, #tpu.memory_space<semaphore_mem>>) attributes {dimension_semantics = [#tpu.dimension_semantics<core_parallel>, #tpu.dimension_semantics<subcore_parallel>], iteration_bounds = array<i64: 2, 16>, scalar_prefetch = 0 : i64, scratch_operands = 9 : i64, tpu.core_type = #tpu.core_type<sc_vector_subcore>, window_params = [{transform_indices = #map}, {transform_indices = #map}, {transform_indices = #map1}, {transform_indices = #map1}, {transform_indices = #map1}, {transform_indices = #map1}, {transform_indices = #map}, {transform_indices = #map}]} {
    %mul3A = arith.constant 2 : i32
    %mul3A_0 = arith.muli %arg1, %mul3A : i32
    %add3A = arith.addi %mul3A_0, %arg0 : i32
    %mul3A_1 = arith.constant 64 : i32
    %mul3A_2 = arith.muli %add3A, %mul3A_1 : i32
    "tpu.region"() ({
      %run_scoped3A = tpu.sem_alloc : memref<!tpu.dma_semaphore, #tpu.memory_space<semaphore_mem>>
      %dma_start3A = arith.constant 0 : i32
      %dma_start3A_38 = arith.constant 0 : i32
      %dma_start3A_39 = tpu.memref_slice %arg4[%add3A, %dma_start3A, %dma_start3A_38] : memref<32x2x128xi32, #tpu.memory_space<hbm>> -> memref<1x2x128xi32, #tpu.memory_space<hbm>>
      %dma_start3A_40 = tpu.memref_squeeze %dma_start3A_39 : memref<1x2x128xi32, #tpu.memory_space<hbm>> -> memref<2x128xi32, #tpu.memory_space<hbm>>
      %dma_start3A_41 = arith.constant 0 : i32
      %dma_start3A_42 = arith.constant 0 : i32
      %dma_start3A_43 = tpu.memref_slice %arg4[%add3A, %dma_start3A_41, %dma_start3A_42] : memref<32x2x128xi32, #tpu.memory_space<hbm>> -> memref<1x2x128xi32, #tpu.memory_space<hbm>>
      %dma_start3A_44 = tpu.memref_squeeze %dma_start3A_43 : memref<1x2x128xi32, #tpu.memory_space<hbm>> -> memref<2x128xi32, #tpu.memory_space<hbm>>
      tpu.enqueue_dma source(%dma_start3A_44 : memref<2x128xi32, #tpu.memory_space<hbm>>) target(%arg10 : memref<2x128xi32, #tpu.memory_space<vmem>>) target_semaphore(%run_scoped3A : memref<!tpu.dma_semaphore, #tpu.memory_space<semaphore_mem>>)
      %dma_wait3A = arith.constant 0 : i32
      %dma_wait3A_45 = arith.constant 0 : i32
      %dma_wait3A_46 = tpu.memref_slice %arg4[%add3A, %dma_wait3A, %dma_wait3A_45] : memref<32x2x128xi32, #tpu.memory_space<hbm>> -> memref<1x2x128xi32, #tpu.memory_space<hbm>>
      %dma_wait3A_47 = tpu.memref_squeeze %dma_wait3A_46 : memref<1x2x128xi32, #tpu.memory_space<hbm>> -> memref<2x128xi32, #tpu.memory_space<hbm>>
      %dma_wait3A_48 = arith.constant 0 : i32
      %dma_wait3A_49 = arith.constant 0 : i32
      %dma_wait3A_50 = tpu.memref_slice %arg4[%add3A, %dma_wait3A_48, %dma_wait3A_49] : memref<32x2x128xi32, #tpu.memory_space<hbm>> -> memref<1x2x128xi32, #tpu.memory_space<hbm>>
      %dma_wait3A_51 = tpu.memref_squeeze %dma_wait3A_50 : memref<1x2x128xi32, #tpu.memory_space<hbm>> -> memref<2x128xi32, #tpu.memory_space<hbm>>
      tpu.wait_dma2 semaphore(%run_scoped3A : memref<!tpu.dma_semaphore, #tpu.memory_space<semaphore_mem>>) src(%dma_wait3A_51 : memref<2x128xi32, #tpu.memory_space<hbm>>) dst(%arg10 : memref<2x128xi32, #tpu.memory_space<vmem>>)
      tpu.yield
    }) : () -> ()
    "tpu.region"() ({
      %run_scoped3A = tpu.sem_alloc : memref<!tpu.dma_semaphore, #tpu.memory_space<semaphore_mem>>
      %dma_start3A = arith.constant 0 : i32
      %dma_start3A_38 = arith.constant 0 : i32
      %dma_start3A_39 = tpu.memref_slice %arg5[%add3A, %dma_start3A, %dma_start3A_38] : memref<32x2x128xi32, #tpu.memory_space<hbm>> -> memref<1x2x128xi32, #tpu.memory_space<hbm>>
      %dma_start3A_40 = tpu.memref_squeeze %dma_start3A_39 : memref<1x2x128xi32, #tpu.memory_space<hbm>> -> memref<2x128xi32, #tpu.memory_space<hbm>>
      %dma_start3A_41 = arith.constant 0 : i32
      %dma_start3A_42 = arith.constant 0 : i32
      %dma_start3A_43 = tpu.memref_slice %arg5[%add3A, %dma_start3A_41, %dma_start3A_42] : memref<32x2x128xi32, #tpu.memory_space<hbm>> -> memref<1x2x128xi32, #tpu.memory_space<hbm>>
      %dma_start3A_44 = tpu.memref_squeeze %dma_start3A_43 : memref<1x2x128xi32, #tpu.memory_space<hbm>> -> memref<2x128xi32, #tpu.memory_space<hbm>>
      tpu.enqueue_dma source(%dma_start3A_44 : memref<2x128xi32, #tpu.memory_space<hbm>>) target(%arg11 : memref<2x128xi32, #tpu.memory_space<vmem>>) target_semaphore(%run_scoped3A : memref<!tpu.dma_semaphore, #tpu.memory_space<semaphore_mem>>)
      %dma_wait3A = arith.constant 0 : i32
      %dma_wait3A_45 = arith.constant 0 : i32
      %dma_wait3A_46 = tpu.memref_slice %arg5[%add3A, %dma_wait3A, %dma_wait3A_45] : memref<32x2x128xi32, #tpu.memory_space<hbm>> -> memref<1x2x128xi32, #tpu.memory_space<hbm>>
      %dma_wait3A_47 = tpu.memref_squeeze %dma_wait3A_46 : memref<1x2x128xi32, #tpu.memory_space<hbm>> -> memref<2x128xi32, #tpu.memory_space<hbm>>
      %dma_wait3A_48 = arith.constant 0 : i32
      %dma_wait3A_49 = arith.constant 0 : i32
      %dma_wait3A_50 = tpu.memref_slice %arg5[%add3A, %dma_wait3A_48, %dma_wait3A_49] : memref<32x2x128xi32, #tpu.memory_space<hbm>> -> memref<1x2x128xi32, #tpu.memory_space<hbm>>
      %dma_wait3A_51 = tpu.memref_squeeze %dma_wait3A_50 : memref<1x2x128xi32, #tpu.memory_space<hbm>> -> memref<2x128xi32, #tpu.memory_space<hbm>>
      tpu.wait_dma2 semaphore(%run_scoped3A : memref<!tpu.dma_semaphore, #tpu.memory_space<semaphore_mem>>) src(%dma_wait3A_51 : memref<2x128xi32, #tpu.memory_space<hbm>>) dst(%arg11 : memref<2x128xi32, #tpu.memory_space<vmem>>)
      tpu.yield
    }) : () -> ()
    "tpu.region"() ({
      %run_scoped3A = tpu.sem_alloc : memref<!tpu.dma_semaphore, #tpu.memory_space<semaphore_mem>>
      %dma_start3A = arith.constant 0 : i32
      %dma_start3A_38 = arith.constant 0 : i32
      %dma_start3A_39 = tpu.memref_slice %arg6[%add3A, %dma_start3A, %dma_start3A_38] : memref<32x2x128xi32, #tpu.memory_space<hbm>> -> memref<1x2x128xi32, #tpu.memory_space<hbm>>
      %dma_start3A_40 = tpu.memref_squeeze %dma_start3A_39 : memref<1x2x128xi32, #tpu.memory_space<hbm>> -> memref<2x128xi32, #tpu.memory_space<hbm>>
      %dma_start3A_41 = arith.constant 0 : i32
      %dma_start3A_42 = arith.constant 0 : i32
      %dma_start3A_43 = tpu.memref_slice %arg6[%add3A, %dma_start3A_41, %dma_start3A_42] : memref<32x2x128xi32, #tpu.memory_space<hbm>> -> memref<1x2x128xi32, #tpu.memory_space<hbm>>
      %dma_start3A_44 = tpu.memref_squeeze %dma_start3A_43 : memref<1x2x128xi32, #tpu.memory_space<hbm>> -> memref<2x128xi32, #tpu.memory_space<hbm>>
      tpu.enqueue_dma source(%dma_start3A_44 : memref<2x128xi32, #tpu.memory_space<hbm>>) target(%arg12 : memref<2x128xi32, #tpu.memory_space<vmem>>) target_semaphore(%run_scoped3A : memref<!tpu.dma_semaphore, #tpu.memory_space<semaphore_mem>>)
      %dma_wait3A = arith.constant 0 : i32
      %dma_wait3A_45 = arith.constant 0 : i32
      %dma_wait3A_46 = tpu.memref_slice %arg6[%add3A, %dma_wait3A, %dma_wait3A_45] : memref<32x2x128xi32, #tpu.memory_space<hbm>> -> memref<1x2x128xi32, #tpu.memory_space<hbm>>
      %dma_wait3A_47 = tpu.memref_squeeze %dma_wait3A_46 : memref<1x2x128xi32, #tpu.memory_space<hbm>> -> memref<2x128xi32, #tpu.memory_space<hbm>>
      %dma_wait3A_48 = arith.constant 0 : i32
      %dma_wait3A_49 = arith.constant 0 : i32
      %dma_wait3A_50 = tpu.memref_slice %arg6[%add3A, %dma_wait3A_48, %dma_wait3A_49] : memref<32x2x128xi32, #tpu.memory_space<hbm>> -> memref<1x2x128xi32, #tpu.memory_space<hbm>>
      %dma_wait3A_51 = tpu.memref_squeeze %dma_wait3A_50 : memref<1x2x128xi32, #tpu.memory_space<hbm>> -> memref<2x128xi32, #tpu.memory_space<hbm>>
      tpu.wait_dma2 semaphore(%run_scoped3A : memref<!tpu.dma_semaphore, #tpu.memory_space<semaphore_mem>>) src(%dma_wait3A_51 : memref<2x128xi32, #tpu.memory_space<hbm>>) dst(%arg12 : memref<2x128xi32, #tpu.memory_space<vmem>>)
      tpu.yield
    }) : () -> ()
    "tpu.region"() ({
      %run_scoped3A = tpu.sem_alloc : memref<!tpu.dma_semaphore, #tpu.memory_space<semaphore_mem>>
      %dma_start3A = arith.constant 0 : i32
      %dma_start3A_38 = arith.constant 0 : i32
      %dma_start3A_39 = tpu.memref_slice %arg7[%add3A, %dma_start3A, %dma_start3A_38] : memref<32x2x128xi32, #tpu.memory_space<hbm>> -> memref<1x2x128xi32, #tpu.memory_space<hbm>>
      %dma_start3A_40 = tpu.memref_squeeze %dma_start3A_39 : memref<1x2x128xi32, #tpu.memory_space<hbm>> -> memref<2x128xi32, #tpu.memory_space<hbm>>
      %dma_start3A_41 = arith.constant 0 : i32
      %dma_start3A_42 = arith.constant 0 : i32
      %dma_start3A_43 = tpu.memref_slice %arg7[%add3A, %dma_start3A_41, %dma_start3A_42] : memref<32x2x128xi32, #tpu.memory_space<hbm>> -> memref<1x2x128xi32, #tpu.memory_space<hbm>>
      %dma_start3A_44 = tpu.memref_squeeze %dma_start3A_43 : memref<1x2x128xi32, #tpu.memory_space<hbm>> -> memref<2x128xi32, #tpu.memory_space<hbm>>
      tpu.enqueue_dma source(%dma_start3A_44 : memref<2x128xi32, #tpu.memory_space<hbm>>) target(%arg13 : memref<2x128xi32, #tpu.memory_space<vmem>>) target_semaphore(%run_scoped3A : memref<!tpu.dma_semaphore, #tpu.memory_space<semaphore_mem>>)
      %dma_wait3A = arith.constant 0 : i32
      %dma_wait3A_45 = arith.constant 0 : i32
      %dma_wait3A_46 = tpu.memref_slice %arg7[%add3A, %dma_wait3A, %dma_wait3A_45] : memref<32x2x128xi32, #tpu.memory_space<hbm>> -> memref<1x2x128xi32, #tpu.memory_space<hbm>>
      %dma_wait3A_47 = tpu.memref_squeeze %dma_wait3A_46 : memref<1x2x128xi32, #tpu.memory_space<hbm>> -> memref<2x128xi32, #tpu.memory_space<hbm>>
      %dma_wait3A_48 = arith.constant 0 : i32
      %dma_wait3A_49 = arith.constant 0 : i32
      %dma_wait3A_50 = tpu.memref_slice %arg7[%add3A, %dma_wait3A_48, %dma_wait3A_49] : memref<32x2x128xi32, #tpu.memory_space<hbm>> -> memref<1x2x128xi32, #tpu.memory_space<hbm>>
      %dma_wait3A_51 = tpu.memref_squeeze %dma_wait3A_50 : memref<1x2x128xi32, #tpu.memory_space<hbm>> -> memref<2x128xi32, #tpu.memory_space<hbm>>
      tpu.wait_dma2 semaphore(%run_scoped3A : memref<!tpu.dma_semaphore, #tpu.memory_space<semaphore_mem>>) src(%dma_wait3A_51 : memref<2x128xi32, #tpu.memory_space<hbm>>) dst(%arg13 : memref<2x128xi32, #tpu.memory_space<vmem>>)
      tpu.yield
    }) : () -> ()
    %iota3A = tpu.iota {dimensions = array<i32: 0>} : vector<16xi32>
    %add3A_3 = arith.constant 16 : i32
    %add3A_4 = vector.broadcast %add3A_3 : i32 to vector<16xi32>
    %add3A_5 = arith.addi %iota3A, %add3A_4 : vector<16xi32>
    %and3A = arith.constant 0 : i32
    %and3A_6 = arith.constant 1 : i32
    %and3A_7 = arith.andi %and3A, %and3A_6 : i32
    %scan3A = arith.constant 0 : i32
    %scan3A_8 = arith.constant 0 : i32
    %scan3A_9 = arith.constant 8 : i32
    %scan3A_10 = arith.addi %scan3A_8, %scan3A_9 : i32
    %scan3A_11 = arith.constant 1 : i32
    %scan3A_12 = scf.for %scan3A_38 = %scan3A_8 to %scan3A_10 step %scan3A_11 iter_args(%scan3A_39 = %scan3A) -> (i32)  : i32 {
      %add3A_40 = arith.constant 0 : i32
      %add3A_41 = arith.addi %add3A_40, %scan3A_38 : i32
      %jit3A = arith.constant 128 : i32
      %div3A = arith.divsi %add3A_41, %jit3A : i32
      %sign3A = arith.constant 0 : i32
      %sign3A_42 = arith.cmpi sgt, %add3A_41, %sign3A : i32
      %sign3A_43 = arith.extui %sign3A_42 : i1 to i32
      %sign3A_44 = arith.constant 0 : i32
      %sign3A_45 = arith.cmpi slt, %add3A_41, %sign3A_44 : i32
      %sign3A_46 = arith.extui %sign3A_45 : i1 to i32
      %sign3A_47 = arith.subi %sign3A_43, %sign3A_46 : i32
      %sign3A_48 = arith.constant 0 : i32
      %sign3A_49 = arith.cmpi sgt, %jit3A, %sign3A_48 : i32
      %sign3A_50 = arith.extui %sign3A_49 : i1 to i32
      %sign3A_51 = arith.constant 0 : i32
      %sign3A_52 = arith.cmpi slt, %jit3A, %sign3A_51 : i32
      %sign3A_53 = arith.extui %sign3A_52 : i1 to i32
      %sign3A_54 = arith.subi %sign3A_50, %sign3A_53 : i32
      %ne3A = arith.cmpi ne, %sign3A_47, %sign3A_54 : i32
      %rem3A = arith.remsi %add3A_41, %jit3A : i32
      %ne3A_55 = arith.constant 0 : i32
      %ne3A_56 = arith.cmpi ne, %rem3A, %ne3A_55 : i32
      %and3A_57 = arith.andi %ne3A, %ne3A_56 : i1
      %sub3A = arith.constant 1 : i32
      %sub3A_58 = arith.subi %div3A, %sub3A : i32
      %select_n3A = arith.select %and3A_57, %sub3A_58, %div3A : i32
      %broadcast_in_dim3A = vector.broadcast %select_n3A : i32 to vector<16xi32>
      %jit3A_59 = arith.constant 128 : i32
      %eq3A = arith.constant 0 : i32
      %eq3A_60 = arith.cmpi eq, %jit3A_59, %eq3A : i32
      %jit3A_61 = arith.constant 1 : i32
      %select_n3A_62 = arith.select %eq3A_60, %jit3A_61, %jit3A_59 : i32
      %rem3A_63 = arith.remsi %add3A_41, %select_n3A_62 : i32
      %ne3A_64 = arith.constant 0 : i32
      %ne3A_65 = arith.cmpi ne, %rem3A_63, %ne3A_64 : i32
      %lt3A = arith.constant 0 : i32
      %lt3A_66 = arith.cmpi slt, %rem3A_63, %lt3A : i32
      %lt3A_67 = arith.constant 0 : i32
      %lt3A_68 = arith.cmpi slt, %select_n3A_62, %lt3A_67 : i32
      %ne3A_69 = arith.xori %lt3A_66, %lt3A_68 : i1
      %and3A_70 = arith.andi %ne3A_69, %ne3A_65 : i1
      %add3A_71 = arith.addi %rem3A_63, %select_n3A_62 : i32
      %select_n3A_72 = arith.select %and3A_70, %add3A_71, %rem3A_63 : i32
      %broadcast_in_dim3A_73 = vector.broadcast %select_n3A_72 : i32 to vector<16xi32>
      %gather3A = tpu.vector_load_idx %arg10[%broadcast_in_dim3A, %broadcast_in_dim3A_73] : memref<2x128xi32, #tpu.memory_space<vmem>>[vector<16xi32>, vector<16xi32>], vector<16xi32>,
      %reduce_max3A = arith.constant true
      %reduce_max3A_74 = vector.broadcast %reduce_max3A : i1 to vector<16xi1>
      %reduce_max3A_75 = arith.constant -2147483648 : i32
      %reduce_max3A_76 = vector.broadcast %reduce_max3A_75 : i32 to vector<16xi32>
      %reduce_max3A_77 = arith.xori %gather3A, %reduce_max3A_76 : vector<16xi32>
      %reduce_max3A_78 = tpu.scan <max>, %reduce_max3A_77 masked %reduce_max3A_74 : vector<16xi32>, vector<16xi1> -> vector<16xi32>
      %reduce_max3A_79 = arith.xori %reduce_max3A_78, %reduce_max3A_76 : vector<16xi32>
      %reduce_max3A_80 = vector.extract %reduce_max3A_79[15] : i32 from vector<16xi32>
      %mul3A_81 = arith.constant 128 : i32
      %mul3A_82 = arith.muli %reduce_max3A_80, %mul3A_81 : i32
      %multiple_of3A = tpu.assume_multiple %mul3A_82, 128 : i32
      %eq3A_83 = arith.constant 0 : i32
      %eq3A_84 = arith.cmpi eq, %and3A_7, %eq3A_83 : i32
      %convert_element_type3A = arith.extui %eq3A_84 : i1 to i32
      %cond3A = arith.constant 0 : i32
      %cond3A_85 = arith.constant 0 : i32
      %cond3A_86 = arith.cmpi ne, %convert_element_type3A, %cond3A_85 : i32
      scf.if %cond3A_86 {
        %dma_start3A = arith.constant 0 : i32
        %dma_start3A_94 = arith.constant 0 : i32
        %dma_start3A_95 = tpu.memref_slice %arg14[%cond3A, %scan3A_38, %dma_start3A, %dma_start3A_94] : memref<2x8x32x128xf32, #tpu.memory_space<vmem>> -> memref<1x1x32x128xf32, #tpu.memory_space<vmem>>
        %dma_start3A_96 = tpu.memref_squeeze %dma_start3A_95 : memref<1x1x32x128xf32, #tpu.memory_space<vmem>> -> memref<32x128xf32, #tpu.memory_space<vmem>>
        %dma_start3A_97 = arith.constant 0 : i32
        %dma_start3A_98 = tpu.memref_slice %arg2[%dma_start3A_97, %multiple_of3A] : memref<32x1000000xf32, #tpu.memory_space<hbm>> -> memref<32x128xf32, #tpu.memory_space<hbm>>
        %dma_start3A_99 = arith.constant 0 : i32
        %dma_start3A_100 = arith.constant 0 : i32
        %dma_start3A_101 = tpu.memref_slice %arg14[%cond3A, %scan3A_38, %dma_start3A_99, %dma_start3A_100] : memref<2x8x32x128xf32, #tpu.memory_space<vmem>> -> memref<1x1x32x128xf32, #tpu.memory_space<vmem>>
        %dma_start3A_102 = tpu.memref_squeeze %dma_start3A_101 : memref<1x1x32x128xf32, #tpu.memory_space<vmem>> -> memref<32x128xf32, #tpu.memory_space<vmem>>
        %dma_start3A_103 = arith.constant 0 : i32
        %dma_start3A_104 = tpu.memref_slice %arg2[%dma_start3A_103, %multiple_of3A] : memref<32x1000000xf32, #tpu.memory_space<hbm>> -> memref<32x128xf32, #tpu.memory_space<hbm>>
        tpu.enqueue_dma source(%dma_start3A_104 : memref<32x128xf32, #tpu.memory_space<hbm>>) target(%dma_start3A_102 : memref<32x128xf32, #tpu.memory_space<vmem>>) target_semaphore(%arg17 : memref<!tpu.dma_semaphore, #tpu.memory_space<semaphore_mem>>)
      } else {
      }
      %eq3A_87 = arith.constant 1 : i32
      %eq3A_88 = arith.cmpi eq, %and3A_7, %eq3A_87 : i32
      %convert_element_type3A_89 = arith.extui %eq3A_88 : i1 to i32
      %cond3A_90 = arith.constant 1 : i32
      %cond3A_91 = arith.constant 0 : i32
      %cond3A_92 = arith.cmpi ne, %convert_element_type3A_89, %cond3A_91 : i32
      scf.if %cond3A_92 {
        %dma_start3A = arith.constant 0 : i32
        %dma_start3A_94 = arith.constant 0 : i32
        %dma_start3A_95 = tpu.memref_slice %arg14[%cond3A_90, %scan3A_38, %dma_start3A, %dma_start3A_94] : memref<2x8x32x128xf32, #tpu.memory_space<vmem>> -> memref<1x1x32x128xf32, #tpu.memory_space<vmem>>
        %dma_start3A_96 = tpu.memref_squeeze %dma_start3A_95 : memref<1x1x32x128xf32, #tpu.memory_space<vmem>> -> memref<32x128xf32, #tpu.memory_space<vmem>>
        %dma_start3A_97 = arith.constant 0 : i32
        %dma_start3A_98 = tpu.memref_slice %arg2[%dma_start3A_97, %multiple_of3A] : memref<32x1000000xf32, #tpu.memory_space<hbm>> -> memref<32x128xf32, #tpu.memory_space<hbm>>
        %dma_start3A_99 = arith.constant 0 : i32
        %dma_start3A_100 = arith.constant 0 : i32
        %dma_start3A_101 = tpu.memref_slice %arg14[%cond3A_90, %scan3A_38, %dma_start3A_99, %dma_start3A_100] : memref<2x8x32x128xf32, #tpu.memory_space<vmem>> -> memref<1x1x32x128xf32, #tpu.memory_space<vmem>>
        %dma_start3A_102 = tpu.memref_squeeze %dma_start3A_101 : memref<1x1x32x128xf32, #tpu.memory_space<vmem>> -> memref<32x128xf32, #tpu.memory_space<vmem>>
        %dma_start3A_103 = arith.constant 0 : i32
        %dma_start3A_104 = tpu.memref_slice %arg2[%dma_start3A_103, %multiple_of3A] : memref<32x1000000xf32, #tpu.memory_space<hbm>> -> memref<32x128xf32, #tpu.memory_space<hbm>>
        tpu.enqueue_dma source(%dma_start3A_104 : memref<32x128xf32, #tpu.memory_space<hbm>>) target(%dma_start3A_102 : memref<32x128xf32, #tpu.memory_space<vmem>>) target_semaphore(%arg18 : memref<!tpu.dma_semaphore, #tpu.memory_space<semaphore_mem>>)
      } else {
      }
      %scan3A_93 = arith.constant 0 : i32
      scf.yield %scan3A_93 : i32
    }
    %scan3A_13 = arith.constant 8 : i32
    %scan3A_14 = arith.constant 0 : i32
    %scan3A_15 = arith.constant 0 : i32
    %scan3A_16 = arith.constant 32 : i32
    %scan3A_17 = arith.addi %scan3A_15, %scan3A_16 : i32
    %scan3A_18 = arith.constant 1 : i32
    %scan3A_19 = scf.for %scan3A_38 = %scan3A_15 to %scan3A_17 step %scan3A_18 iter_args(%scan3A_39 = %scan3A_14) -> (i32)  : i32 {
      %and3A_40 = arith.constant 1 : i32
      %and3A_41 = arith.andi %scan3A_38, %and3A_40 : i32
      %scan3A_42 = arith.constant 0 : i32
      %scan3A_43 = arith.constant 0 : i32
      %scan3A_44 = arith.constant 8 : i32
      %scan3A_45 = arith.addi %scan3A_43, %scan3A_44 : i32
      %scan3A_46 = arith.constant 1 : i32
      %scan3A_47 = scf.for %scan3A_63 = %scan3A_43 to %scan3A_45 step %scan3A_46 iter_args(%scan3A_64 = %scan3A_42) -> (i32)  : i32 {
        %eq3A = arith.constant 0 : i32
        %eq3A_65 = arith.cmpi eq, %and3A_41, %eq3A : i32
        %convert_element_type3A_66 = arith.extui %eq3A_65 : i1 to i32
        %cond3A_67 = arith.constant 0 : i32
        %cond3A_68 = arith.cmpi ne, %convert_element_type3A_66, %cond3A_67 : i32
        scf.if %cond3A_68 {
          %dma_wait3A = arith.constant 0 : i32
          %dma_wait3A_75 = arith.constant 0 : i32
          %dma_wait3A_76 = arith.constant 0 : i32
          %dma_wait3A_77 = tpu.memref_slice %arg14[%dma_wait3A, %scan3A_63, %dma_wait3A_75, %dma_wait3A_76] : memref<2x8x32x128xf32, #tpu.memory_space<vmem>> -> memref<1x1x32x128xf32, #tpu.memory_space<vmem>>
          %dma_wait3A_78 = tpu.memref_squeeze %dma_wait3A_77 : memref<1x1x32x128xf32, #tpu.memory_space<vmem>> -> memref<32x128xf32, #tpu.memory_space<vmem>>
          %dma_wait3A_79 = arith.constant 0 : i32
          %dma_wait3A_80 = arith.constant 0 : i32
          %dma_wait3A_81 = tpu.memref_slice %arg2[%dma_wait3A_79, %dma_wait3A_80] : memref<32x1000000xf32, #tpu.memory_space<hbm>> -> memref<32x128xf32, #tpu.memory_space<hbm>>
          %dma_wait3A_82 = arith.constant 0 : i32
          %dma_wait3A_83 = arith.constant 0 : i32
          %dma_wait3A_84 = tpu.memref_slice %arg14[%dma_wait3A, %scan3A_63, %dma_wait3A_82, %dma_wait3A_83] : memref<2x8x32x128xf32, #tpu.memory_space<vmem>> -> memref<1x1x32x128xf32, #tpu.memory_space<vmem>>
          %dma_wait3A_85 = tpu.memref_squeeze %dma_wait3A_84 : memref<1x1x32x128xf32, #tpu.memory_space<vmem>> -> memref<32x128xf32, #tpu.memory_space<vmem>>
          %dma_wait3A_86 = arith.constant 0 : i32
          %dma_wait3A_87 = arith.constant 0 : i32
          %dma_wait3A_88 = tpu.memref_slice %arg2[%dma_wait3A_86, %dma_wait3A_87] : memref<32x1000000xf32, #tpu.memory_space<hbm>> -> memref<32x128xf32, #tpu.memory_space<hbm>>
          tpu.wait_dma2 semaphore(%arg17 : memref<!tpu.dma_semaphore, #tpu.memory_space<semaphore_mem>>) src(%dma_wait3A_88 : memref<32x128xf32, #tpu.memory_space<hbm>>) dst(%dma_wait3A_85 : memref<32x128xf32, #tpu.memory_space<vmem>>)
        } else {
        }
        %eq3A_69 = arith.constant 1 : i32
        %eq3A_70 = arith.cmpi eq, %and3A_41, %eq3A_69 : i32
        %convert_element_type3A_71 = arith.extui %eq3A_70 : i1 to i32
        %cond3A_72 = arith.constant 0 : i32
        %cond3A_73 = arith.cmpi ne, %convert_element_type3A_71, %cond3A_72 : i32
        scf.if %cond3A_73 {
          %dma_wait3A = arith.constant 1 : i32
          %dma_wait3A_75 = arith.constant 0 : i32
          %dma_wait3A_76 = arith.constant 0 : i32
          %dma_wait3A_77 = tpu.memref_slice %arg14[%dma_wait3A, %scan3A_63, %dma_wait3A_75, %dma_wait3A_76] : memref<2x8x32x128xf32, #tpu.memory_space<vmem>> -> memref<1x1x32x128xf32, #tpu.memory_space<vmem>>
          %dma_wait3A_78 = tpu.memref_squeeze %dma_wait3A_77 : memref<1x1x32x128xf32, #tpu.memory_space<vmem>> -> memref<32x128xf32, #tpu.memory_space<vmem>>
          %dma_wait3A_79 = arith.constant 0 : i32
          %dma_wait3A_80 = arith.constant 0 : i32
          %dma_wait3A_81 = tpu.memref_slice %arg2[%dma_wait3A_79, %dma_wait3A_80] : memref<32x1000000xf32, #tpu.memory_space<hbm>> -> memref<32x128xf32, #tpu.memory_space<hbm>>
          %dma_wait3A_82 = arith.constant 0 : i32
          %dma_wait3A_83 = arith.constant 0 : i32
          %dma_wait3A_84 = tpu.memref_slice %arg14[%dma_wait3A, %scan3A_63, %dma_wait3A_82, %dma_wait3A_83] : memref<2x8x32x128xf32, #tpu.memory_space<vmem>> -> memref<1x1x32x128xf32, #tpu.memory_space<vmem>>
          %dma_wait3A_85 = tpu.memref_squeeze %dma_wait3A_84 : memref<1x1x32x128xf32, #tpu.memory_space<vmem>> -> memref<32x128xf32, #tpu.memory_space<vmem>>
          %dma_wait3A_86 = arith.constant 0 : i32
          %dma_wait3A_87 = arith.constant 0 : i32
          %dma_wait3A_88 = tpu.memref_slice %arg2[%dma_wait3A_86, %dma_wait3A_87] : memref<32x1000000xf32, #tpu.memory_space<hbm>> -> memref<32x128xf32, #tpu.memory_space<hbm>>
          tpu.wait_dma2 semaphore(%arg18 : memref<!tpu.dma_semaphore, #tpu.memory_space<semaphore_mem>>) src(%dma_wait3A_88 : memref<32x128xf32, #tpu.memory_space<hbm>>) dst(%dma_wait3A_85 : memref<32x128xf32, #tpu.memory_space<vmem>>)
        } else {
        }
        %scan3A_74 = arith.constant 0 : i32
        scf.yield %scan3A_74 : i32
      }
      %scan3A_48 = arith.constant 8 : i32
      %add3A_49 = arith.constant 1 : i32
      %add3A_50 = arith.addi %scan3A_38, %add3A_49 : i32
      %lt3A = arith.constant 32 : i32
      %lt3A_51 = arith.cmpi slt, %add3A_50, %lt3A : i32
      %convert_element_type3A = arith.extui %lt3A_51 : i1 to i32
      %cond3A = arith.constant 0 : i32
      %cond3A_52 = arith.cmpi ne, %convert_element_type3A, %cond3A : i32
      scf.if %cond3A_52 {
        %add3A_63 = arith.constant 1 : i32
        %add3A_64 = arith.addi %scan3A_38, %add3A_63 : i32
        %and3A_65 = arith.constant 1 : i32
        %and3A_66 = arith.andi %add3A_64, %and3A_65 : i32
        %scan3A_67 = arith.constant 0 : i32
        %scan3A_68 = arith.constant 0 : i32
        %scan3A_69 = arith.constant 8 : i32
        %scan3A_70 = arith.addi %scan3A_68, %scan3A_69 : i32
        %scan3A_71 = arith.constant 1 : i32
        %scan3A_72 = scf.for %scan3A_74 = %scan3A_68 to %scan3A_70 step %scan3A_71 iter_args(%scan3A_75 = %scan3A_67) -> (i32)  : i32 {
          %mul3A_76 = arith.constant 8 : i32
          %mul3A_77 = arith.muli %add3A_64, %mul3A_76 : i32
          %add3A_78 = arith.addi %mul3A_77, %scan3A_74 : i32
          %jit3A = arith.constant 128 : i32
          %div3A = arith.divsi %add3A_78, %jit3A : i32
          %sign3A = arith.constant 0 : i32
          %sign3A_79 = arith.cmpi sgt, %add3A_78, %sign3A : i32
          %sign3A_80 = arith.extui %sign3A_79 : i1 to i32
          %sign3A_81 = arith.constant 0 : i32
          %sign3A_82 = arith.cmpi slt, %add3A_78, %sign3A_81 : i32
          %sign3A_83 = arith.extui %sign3A_82 : i1 to i32
          %sign3A_84 = arith.subi %sign3A_80, %sign3A_83 : i32
          %sign3A_85 = arith.constant 0 : i32
          %sign3A_86 = arith.cmpi sgt, %jit3A, %sign3A_85 : i32
          %sign3A_87 = arith.extui %sign3A_86 : i1 to i32
          %sign3A_88 = arith.constant 0 : i32
          %sign3A_89 = arith.cmpi slt, %jit3A, %sign3A_88 : i32
          %sign3A_90 = arith.extui %sign3A_89 : i1 to i32
          %sign3A_91 = arith.subi %sign3A_87, %sign3A_90 : i32
          %ne3A = arith.cmpi ne, %sign3A_84, %sign3A_91 : i32
          %rem3A = arith.remsi %add3A_78, %jit3A : i32
          %ne3A_92 = arith.constant 0 : i32
          %ne3A_93 = arith.cmpi ne, %rem3A, %ne3A_92 : i32
          %and3A_94 = arith.andi %ne3A, %ne3A_93 : i1
          %sub3A = arith.constant 1 : i32
          %sub3A_95 = arith.subi %div3A, %sub3A : i32
          %select_n3A = arith.select %and3A_94, %sub3A_95, %div3A : i32
          %broadcast_in_dim3A = vector.broadcast %select_n3A : i32 to vector<16xi32>
          %jit3A_96 = arith.constant 128 : i32
          %eq3A = arith.constant 0 : i32
          %eq3A_97 = arith.cmpi eq, %jit3A_96, %eq3A : i32
          %jit3A_98 = arith.constant 1 : i32
          %select_n3A_99 = arith.select %eq3A_97, %jit3A_98, %jit3A_96 : i32
          %rem3A_100 = arith.remsi %add3A_78, %select_n3A_99 : i32
          %ne3A_101 = arith.constant 0 : i32
          %ne3A_102 = arith.cmpi ne, %rem3A_100, %ne3A_101 : i32
          %lt3A_103 = arith.constant 0 : i32
          %lt3A_104 = arith.cmpi slt, %rem3A_100, %lt3A_103 : i32
          %lt3A_105 = arith.constant 0 : i32
          %lt3A_106 = arith.cmpi slt, %select_n3A_99, %lt3A_105 : i32
          %ne3A_107 = arith.xori %lt3A_104, %lt3A_106 : i1
          %and3A_108 = arith.andi %ne3A_107, %ne3A_102 : i1
          %add3A_109 = arith.addi %rem3A_100, %select_n3A_99 : i32
          %select_n3A_110 = arith.select %and3A_108, %add3A_109, %rem3A_100 : i32
          %broadcast_in_dim3A_111 = vector.broadcast %select_n3A_110 : i32 to vector<16xi32>
          %gather3A = tpu.vector_load_idx %arg10[%broadcast_in_dim3A, %broadcast_in_dim3A_111] : memref<2x128xi32, #tpu.memory_space<vmem>>[vector<16xi32>, vector<16xi32>], vector<16xi32>,
          %reduce_max3A = arith.constant true
          %reduce_max3A_112 = vector.broadcast %reduce_max3A : i1 to vector<16xi1>
          %reduce_max3A_113 = arith.constant -2147483648 : i32
          %reduce_max3A_114 = vector.broadcast %reduce_max3A_113 : i32 to vector<16xi32>
          %reduce_max3A_115 = arith.xori %gather3A, %reduce_max3A_114 : vector<16xi32>
          %reduce_max3A_116 = tpu.scan <max>, %reduce_max3A_115 masked %reduce_max3A_112 : vector<16xi32>, vector<16xi1> -> vector<16xi32>
          %reduce_max3A_117 = arith.xori %reduce_max3A_116, %reduce_max3A_114 : vector<16xi32>
          %reduce_max3A_118 = vector.extract %reduce_max3A_117[15] : i32 from vector<16xi32>
          %mul3A_119 = arith.constant 128 : i32
          %mul3A_120 = arith.muli %reduce_max3A_118, %mul3A_119 : i32
          %multiple_of3A = tpu.assume_multiple %mul3A_120, 128 : i32
          %eq3A_121 = arith.constant 0 : i32
          %eq3A_122 = arith.cmpi eq, %and3A_66, %eq3A_121 : i32
          %convert_element_type3A_123 = arith.extui %eq3A_122 : i1 to i32
          %cond3A_124 = arith.constant 0 : i32
          %cond3A_125 = arith.constant 0 : i32
          %cond3A_126 = arith.cmpi ne, %convert_element_type3A_123, %cond3A_125 : i32
          scf.if %cond3A_126 {
            %dma_start3A = arith.constant 0 : i32
            %dma_start3A_134 = arith.constant 0 : i32
            %dma_start3A_135 = tpu.memref_slice %arg14[%cond3A_124, %scan3A_74, %dma_start3A, %dma_start3A_134] : memref<2x8x32x128xf32, #tpu.memory_space<vmem>> -> memref<1x1x32x128xf32, #tpu.memory_space<vmem>>
            %dma_start3A_136 = tpu.memref_squeeze %dma_start3A_135 : memref<1x1x32x128xf32, #tpu.memory_space<vmem>> -> memref<32x128xf32, #tpu.memory_space<vmem>>
            %dma_start3A_137 = arith.constant 0 : i32
            %dma_start3A_138 = tpu.memref_slice %arg2[%dma_start3A_137, %multiple_of3A] : memref<32x1000000xf32, #tpu.memory_space<hbm>> -> memref<32x128xf32, #tpu.memory_space<hbm>>
            %dma_start3A_139 = arith.constant 0 : i32
            %dma_start3A_140 = arith.constant 0 : i32
            %dma_start3A_141 = tpu.memref_slice %arg14[%cond3A_124, %scan3A_74, %dma_start3A_139, %dma_start3A_140] : memref<2x8x32x128xf32, #tpu.memory_space<vmem>> -> memref<1x1x32x128xf32, #tpu.memory_space<vmem>>
            %dma_start3A_142 = tpu.memref_squeeze %dma_start3A_141 : memref<1x1x32x128xf32, #tpu.memory_space<vmem>> -> memref<32x128xf32, #tpu.memory_space<vmem>>
            %dma_start3A_143 = arith.constant 0 : i32
            %dma_start3A_144 = tpu.memref_slice %arg2[%dma_start3A_143, %multiple_of3A] : memref<32x1000000xf32, #tpu.memory_space<hbm>> -> memref<32x128xf32, #tpu.memory_space<hbm>>
            tpu.enqueue_dma source(%dma_start3A_144 : memref<32x128xf32, #tpu.memory_space<hbm>>) target(%dma_start3A_142 : memref<32x128xf32, #tpu.memory_space<vmem>>) target_semaphore(%arg17 : memref<!tpu.dma_semaphore, #tpu.memory_space<semaphore_mem>>)
          } else {
          }
          %eq3A_127 = arith.constant 1 : i32
          %eq3A_128 = arith.cmpi eq, %and3A_66, %eq3A_127 : i32
          %convert_element_type3A_129 = arith.extui %eq3A_128 : i1 to i32
          %cond3A_130 = arith.constant 1 : i32
          %cond3A_131 = arith.constant 0 : i32
          %cond3A_132 = arith.cmpi ne, %convert_element_type3A_129, %cond3A_131 : i32
          scf.if %cond3A_132 {
            %dma_start3A = arith.constant 0 : i32
            %dma_start3A_134 = arith.constant 0 : i32
            %dma_start3A_135 = tpu.memref_slice %arg14[%cond3A_130, %scan3A_74, %dma_start3A, %dma_start3A_134] : memref<2x8x32x128xf32, #tpu.memory_space<vmem>> -> memref<1x1x32x128xf32, #tpu.memory_space<vmem>>
            %dma_start3A_136 = tpu.memref_squeeze %dma_start3A_135 : memref<1x1x32x128xf32, #tpu.memory_space<vmem>> -> memref<32x128xf32, #tpu.memory_space<vmem>>
            %dma_start3A_137 = arith.constant 0 : i32
            %dma_start3A_138 = tpu.memref_slice %arg2[%dma_start3A_137, %multiple_of3A] : memref<32x1000000xf32, #tpu.memory_space<hbm>> -> memref<32x128xf32, #tpu.memory_space<hbm>>
            %dma_start3A_139 = arith.constant 0 : i32
            %dma_start3A_140 = arith.constant 0 : i32
            %dma_start3A_141 = tpu.memref_slice %arg14[%cond3A_130, %scan3A_74, %dma_start3A_139, %dma_start3A_140] : memref<2x8x32x128xf32, #tpu.memory_space<vmem>> -> memref<1x1x32x128xf32, #tpu.memory_space<vmem>>
            %dma_start3A_142 = tpu.memref_squeeze %dma_start3A_141 : memref<1x1x32x128xf32, #tpu.memory_space<vmem>> -> memref<32x128xf32, #tpu.memory_space<vmem>>
            %dma_start3A_143 = arith.constant 0 : i32
            %dma_start3A_144 = tpu.memref_slice %arg2[%dma_start3A_143, %multiple_of3A] : memref<32x1000000xf32, #tpu.memory_space<hbm>> -> memref<32x128xf32, #tpu.memory_space<hbm>>
            tpu.enqueue_dma source(%dma_start3A_144 : memref<32x128xf32, #tpu.memory_space<hbm>>) target(%dma_start3A_142 : memref<32x128xf32, #tpu.memory_space<vmem>>) target_semaphore(%arg18 : memref<!tpu.dma_semaphore, #tpu.memory_space<semaphore_mem>>)
          } else {
          }
          %scan3A_133 = arith.constant 0 : i32
          scf.yield %scan3A_133 : i32
        }
        %scan3A_73 = arith.constant 8 : i32
      } else {
      }
      %and3A_53 = arith.constant 1 : i32
      %and3A_54 = arith.andi %scan3A_38, %and3A_53 : i32
      %scan3A_55 = arith.constant 0 : i32
      %scan3A_56 = arith.constant 0 : i32
      %scan3A_57 = arith.constant 8 : i32
      %scan3A_58 = arith.addi %scan3A_56, %scan3A_57 : i32
      %scan3A_59 = arith.constant 1 : i32
      %scan3A_60 = scf.for %scan3A_63 = %scan3A_56 to %scan3A_58 step %scan3A_59 iter_args(%scan3A_64 = %scan3A_55) -> (i32)  : i32 {
        %mul3A_65 = arith.constant 8 : i32
        %mul3A_66 = arith.muli %scan3A_38, %mul3A_65 : i32
        %add3A_67 = arith.addi %mul3A_66, %scan3A_63 : i32
        %jit3A = arith.constant 128 : i32
        %div3A = arith.divsi %add3A_67, %jit3A : i32
        %sign3A = arith.constant 0 : i32
        %sign3A_68 = arith.cmpi sgt, %add3A_67, %sign3A : i32
        %sign3A_69 = arith.extui %sign3A_68 : i1 to i32
        %sign3A_70 = arith.constant 0 : i32
        %sign3A_71 = arith.cmpi slt, %add3A_67, %sign3A_70 : i32
        %sign3A_72 = arith.extui %sign3A_71 : i1 to i32
        %sign3A_73 = arith.subi %sign3A_69, %sign3A_72 : i32
        %sign3A_74 = arith.constant 0 : i32
        %sign3A_75 = arith.cmpi sgt, %jit3A, %sign3A_74 : i32
        %sign3A_76 = arith.extui %sign3A_75 : i1 to i32
        %sign3A_77 = arith.constant 0 : i32
        %sign3A_78 = arith.cmpi slt, %jit3A, %sign3A_77 : i32
        %sign3A_79 = arith.extui %sign3A_78 : i1 to i32
        %sign3A_80 = arith.subi %sign3A_76, %sign3A_79 : i32
        %ne3A = arith.cmpi ne, %sign3A_73, %sign3A_80 : i32
        %rem3A = arith.remsi %add3A_67, %jit3A : i32
        %ne3A_81 = arith.constant 0 : i32
        %ne3A_82 = arith.cmpi ne, %rem3A, %ne3A_81 : i32
        %and3A_83 = arith.andi %ne3A, %ne3A_82 : i1
        %sub3A = arith.constant 1 : i32
        %sub3A_84 = arith.subi %div3A, %sub3A : i32
        %select_n3A = arith.select %and3A_83, %sub3A_84, %div3A : i32
        %broadcast_in_dim3A = vector.broadcast %select_n3A : i32 to vector<16xi32>
        %jit3A_85 = arith.constant 128 : i32
        %eq3A = arith.constant 0 : i32
        %eq3A_86 = arith.cmpi eq, %jit3A_85, %eq3A : i32
        %jit3A_87 = arith.constant 1 : i32
        %select_n3A_88 = arith.select %eq3A_86, %jit3A_87, %jit3A_85 : i32
        %rem3A_89 = arith.remsi %add3A_67, %select_n3A_88 : i32
        %ne3A_90 = arith.constant 0 : i32
        %ne3A_91 = arith.cmpi ne, %rem3A_89, %ne3A_90 : i32
        %lt3A_92 = arith.constant 0 : i32
        %lt3A_93 = arith.cmpi slt, %rem3A_89, %lt3A_92 : i32
        %lt3A_94 = arith.constant 0 : i32
        %lt3A_95 = arith.cmpi slt, %select_n3A_88, %lt3A_94 : i32
        %ne3A_96 = arith.xori %lt3A_93, %lt3A_95 : i1
        %and3A_97 = arith.andi %ne3A_96, %ne3A_91 : i1
        %add3A_98 = arith.addi %rem3A_89, %select_n3A_88 : i32
        %select_n3A_99 = arith.select %and3A_97, %add3A_98, %rem3A_89 : i32
        %broadcast_in_dim3A_100 = vector.broadcast %select_n3A_99 : i32 to vector<16xi32>
        %gather3A = tpu.vector_load_idx %arg12[%broadcast_in_dim3A, %broadcast_in_dim3A_100] : memref<2x128xi32, #tpu.memory_space<vmem>>[vector<16xi32>, vector<16xi32>], vector<16xi32>,
        %broadcast_in_dim3A_101 = vector.broadcast %and3A_54 : i32 to vector<16xi32>
        %broadcast_in_dim3A_102 = vector.broadcast %scan3A_63 : i32 to vector<16xi32>
        %gather3A_103 = tpu.vector_load_idx %arg14[%broadcast_in_dim3A_101, %broadcast_in_dim3A_102, %iota3A, %gather3A] : memref<2x8x32x128xf32, #tpu.memory_space<vmem>>[vector<16xi32>, vector<16xi32>, vector<16xi32>, vector<16xi32>], vector<16xf32>,
        %gather3A_104 = tpu.vector_load_idx %arg14[%broadcast_in_dim3A_101, %broadcast_in_dim3A_102, %add3A_5, %gather3A] : memref<2x8x32x128xf32, #tpu.memory_space<vmem>>[vector<16xi32>, vector<16xi32>, vector<16xi32>, vector<16xi32>], vector<16xf32>,
        %jit3A_105 = arith.constant 4 : i32
        %div3A_106 = arith.divsi %add3A_67, %jit3A_105 : i32
        %sign3A_107 = arith.constant 0 : i32
        %sign3A_108 = arith.cmpi sgt, %add3A_67, %sign3A_107 : i32
        %sign3A_109 = arith.extui %sign3A_108 : i1 to i32
        %sign3A_110 = arith.constant 0 : i32
        %sign3A_111 = arith.cmpi slt, %add3A_67, %sign3A_110 : i32
        %sign3A_112 = arith.extui %sign3A_111 : i1 to i32
        %sign3A_113 = arith.subi %sign3A_109, %sign3A_112 : i32
        %sign3A_114 = arith.constant 0 : i32
        %sign3A_115 = arith.cmpi sgt, %jit3A_105, %sign3A_114 : i32
        %sign3A_116 = arith.extui %sign3A_115 : i1 to i32
        %sign3A_117 = arith.constant 0 : i32
        %sign3A_118 = arith.cmpi slt, %jit3A_105, %sign3A_117 : i32
        %sign3A_119 = arith.extui %sign3A_118 : i1 to i32
        %sign3A_120 = arith.subi %sign3A_116, %sign3A_119 : i32
        %ne3A_121 = arith.cmpi ne, %sign3A_113, %sign3A_120 : i32
        %rem3A_122 = arith.remsi %add3A_67, %jit3A_105 : i32
        %ne3A_123 = arith.constant 0 : i32
        %ne3A_124 = arith.cmpi ne, %rem3A_122, %ne3A_123 : i32
        %and3A_125 = arith.andi %ne3A_121, %ne3A_124 : i1
        %sub3A_126 = arith.constant 1 : i32
        %sub3A_127 = arith.subi %div3A_106, %sub3A_126 : i32
        %select_n3A_128 = arith.select %and3A_125, %sub3A_127, %div3A_106 : i32
        %jit3A_129 = arith.constant 4 : i32
        %eq3A_130 = arith.constant 0 : i32
        %eq3A_131 = arith.cmpi eq, %jit3A_129, %eq3A_130 : i32
        %jit3A_132 = arith.constant 1 : i32
        %select_n3A_133 = arith.select %eq3A_131, %jit3A_132, %jit3A_129 : i32
        %rem3A_134 = arith.remsi %add3A_67, %select_n3A_133 : i32
        %ne3A_135 = arith.constant 0 : i32
        %ne3A_136 = arith.cmpi ne, %rem3A_134, %ne3A_135 : i32
        %lt3A_137 = arith.constant 0 : i32
        %lt3A_138 = arith.cmpi slt, %rem3A_134, %lt3A_137 : i32
        %lt3A_139 = arith.constant 0 : i32
        %lt3A_140 = arith.cmpi slt, %select_n3A_133, %lt3A_139 : i32
        %ne3A_141 = arith.xori %lt3A_138, %lt3A_140 : i1
        %and3A_142 = arith.andi %ne3A_141, %ne3A_136 : i1
        %add3A_143 = arith.addi %rem3A_134, %select_n3A_133 : i32
        %select_n3A_144 = arith.select %and3A_142, %add3A_143, %rem3A_134 : i32
        %mul3A_145 = arith.constant 32 : i32
        %mul3A_146 = arith.muli %select_n3A_144, %mul3A_145 : i32
        %swap3A = arith.index_cast %select_n3A_128 : i32 to index
        %swap3A_147 = arith.index_cast %mul3A_146 : i32 to index
        %swap3A_148 = tpu.vector_load %arg15[%swap3A, %swap3A_147] {strides = array<i32>} : memref<64x128xf32, #tpu.memory_space<vmem>>, vector<16xf32>,
        tpu.vector_store %arg15[%swap3A, %swap3A_147], %gather3A_103 {strides = array<i32>} : memref<64x128xf32, #tpu.memory_space<vmem>>, vector<16xf32>,
        %add3A_149 = arith.constant 16 : i32
        %add3A_150 = arith.addi %mul3A_146, %add3A_149 : i32
        %swap3A_151 = arith.index_cast %select_n3A_128 : i32 to index
        %swap3A_152 = arith.index_cast %add3A_150 : i32 to index
        %swap3A_153 = tpu.vector_load %arg15[%swap3A_151, %swap3A_152] {strides = array<i32>} : memref<64x128xf32, #tpu.memory_space<vmem>>, vector<16xf32>,
        tpu.vector_store %arg15[%swap3A_151, %swap3A_152], %gather3A_104 {strides = array<i32>} : memref<64x128xf32, #tpu.memory_space<vmem>>, vector<16xf32>,
        %scan3A_154 = arith.constant 0 : i32
        scf.yield %scan3A_154 : i32
      }
      %scan3A_61 = arith.constant 8 : i32
      %scan3A_62 = arith.constant 0 : i32
      scf.yield %scan3A_62 : i32
    }
    %scan3A_20 = arith.constant 32 : i32
    %and3A_21 = arith.constant 0 : i32
    %and3A_22 = arith.constant 1 : i32
    %and3A_23 = arith.andi %and3A_21, %and3A_22 : i32
    %scan3A_24 = arith.constant 0 : i32
    %scan3A_25 = arith.constant 0 : i32
    %scan3A_26 = arith.constant 8 : i32
    %scan3A_27 = arith.addi %scan3A_25, %scan3A_26 : i32
    %scan3A_28 = arith.constant 1 : i32
    %scan3A_29 = scf.for %scan3A_38 = %scan3A_25 to %scan3A_27 step %scan3A_28 iter_args(%scan3A_39 = %scan3A_24) -> (i32)  : i32 {
      %add3A_40 = arith.constant 0 : i32
      %add3A_41 = arith.addi %add3A_40, %scan3A_38 : i32
      %jit3A = arith.constant 128 : i32
      %div3A = arith.divsi %add3A_41, %jit3A : i32
      %sign3A = arith.constant 0 : i32
      %sign3A_42 = arith.cmpi sgt, %add3A_41, %sign3A : i32
      %sign3A_43 = arith.extui %sign3A_42 : i1 to i32
      %sign3A_44 = arith.constant 0 : i32
      %sign3A_45 = arith.cmpi slt, %add3A_41, %sign3A_44 : i32
      %sign3A_46 = arith.extui %sign3A_45 : i1 to i32
      %sign3A_47 = arith.subi %sign3A_43, %sign3A_46 : i32
      %sign3A_48 = arith.constant 0 : i32
      %sign3A_49 = arith.cmpi sgt, %jit3A, %sign3A_48 : i32
      %sign3A_50 = arith.extui %sign3A_49 : i1 to i32
      %sign3A_51 = arith.constant 0 : i32
      %sign3A_52 = arith.cmpi slt, %jit3A, %sign3A_51 : i32
      %sign3A_53 = arith.extui %sign3A_52 : i1 to i32
      %sign3A_54 = arith.subi %sign3A_50, %sign3A_53 : i32
      %ne3A = arith.cmpi ne, %sign3A_47, %sign3A_54 : i32
      %rem3A = arith.remsi %add3A_41, %jit3A : i32
      %ne3A_55 = arith.constant 0 : i32
      %ne3A_56 = arith.cmpi ne, %rem3A, %ne3A_55 : i32
      %and3A_57 = arith.andi %ne3A, %ne3A_56 : i1
      %sub3A = arith.constant 1 : i32
      %sub3A_58 = arith.subi %div3A, %sub3A : i32
      %select_n3A = arith.select %and3A_57, %sub3A_58, %div3A : i32
      %broadcast_in_dim3A = vector.broadcast %select_n3A : i32 to vector<16xi32>
      %jit3A_59 = arith.constant 128 : i32
      %eq3A = arith.constant 0 : i32
      %eq3A_60 = arith.cmpi eq, %jit3A_59, %eq3A : i32
      %jit3A_61 = arith.constant 1 : i32
      %select_n3A_62 = arith.select %eq3A_60, %jit3A_61, %jit3A_59 : i32
      %rem3A_63 = arith.remsi %add3A_41, %select_n3A_62 : i32
      %ne3A_64 = arith.constant 0 : i32
      %ne3A_65 = arith.cmpi ne, %rem3A_63, %ne3A_64 : i32
      %lt3A = arith.constant 0 : i32
      %lt3A_66 = arith.cmpi slt, %rem3A_63, %lt3A : i32
      %lt3A_67 = arith.constant 0 : i32
      %lt3A_68 = arith.cmpi slt, %select_n3A_62, %lt3A_67 : i32
      %ne3A_69 = arith.xori %lt3A_66, %lt3A_68 : i1
      %and3A_70 = arith.andi %ne3A_69, %ne3A_65 : i1
      %add3A_71 = arith.addi %rem3A_63, %select_n3A_62 : i32
      %select_n3A_72 = arith.select %and3A_70, %add3A_71, %rem3A_63 : i32
      %broadcast_in_dim3A_73 = vector.broadcast %select_n3A_72 : i32 to vector<16xi32>
      %gather3A = tpu.vector_load_idx %arg11[%broadcast_in_dim3A, %broadcast_in_dim3A_73] : memref<2x128xi32, #tpu.memory_space<vmem>>[vector<16xi32>, vector<16xi32>], vector<16xi32>,
      %reduce_max3A = arith.constant true
      %reduce_max3A_74 = vector.broadcast %reduce_max3A : i1 to vector<16xi1>
      %reduce_max3A_75 = arith.constant -2147483648 : i32
      %reduce_max3A_76 = vector.broadcast %reduce_max3A_75 : i32 to vector<16xi32>
      %reduce_max3A_77 = arith.xori %gather3A, %reduce_max3A_76 : vector<16xi32>
      %reduce_max3A_78 = tpu.scan <max>, %reduce_max3A_77 masked %reduce_max3A_74 : vector<16xi32>, vector<16xi1> -> vector<16xi32>
      %reduce_max3A_79 = arith.xori %reduce_max3A_78, %reduce_max3A_76 : vector<16xi32>
      %reduce_max3A_80 = vector.extract %reduce_max3A_79[15] : i32 from vector<16xi32>
      %mul3A_81 = arith.constant 128 : i32
      %mul3A_82 = arith.muli %reduce_max3A_80, %mul3A_81 : i32
      %multiple_of3A = tpu.assume_multiple %mul3A_82, 128 : i32
      %eq3A_83 = arith.constant 0 : i32
      %eq3A_84 = arith.cmpi eq, %and3A_23, %eq3A_83 : i32
      %convert_element_type3A = arith.extui %eq3A_84 : i1 to i32
      %cond3A = arith.constant 0 : i32
      %cond3A_85 = arith.constant 0 : i32
      %cond3A_86 = arith.cmpi ne, %convert_element_type3A, %cond3A_85 : i32
      scf.if %cond3A_86 {
        %dma_start3A = arith.constant 0 : i32
        %dma_start3A_94 = arith.constant 0 : i32
        %dma_start3A_95 = tpu.memref_slice %arg14[%cond3A, %scan3A_38, %dma_start3A, %dma_start3A_94] : memref<2x8x32x128xf32, #tpu.memory_space<vmem>> -> memref<1x1x32x128xf32, #tpu.memory_space<vmem>>
        %dma_start3A_96 = tpu.memref_squeeze %dma_start3A_95 : memref<1x1x32x128xf32, #tpu.memory_space<vmem>> -> memref<32x128xf32, #tpu.memory_space<vmem>>
        %dma_start3A_97 = arith.constant 0 : i32
        %dma_start3A_98 = tpu.memref_slice %arg3[%dma_start3A_97, %multiple_of3A] : memref<32x1000000xf32, #tpu.memory_space<hbm>> -> memref<32x128xf32, #tpu.memory_space<hbm>>
        %dma_start3A_99 = arith.constant 0 : i32
        %dma_start3A_100 = arith.constant 0 : i32
        %dma_start3A_101 = tpu.memref_slice %arg14[%cond3A, %scan3A_38, %dma_start3A_99, %dma_start3A_100] : memref<2x8x32x128xf32, #tpu.memory_space<vmem>> -> memref<1x1x32x128xf32, #tpu.memory_space<vmem>>
        %dma_start3A_102 = tpu.memref_squeeze %dma_start3A_101 : memref<1x1x32x128xf32, #tpu.memory_space<vmem>> -> memref<32x128xf32, #tpu.memory_space<vmem>>
        %dma_start3A_103 = arith.constant 0 : i32
        %dma_start3A_104 = tpu.memref_slice %arg3[%dma_start3A_103, %multiple_of3A] : memref<32x1000000xf32, #tpu.memory_space<hbm>> -> memref<32x128xf32, #tpu.memory_space<hbm>>
        tpu.enqueue_dma source(%dma_start3A_104 : memref<32x128xf32, #tpu.memory_space<hbm>>) target(%dma_start3A_102 : memref<32x128xf32, #tpu.memory_space<vmem>>) target_semaphore(%arg17 : memref<!tpu.dma_semaphore, #tpu.memory_space<semaphore_mem>>)
      } else {
      }
      %eq3A_87 = arith.constant 1 : i32
      %eq3A_88 = arith.cmpi eq, %and3A_23, %eq3A_87 : i32
      %convert_element_type3A_89 = arith.extui %eq3A_88 : i1 to i32
      %cond3A_90 = arith.constant 1 : i32
      %cond3A_91 = arith.constant 0 : i32
      %cond3A_92 = arith.cmpi ne, %convert_element_type3A_89, %cond3A_91 : i32
      scf.if %cond3A_92 {
        %dma_start3A = arith.constant 0 : i32
        %dma_start3A_94 = arith.constant 0 : i32
        %dma_start3A_95 = tpu.memref_slice %arg14[%cond3A_90, %scan3A_38, %dma_start3A, %dma_start3A_94] : memref<2x8x32x128xf32, #tpu.memory_space<vmem>> -> memref<1x1x32x128xf32, #tpu.memory_space<vmem>>
        %dma_start3A_96 = tpu.memref_squeeze %dma_start3A_95 : memref<1x1x32x128xf32, #tpu.memory_space<vmem>> -> memref<32x128xf32, #tpu.memory_space<vmem>>
        %dma_start3A_97 = arith.constant 0 : i32
        %dma_start3A_98 = tpu.memref_slice %arg3[%dma_start3A_97, %multiple_of3A] : memref<32x1000000xf32, #tpu.memory_space<hbm>> -> memref<32x128xf32, #tpu.memory_space<hbm>>
        %dma_start3A_99 = arith.constant 0 : i32
        %dma_start3A_100 = arith.constant 0 : i32
        %dma_start3A_101 = tpu.memref_slice %arg14[%cond3A_90, %scan3A_38, %dma_start3A_99, %dma_start3A_100] : memref<2x8x32x128xf32, #tpu.memory_space<vmem>> -> memref<1x1x32x128xf32, #tpu.memory_space<vmem>>
        %dma_start3A_102 = tpu.memref_squeeze %dma_start3A_101 : memref<1x1x32x128xf32, #tpu.memory_space<vmem>> -> memref<32x128xf32, #tpu.memory_space<vmem>>
        %dma_start3A_103 = arith.constant 0 : i32
        %dma_start3A_104 = tpu.memref_slice %arg3[%dma_start3A_103, %multiple_of3A] : memref<32x1000000xf32, #tpu.memory_space<hbm>> -> memref<32x128xf32, #tpu.memory_space<hbm>>
        tpu.enqueue_dma source(%dma_start3A_104 : memref<32x128xf32, #tpu.memory_space<hbm>>) target(%dma_start3A_102 : memref<32x128xf32, #tpu.memory_space<vmem>>) target_semaphore(%arg18 : memref<!tpu.dma_semaphore, #tpu.memory_space<semaphore_mem>>)
      } else {
      }
      %scan3A_93 = arith.constant 0 : i32
      scf.yield %scan3A_93 : i32
    }
    %scan3A_30 = arith.constant 8 : i32
    %scan3A_31 = arith.constant 0 : i32
    %scan3A_32 = arith.constant 0 : i32
    %scan3A_33 = arith.constant 32 : i32
    %scan3A_34 = arith.addi %scan3A_32, %scan3A_33 : i32
    %scan3A_35 = arith.constant 1 : i32
    %scan3A_36 = scf.for %scan3A_38 = %scan3A_32 to %scan3A_34 step %scan3A_35 iter_args(%scan3A_39 = %scan3A_31) -> (i32)  : i32 {
      %and3A_40 = arith.constant 1 : i32
      %and3A_41 = arith.andi %scan3A_38, %and3A_40 : i32
      %scan3A_42 = arith.constant 0 : i32
      %scan3A_43 = arith.constant 0 : i32
      %scan3A_44 = arith.constant 8 : i32
      %scan3A_45 = arith.addi %scan3A_43, %scan3A_44 : i32
      %scan3A_46 = arith.constant 1 : i32
      %scan3A_47 = scf.for %scan3A_63 = %scan3A_43 to %scan3A_45 step %scan3A_46 iter_args(%scan3A_64 = %scan3A_42) -> (i32)  : i32 {
        %eq3A = arith.constant 0 : i32
        %eq3A_65 = arith.cmpi eq, %and3A_41, %eq3A : i32
        %convert_element_type3A_66 = arith.extui %eq3A_65 : i1 to i32
        %cond3A_67 = arith.constant 0 : i32
        %cond3A_68 = arith.cmpi ne, %convert_element_type3A_66, %cond3A_67 : i32
        scf.if %cond3A_68 {
          %dma_wait3A = arith.constant 0 : i32
          %dma_wait3A_75 = arith.constant 0 : i32
          %dma_wait3A_76 = arith.constant 0 : i32
          %dma_wait3A_77 = tpu.memref_slice %arg14[%dma_wait3A, %scan3A_63, %dma_wait3A_75, %dma_wait3A_76] : memref<2x8x32x128xf32, #tpu.memory_space<vmem>> -> memref<1x1x32x128xf32, #tpu.memory_space<vmem>>
          %dma_wait3A_78 = tpu.memref_squeeze %dma_wait3A_77 : memref<1x1x32x128xf32, #tpu.memory_space<vmem>> -> memref<32x128xf32, #tpu.memory_space<vmem>>
          %dma_wait3A_79 = arith.constant 0 : i32
          %dma_wait3A_80 = arith.constant 0 : i32
          %dma_wait3A_81 = tpu.memref_slice %arg3[%dma_wait3A_79, %dma_wait3A_80] : memref<32x1000000xf32, #tpu.memory_space<hbm>> -> memref<32x128xf32, #tpu.memory_space<hbm>>
          %dma_wait3A_82 = arith.constant 0 : i32
          %dma_wait3A_83 = arith.constant 0 : i32
          %dma_wait3A_84 = tpu.memref_slice %arg14[%dma_wait3A, %scan3A_63, %dma_wait3A_82, %dma_wait3A_83] : memref<2x8x32x128xf32, #tpu.memory_space<vmem>> -> memref<1x1x32x128xf32, #tpu.memory_space<vmem>>
          %dma_wait3A_85 = tpu.memref_squeeze %dma_wait3A_84 : memref<1x1x32x128xf32, #tpu.memory_space<vmem>> -> memref<32x128xf32, #tpu.memory_space<vmem>>
          %dma_wait3A_86 = arith.constant 0 : i32
          %dma_wait3A_87 = arith.constant 0 : i32
          %dma_wait3A_88 = tpu.memref_slice %arg3[%dma_wait3A_86, %dma_wait3A_87] : memref<32x1000000xf32, #tpu.memory_space<hbm>> -> memref<32x128xf32, #tpu.memory_space<hbm>>
          tpu.wait_dma2 semaphore(%arg17 : memref<!tpu.dma_semaphore, #tpu.memory_space<semaphore_mem>>) src(%dma_wait3A_88 : memref<32x128xf32, #tpu.memory_space<hbm>>) dst(%dma_wait3A_85 : memref<32x128xf32, #tpu.memory_space<vmem>>)
        } else {
        }
        %eq3A_69 = arith.constant 1 : i32
        %eq3A_70 = arith.cmpi eq, %and3A_41, %eq3A_69 : i32
        %convert_element_type3A_71 = arith.extui %eq3A_70 : i1 to i32
        %cond3A_72 = arith.constant 0 : i32
        %cond3A_73 = arith.cmpi ne, %convert_element_type3A_71, %cond3A_72 : i32
        scf.if %cond3A_73 {
          %dma_wait3A = arith.constant 1 : i32
          %dma_wait3A_75 = arith.constant 0 : i32
          %dma_wait3A_76 = arith.constant 0 : i32
          %dma_wait3A_77 = tpu.memref_slice %arg14[%dma_wait3A, %scan3A_63, %dma_wait3A_75, %dma_wait3A_76] : memref<2x8x32x128xf32, #tpu.memory_space<vmem>> -> memref<1x1x32x128xf32, #tpu.memory_space<vmem>>
          %dma_wait3A_78 = tpu.memref_squeeze %dma_wait3A_77 : memref<1x1x32x128xf32, #tpu.memory_space<vmem>> -> memref<32x128xf32, #tpu.memory_space<vmem>>
          %dma_wait3A_79 = arith.constant 0 : i32
          %dma_wait3A_80 = arith.constant 0 : i32
          %dma_wait3A_81 = tpu.memref_slice %arg3[%dma_wait3A_79, %dma_wait3A_80] : memref<32x1000000xf32, #tpu.memory_space<hbm>> -> memref<32x128xf32, #tpu.memory_space<hbm>>
          %dma_wait3A_82 = arith.constant 0 : i32
          %dma_wait3A_83 = arith.constant 0 : i32
          %dma_wait3A_84 = tpu.memref_slice %arg14[%dma_wait3A, %scan3A_63, %dma_wait3A_82, %dma_wait3A_83] : memref<2x8x32x128xf32, #tpu.memory_space<vmem>> -> memref<1x1x32x128xf32, #tpu.memory_space<vmem>>
          %dma_wait3A_85 = tpu.memref_squeeze %dma_wait3A_84 : memref<1x1x32x128xf32, #tpu.memory_space<vmem>> -> memref<32x128xf32, #tpu.memory_space<vmem>>
          %dma_wait3A_86 = arith.constant 0 : i32
          %dma_wait3A_87 = arith.constant 0 : i32
          %dma_wait3A_88 = tpu.memref_slice %arg3[%dma_wait3A_86, %dma_wait3A_87] : memref<32x1000000xf32, #tpu.memory_space<hbm>> -> memref<32x128xf32, #tpu.memory_space<hbm>>
          tpu.wait_dma2 semaphore(%arg18 : memref<!tpu.dma_semaphore, #tpu.memory_space<semaphore_mem>>) src(%dma_wait3A_88 : memref<32x128xf32, #tpu.memory_space<hbm>>) dst(%dma_wait3A_85 : memref<32x128xf32, #tpu.memory_space<vmem>>)
        } else {
        }
        %scan3A_74 = arith.constant 0 : i32
        scf.yield %scan3A_74 : i32
      }
      %scan3A_48 = arith.constant 8 : i32
      %add3A_49 = arith.constant 1 : i32
      %add3A_50 = arith.addi %scan3A_38, %add3A_49 : i32
      %lt3A = arith.constant 32 : i32
      %lt3A_51 = arith.cmpi slt, %add3A_50, %lt3A : i32
      %convert_element_type3A = arith.extui %lt3A_51 : i1 to i32
      %cond3A = arith.constant 0 : i32
      %cond3A_52 = arith.cmpi ne, %convert_element_type3A, %cond3A : i32
      scf.if %cond3A_52 {
        %add3A_63 = arith.constant 1 : i32
        %add3A_64 = arith.addi %scan3A_38, %add3A_63 : i32
        %and3A_65 = arith.constant 1 : i32
        %and3A_66 = arith.andi %add3A_64, %and3A_65 : i32
        %scan3A_67 = arith.constant 0 : i32
        %scan3A_68 = arith.constant 0 : i32
        %scan3A_69 = arith.constant 8 : i32
        %scan3A_70 = arith.addi %scan3A_68, %scan3A_69 : i32
        %scan3A_71 = arith.constant 1 : i32
        %scan3A_72 = scf.for %scan3A_74 = %scan3A_68 to %scan3A_70 step %scan3A_71 iter_args(%scan3A_75 = %scan3A_67) -> (i32)  : i32 {
          %mul3A_76 = arith.constant 8 : i32
          %mul3A_77 = arith.muli %add3A_64, %mul3A_76 : i32
          %add3A_78 = arith.addi %mul3A_77, %scan3A_74 : i32
          %jit3A = arith.constant 128 : i32
          %div3A = arith.divsi %add3A_78, %jit3A : i32
          %sign3A = arith.constant 0 : i32
          %sign3A_79 = arith.cmpi sgt, %add3A_78, %sign3A : i32
          %sign3A_80 = arith.extui %sign3A_79 : i1 to i32
          %sign3A_81 = arith.constant 0 : i32
          %sign3A_82 = arith.cmpi slt, %add3A_78, %sign3A_81 : i32
          %sign3A_83 = arith.extui %sign3A_82 : i1 to i32
          %sign3A_84 = arith.subi %sign3A_80, %sign3A_83 : i32
          %sign3A_85 = arith.constant 0 : i32
          %sign3A_86 = arith.cmpi sgt, %jit3A, %sign3A_85 : i32
          %sign3A_87 = arith.extui %sign3A_86 : i1 to i32
          %sign3A_88 = arith.constant 0 : i32
          %sign3A_89 = arith.cmpi slt, %jit3A, %sign3A_88 : i32
          %sign3A_90 = arith.extui %sign3A_89 : i1 to i32
          %sign3A_91 = arith.subi %sign3A_87, %sign3A_90 : i32
          %ne3A = arith.cmpi ne, %sign3A_84, %sign3A_91 : i32
          %rem3A = arith.remsi %add3A_78, %jit3A : i32
          %ne3A_92 = arith.constant 0 : i32
          %ne3A_93 = arith.cmpi ne, %rem3A, %ne3A_92 : i32
          %and3A_94 = arith.andi %ne3A, %ne3A_93 : i1
          %sub3A = arith.constant 1 : i32
          %sub3A_95 = arith.subi %div3A, %sub3A : i32
          %select_n3A = arith.select %and3A_94, %sub3A_95, %div3A : i32
          %broadcast_in_dim3A = vector.broadcast %select_n3A : i32 to vector<16xi32>
          %jit3A_96 = arith.constant 128 : i32
          %eq3A = arith.constant 0 : i32
          %eq3A_97 = arith.cmpi eq, %jit3A_96, %eq3A : i32
          %jit3A_98 = arith.constant 1 : i32
          %select_n3A_99 = arith.select %eq3A_97, %jit3A_98, %jit3A_96 : i32
          %rem3A_100 = arith.remsi %add3A_78, %select_n3A_99 : i32
          %ne3A_101 = arith.constant 0 : i32
          %ne3A_102 = arith.cmpi ne, %rem3A_100, %ne3A_101 : i32
          %lt3A_103 = arith.constant 0 : i32
          %lt3A_104 = arith.cmpi slt, %rem3A_100, %lt3A_103 : i32
          %lt3A_105 = arith.constant 0 : i32
          %lt3A_106 = arith.cmpi slt, %select_n3A_99, %lt3A_105 : i32
          %ne3A_107 = arith.xori %lt3A_104, %lt3A_106 : i1
          %and3A_108 = arith.andi %ne3A_107, %ne3A_102 : i1
          %add3A_109 = arith.addi %rem3A_100, %select_n3A_99 : i32
          %select_n3A_110 = arith.select %and3A_108, %add3A_109, %rem3A_100 : i32
          %broadcast_in_dim3A_111 = vector.broadcast %select_n3A_110 : i32 to vector<16xi32>
          %gather3A = tpu.vector_load_idx %arg11[%broadcast_in_dim3A, %broadcast_in_dim3A_111] : memref<2x128xi32, #tpu.memory_space<vmem>>[vector<16xi32>, vector<16xi32>], vector<16xi32>,
          %reduce_max3A = arith.constant true
          %reduce_max3A_112 = vector.broadcast %reduce_max3A : i1 to vector<16xi1>
          %reduce_max3A_113 = arith.constant -2147483648 : i32
          %reduce_max3A_114 = vector.broadcast %reduce_max3A_113 : i32 to vector<16xi32>
          %reduce_max3A_115 = arith.xori %gather3A, %reduce_max3A_114 : vector<16xi32>
          %reduce_max3A_116 = tpu.scan <max>, %reduce_max3A_115 masked %reduce_max3A_112 : vector<16xi32>, vector<16xi1> -> vector<16xi32>
          %reduce_max3A_117 = arith.xori %reduce_max3A_116, %reduce_max3A_114 : vector<16xi32>
          %reduce_max3A_118 = vector.extract %reduce_max3A_117[15] : i32 from vector<16xi32>
          %mul3A_119 = arith.constant 128 : i32
          %mul3A_120 = arith.muli %reduce_max3A_118, %mul3A_119 : i32
          %multiple_of3A = tpu.assume_multiple %mul3A_120, 128 : i32
          %eq3A_121 = arith.constant 0 : i32
          %eq3A_122 = arith.cmpi eq, %and3A_66, %eq3A_121 : i32
          %convert_element_type3A_123 = arith.extui %eq3A_122 : i1 to i32
          %cond3A_124 = arith.constant 0 : i32
          %cond3A_125 = arith.constant 0 : i32
          %cond3A_126 = arith.cmpi ne, %convert_element_type3A_123, %cond3A_125 : i32
          scf.if %cond3A_126 {
            %dma_start3A = arith.constant 0 : i32
            %dma_start3A_134 = arith.constant 0 : i32
            %dma_start3A_135 = tpu.memref_slice %arg14[%cond3A_124, %scan3A_74, %dma_start3A, %dma_start3A_134] : memref<2x8x32x128xf32, #tpu.memory_space<vmem>> -> memref<1x1x32x128xf32, #tpu.memory_space<vmem>>
            %dma_start3A_136 = tpu.memref_squeeze %dma_start3A_135 : memref<1x1x32x128xf32, #tpu.memory_space<vmem>> -> memref<32x128xf32, #tpu.memory_space<vmem>>
            %dma_start3A_137 = arith.constant 0 : i32
            %dma_start3A_138 = tpu.memref_slice %arg3[%dma_start3A_137, %multiple_of3A] : memref<32x1000000xf32, #tpu.memory_space<hbm>> -> memref<32x128xf32, #tpu.memory_space<hbm>>
            %dma_start3A_139 = arith.constant 0 : i32
            %dma_start3A_140 = arith.constant 0 : i32
            %dma_start3A_141 = tpu.memref_slice %arg14[%cond3A_124, %scan3A_74, %dma_start3A_139, %dma_start3A_140] : memref<2x8x32x128xf32, #tpu.memory_space<vmem>> -> memref<1x1x32x128xf32, #tpu.memory_space<vmem>>
            %dma_start3A_142 = tpu.memref_squeeze %dma_start3A_141 : memref<1x1x32x128xf32, #tpu.memory_space<vmem>> -> memref<32x128xf32, #tpu.memory_space<vmem>>
            %dma_start3A_143 = arith.constant 0 : i32
            %dma_start3A_144 = tpu.memref_slice %arg3[%dma_start3A_143, %multiple_of3A] : memref<32x1000000xf32, #tpu.memory_space<hbm>> -> memref<32x128xf32, #tpu.memory_space<hbm>>
            tpu.enqueue_dma source(%dma_start3A_144 : memref<32x128xf32, #tpu.memory_space<hbm>>) target(%dma_start3A_142 : memref<32x128xf32, #tpu.memory_space<vmem>>) target_semaphore(%arg17 : memref<!tpu.dma_semaphore, #tpu.memory_space<semaphore_mem>>)
          } else {
          }
          %eq3A_127 = arith.constant 1 : i32
          %eq3A_128 = arith.cmpi eq, %and3A_66, %eq3A_127 : i32
          %convert_element_type3A_129 = arith.extui %eq3A_128 : i1 to i32
          %cond3A_130 = arith.constant 1 : i32
          %cond3A_131 = arith.constant 0 : i32
          %cond3A_132 = arith.cmpi ne, %convert_element_type3A_129, %cond3A_131 : i32
          scf.if %cond3A_132 {
            %dma_start3A = arith.constant 0 : i32
            %dma_start3A_134 = arith.constant 0 : i32
            %dma_start3A_135 = tpu.memref_slice %arg14[%cond3A_130, %scan3A_74, %dma_start3A, %dma_start3A_134] : memref<2x8x32x128xf32, #tpu.memory_space<vmem>> -> memref<1x1x32x128xf32, #tpu.memory_space<vmem>>
            %dma_start3A_136 = tpu.memref_squeeze %dma_start3A_135 : memref<1x1x32x128xf32, #tpu.memory_space<vmem>> -> memref<32x128xf32, #tpu.memory_space<vmem>>
            %dma_start3A_137 = arith.constant 0 : i32
            %dma_start3A_138 = tpu.memref_slice %arg3[%dma_start3A_137, %multiple_of3A] : memref<32x1000000xf32, #tpu.memory_space<hbm>> -> memref<32x128xf32, #tpu.memory_space<hbm>>
            %dma_start3A_139 = arith.constant 0 : i32
            %dma_start3A_140 = arith.constant 0 : i32
            %dma_start3A_141 = tpu.memref_slice %arg14[%cond3A_130, %scan3A_74, %dma_start3A_139, %dma_start3A_140] : memref<2x8x32x128xf32, #tpu.memory_space<vmem>> -> memref<1x1x32x128xf32, #tpu.memory_space<vmem>>
            %dma_start3A_142 = tpu.memref_squeeze %dma_start3A_141 : memref<1x1x32x128xf32, #tpu.memory_space<vmem>> -> memref<32x128xf32, #tpu.memory_space<vmem>>
            %dma_start3A_143 = arith.constant 0 : i32
            %dma_start3A_144 = tpu.memref_slice %arg3[%dma_start3A_143, %multiple_of3A] : memref<32x1000000xf32, #tpu.memory_space<hbm>> -> memref<32x128xf32, #tpu.memory_space<hbm>>
            tpu.enqueue_dma source(%dma_start3A_144 : memref<32x128xf32, #tpu.memory_space<hbm>>) target(%dma_start3A_142 : memref<32x128xf32, #tpu.memory_space<vmem>>) target_semaphore(%arg18 : memref<!tpu.dma_semaphore, #tpu.memory_space<semaphore_mem>>)
          } else {
          }
          %scan3A_133 = arith.constant 0 : i32
          scf.yield %scan3A_133 : i32
        }
        %scan3A_73 = arith.constant 8 : i32
      } else {
      }
      %and3A_53 = arith.constant 1 : i32
      %and3A_54 = arith.andi %scan3A_38, %and3A_53 : i32
      %scan3A_55 = arith.constant 0 : i32
      %scan3A_56 = arith.constant 0 : i32
      %scan3A_57 = arith.constant 8 : i32
      %scan3A_58 = arith.addi %scan3A_56, %scan3A_57 : i32
      %scan3A_59 = arith.constant 1 : i32
      %scan3A_60 = scf.for %scan3A_63 = %scan3A_56 to %scan3A_58 step %scan3A_59 iter_args(%scan3A_64 = %scan3A_55) -> (i32)  : i32 {
        %mul3A_65 = arith.constant 8 : i32
        %mul3A_66 = arith.muli %scan3A_38, %mul3A_65 : i32
        %add3A_67 = arith.addi %mul3A_66, %scan3A_63 : i32
        %jit3A = arith.constant 128 : i32
        %div3A = arith.divsi %add3A_67, %jit3A : i32
        %sign3A = arith.constant 0 : i32
        %sign3A_68 = arith.cmpi sgt, %add3A_67, %sign3A : i32
        %sign3A_69 = arith.extui %sign3A_68 : i1 to i32
        %sign3A_70 = arith.constant 0 : i32
        %sign3A_71 = arith.cmpi slt, %add3A_67, %sign3A_70 : i32
        %sign3A_72 = arith.extui %sign3A_71 : i1 to i32
        %sign3A_73 = arith.subi %sign3A_69, %sign3A_72 : i32
        %sign3A_74 = arith.constant 0 : i32
        %sign3A_75 = arith.cmpi sgt, %jit3A, %sign3A_74 : i32
        %sign3A_76 = arith.extui %sign3A_75 : i1 to i32
        %sign3A_77 = arith.constant 0 : i32
        %sign3A_78 = arith.cmpi slt, %jit3A, %sign3A_77 : i32
        %sign3A_79 = arith.extui %sign3A_78 : i1 to i32
        %sign3A_80 = arith.subi %sign3A_76, %sign3A_79 : i32
        %ne3A = arith.cmpi ne, %sign3A_73, %sign3A_80 : i32
        %rem3A = arith.remsi %add3A_67, %jit3A : i32
        %ne3A_81 = arith.constant 0 : i32
        %ne3A_82 = arith.cmpi ne, %rem3A, %ne3A_81 : i32
        %and3A_83 = arith.andi %ne3A, %ne3A_82 : i1
        %sub3A = arith.constant 1 : i32
        %sub3A_84 = arith.subi %div3A, %sub3A : i32
        %select_n3A = arith.select %and3A_83, %sub3A_84, %div3A : i32
        %broadcast_in_dim3A = vector.broadcast %select_n3A : i32 to vector<16xi32>
        %jit3A_85 = arith.constant 128 : i32
        %eq3A = arith.constant 0 : i32
        %eq3A_86 = arith.cmpi eq, %jit3A_85, %eq3A : i32
        %jit3A_87 = arith.constant 1 : i32
        %select_n3A_88 = arith.select %eq3A_86, %jit3A_87, %jit3A_85 : i32
        %rem3A_89 = arith.remsi %add3A_67, %select_n3A_88 : i32
        %ne3A_90 = arith.constant 0 : i32
        %ne3A_91 = arith.cmpi ne, %rem3A_89, %ne3A_90 : i32
        %lt3A_92 = arith.constant 0 : i32
        %lt3A_93 = arith.cmpi slt, %rem3A_89, %lt3A_92 : i32
        %lt3A_94 = arith.constant 0 : i32
        %lt3A_95 = arith.cmpi slt, %select_n3A_88, %lt3A_94 : i32
        %ne3A_96 = arith.xori %lt3A_93, %lt3A_95 : i1
        %and3A_97 = arith.andi %ne3A_96, %ne3A_91 : i1
        %add3A_98 = arith.addi %rem3A_89, %select_n3A_88 : i32
        %select_n3A_99 = arith.select %and3A_97, %add3A_98, %rem3A_89 : i32
        %broadcast_in_dim3A_100 = vector.broadcast %select_n3A_99 : i32 to vector<16xi32>
        %gather3A = tpu.vector_load_idx %arg13[%broadcast_in_dim3A, %broadcast_in_dim3A_100] : memref<2x128xi32, #tpu.memory_space<vmem>>[vector<16xi32>, vector<16xi32>], vector<16xi32>,
        %broadcast_in_dim3A_101 = vector.broadcast %and3A_54 : i32 to vector<16xi32>
        %broadcast_in_dim3A_102 = vector.broadcast %scan3A_63 : i32 to vector<16xi32>
        %gather3A_103 = tpu.vector_load_idx %arg14[%broadcast_in_dim3A_101, %broadcast_in_dim3A_102, %iota3A, %gather3A] : memref<2x8x32x128xf32, #tpu.memory_space<vmem>>[vector<16xi32>, vector<16xi32>, vector<16xi32>, vector<16xi32>], vector<16xf32>,
        %gather3A_104 = tpu.vector_load_idx %arg14[%broadcast_in_dim3A_101, %broadcast_in_dim3A_102, %add3A_5, %gather3A] : memref<2x8x32x128xf32, #tpu.memory_space<vmem>>[vector<16xi32>, vector<16xi32>, vector<16xi32>, vector<16xi32>], vector<16xf32>,
        %jit3A_105 = arith.constant 4 : i32
        %div3A_106 = arith.divsi %add3A_67, %jit3A_105 : i32
        %sign3A_107 = arith.constant 0 : i32
        %sign3A_108 = arith.cmpi sgt, %add3A_67, %sign3A_107 : i32
        %sign3A_109 = arith.extui %sign3A_108 : i1 to i32
        %sign3A_110 = arith.constant 0 : i32
        %sign3A_111 = arith.cmpi slt, %add3A_67, %sign3A_110 : i32
        %sign3A_112 = arith.extui %sign3A_111 : i1 to i32
        %sign3A_113 = arith.subi %sign3A_109, %sign3A_112 : i32
        %sign3A_114 = arith.constant 0 : i32
        %sign3A_115 = arith.cmpi sgt, %jit3A_105, %sign3A_114 : i32
        %sign3A_116 = arith.extui %sign3A_115 : i1 to i32
        %sign3A_117 = arith.constant 0 : i32
        %sign3A_118 = arith.cmpi slt, %jit3A_105, %sign3A_117 : i32
        %sign3A_119 = arith.extui %sign3A_118 : i1 to i32
        %sign3A_120 = arith.subi %sign3A_116, %sign3A_119 : i32
        %ne3A_121 = arith.cmpi ne, %sign3A_113, %sign3A_120 : i32
        %rem3A_122 = arith.remsi %add3A_67, %jit3A_105 : i32
        %ne3A_123 = arith.constant 0 : i32
        %ne3A_124 = arith.cmpi ne, %rem3A_122, %ne3A_123 : i32
        %and3A_125 = arith.andi %ne3A_121, %ne3A_124 : i1
        %sub3A_126 = arith.constant 1 : i32
        %sub3A_127 = arith.subi %div3A_106, %sub3A_126 : i32
        %select_n3A_128 = arith.select %and3A_125, %sub3A_127, %div3A_106 : i32
        %jit3A_129 = arith.constant 4 : i32
        %eq3A_130 = arith.constant 0 : i32
        %eq3A_131 = arith.cmpi eq, %jit3A_129, %eq3A_130 : i32
        %jit3A_132 = arith.constant 1 : i32
        %select_n3A_133 = arith.select %eq3A_131, %jit3A_132, %jit3A_129 : i32
        %rem3A_134 = arith.remsi %add3A_67, %select_n3A_133 : i32
        %ne3A_135 = arith.constant 0 : i32
        %ne3A_136 = arith.cmpi ne, %rem3A_134, %ne3A_135 : i32
        %lt3A_137 = arith.constant 0 : i32
        %lt3A_138 = arith.cmpi slt, %rem3A_134, %lt3A_137 : i32
        %lt3A_139 = arith.constant 0 : i32
        %lt3A_140 = arith.cmpi slt, %select_n3A_133, %lt3A_139 : i32
        %ne3A_141 = arith.xori %lt3A_138, %lt3A_140 : i1
        %and3A_142 = arith.andi %ne3A_141, %ne3A_136 : i1
        %add3A_143 = arith.addi %rem3A_134, %select_n3A_133 : i32
        %select_n3A_144 = arith.select %and3A_142, %add3A_143, %rem3A_134 : i32
        %mul3A_145 = arith.constant 32 : i32
        %mul3A_146 = arith.muli %select_n3A_144, %mul3A_145 : i32
        %swap3A = arith.index_cast %select_n3A_128 : i32 to index
        %swap3A_147 = arith.index_cast %mul3A_146 : i32 to index
        %swap3A_148 = tpu.vector_load %arg16[%swap3A, %swap3A_147] {strides = array<i32>} : memref<64x128xf32, #tpu.memory_space<vmem>>, vector<16xf32>,
        tpu.vector_store %arg16[%swap3A, %swap3A_147], %gather3A_103 {strides = array<i32>} : memref<64x128xf32, #tpu.memory_space<vmem>>, vector<16xf32>,
        %add3A_149 = arith.constant 16 : i32
        %add3A_150 = arith.addi %mul3A_146, %add3A_149 : i32
        %swap3A_151 = arith.index_cast %select_n3A_128 : i32 to index
        %swap3A_152 = arith.index_cast %add3A_150 : i32 to index
        %swap3A_153 = tpu.vector_load %arg16[%swap3A_151, %swap3A_152] {strides = array<i32>} : memref<64x128xf32, #tpu.memory_space<vmem>>, vector<16xf32>,
        tpu.vector_store %arg16[%swap3A_151, %swap3A_152], %gather3A_104 {strides = array<i32>} : memref<64x128xf32, #tpu.memory_space<vmem>>, vector<16xf32>,
        %scan3A_154 = arith.constant 0 : i32
        scf.yield %scan3A_154 : i32
      }
      %scan3A_61 = arith.constant 8 : i32
      %scan3A_62 = arith.constant 0 : i32
      scf.yield %scan3A_62 : i32
    }
    %scan3A_37 = arith.constant 32 : i32
    "tpu.region"() ({
      %run_scoped3A = tpu.sem_alloc : memref<!tpu.dma_semaphore, #tpu.memory_space<semaphore_mem>>
      %dma_start3A = arith.constant 0 : i32
      %dma_start3A_38 = tpu.memref_slice %arg8[%mul3A_2, %dma_start3A] : memref<2048x128xf32, #tpu.memory_space<hbm>> -> memref<64x128xf32, #tpu.memory_space<hbm>>
      %dma_start3A_39 = arith.constant 0 : i32
      %dma_start3A_40 = tpu.memref_slice %arg8[%mul3A_2, %dma_start3A_39] : memref<2048x128xf32, #tpu.memory_space<hbm>> -> memref<64x128xf32, #tpu.memory_space<hbm>>
      tpu.enqueue_dma source(%arg15 : memref<64x128xf32, #tpu.memory_space<vmem>>) target(%dma_start3A_40 : memref<64x128xf32, #tpu.memory_space<hbm>>) target_semaphore(%run_scoped3A : memref<!tpu.dma_semaphore, #tpu.memory_space<semaphore_mem>>)
      %dma_wait3A = arith.constant 0 : i32
      %dma_wait3A_41 = tpu.memref_slice %arg8[%mul3A_2, %dma_wait3A] : memref<2048x128xf32, #tpu.memory_space<hbm>> -> memref<64x128xf32, #tpu.memory_space<hbm>>
      %dma_wait3A_42 = arith.constant 0 : i32
      %dma_wait3A_43 = tpu.memref_slice %arg8[%mul3A_2, %dma_wait3A_42] : memref<2048x128xf32, #tpu.memory_space<hbm>> -> memref<64x128xf32, #tpu.memory_space<hbm>>
      tpu.wait_dma2 semaphore(%run_scoped3A : memref<!tpu.dma_semaphore, #tpu.memory_space<semaphore_mem>>) src(%arg15 : memref<64x128xf32, #tpu.memory_space<vmem>>) dst(%dma_wait3A_43 : memref<64x128xf32, #tpu.memory_space<hbm>>)
      tpu.yield
    }) : () -> ()
    "tpu.region"() ({
      %run_scoped3A = tpu.sem_alloc : memref<!tpu.dma_semaphore, #tpu.memory_space<semaphore_mem>>
      %dma_start3A = arith.constant 0 : i32
      %dma_start3A_38 = tpu.memref_slice %arg9[%mul3A_2, %dma_start3A] : memref<2048x128xf32, #tpu.memory_space<hbm>> -> memref<64x128xf32, #tpu.memory_space<hbm>>
      %dma_start3A_39 = arith.constant 0 : i32
      %dma_start3A_40 = tpu.memref_slice %arg9[%mul3A_2, %dma_start3A_39] : memref<2048x128xf32, #tpu.memory_space<hbm>> -> memref<64x128xf32, #tpu.memory_space<hbm>>
      tpu.enqueue_dma source(%arg16 : memref<64x128xf32, #tpu.memory_space<vmem>>) target(%dma_start3A_40 : memref<64x128xf32, #tpu.memory_space<hbm>>) target_semaphore(%run_scoped3A : memref<!tpu.dma_semaphore, #tpu.memory_space<semaphore_mem>>)
      %dma_wait3A = arith.constant 0 : i32
      %dma_wait3A_41 = tpu.memref_slice %arg9[%mul3A_2, %dma_wait3A] : memref<2048x128xf32, #tpu.memory_space<hbm>> -> memref<64x128xf32, #tpu.memory_space<hbm>>
      %dma_wait3A_42 = arith.constant 0 : i32
      %dma_wait3A_43 = tpu.memref_slice %arg9[%mul3A_2, %dma_wait3A_42] : memref<2048x128xf32, #tpu.memory_space<hbm>> -> memref<64x128xf32, #tpu.memory_space<hbm>>
      tpu.wait_dma2 semaphore(%run_scoped3A : memref<!tpu.dma_semaphore, #tpu.memory_space<semaphore_mem>>) src(%arg16 : memref<64x128xf32, #tpu.memory_space<vmem>>) dst(%dma_wait3A_43 : memref<64x128xf32, #tpu.memory_space<hbm>>)
      tpu.yield
    }) : () -> ()
    return
  }
}

module attributes {stable_mosaic.version = 14 : i64} {
  func.func @_mlp_body(%arg0: i32, %arg1: memref<1024x128xf32, #tpu.memory_space<vmem>>, %arg2: memref<1024x128xf32, #tpu.memory_space<vmem>>, %arg3: memref<128x256xf32, #tpu.memory_space<vmem>>, %arg4: memref<128x256xf32, #tpu.memory_space<vmem>>, %arg5: memref<1x256xf32, #tpu.memory_space<vmem>>, %arg6: memref<256x128xf32, #tpu.memory_space<vmem>>, %arg7: memref<1x128xf32, #tpu.memory_space<vmem>>, %arg8: memref<128x4xf32, #tpu.memory_space<vmem>>, %arg9: memref<1x1xf32, #tpu.memory_space<vmem>>, %arg10: memref<1024x4xf32, #tpu.memory_space<vmem>>) attributes {dimension_semantics = [#tpu.dimension_semantics<arbitrary>], iteration_bounds = array<i64: 2>, scalar_prefetch = 0 : i64, scratch_operands = 0 : i64, tpu.core_type = #tpu.core_type<tc>, window_params = [{transform_indices = @transform_0, window_bounds = array<i64: 1024, 128>}, {transform_indices = @transform_1, window_bounds = array<i64: 1024, 128>}, {pipeline_mode = #tpu.pipeline_mode<synchronous>, transform_indices = @transform_2, window_bounds = array<i64: 128, 256>}, {pipeline_mode = #tpu.pipeline_mode<synchronous>, transform_indices = @transform_3, window_bounds = array<i64: 128, 256>}, {pipeline_mode = #tpu.pipeline_mode<synchronous>, transform_indices = @transform_4, window_bounds = array<i64: 1, 256>}, {pipeline_mode = #tpu.pipeline_mode<synchronous>, transform_indices = @transform_5, window_bounds = array<i64: 256, 128>}, {pipeline_mode = #tpu.pipeline_mode<synchronous>, transform_indices = @transform_6, window_bounds = array<i64: 1, 128>}, {pipeline_mode = #tpu.pipeline_mode<synchronous>, transform_indices = @transform_7, window_bounds = array<i64: 128, 4>}, {pipeline_mode = #tpu.pipeline_mode<synchronous>, transform_indices = @transform_8, window_bounds = array<i64: 1, 1>}, {transform_indices = @transform_9, window_bounds = array<i64: 1024, 4>}]} {
    %get3A = arith.constant 0 : index
    %get3A_0 = arith.constant 0 : index
    %get3A_1 = vector.load %arg1[%get3A, %get3A_0] : memref<1024x128xf32, #tpu.memory_space<vmem>>, vector<1024x128xf32>
    %get3A_2 = arith.constant 0 : index
    %get3A_3 = arith.constant 0 : index
    %get3A_4 = vector.load %arg3[%get3A_2, %get3A_3] : memref<128x256xf32, #tpu.memory_space<vmem>>, vector<128x256xf32>
    %dot_general3A = arith.constant dense<0.000000e+00> : vector<1024x256xf32>
    %dot_general3A_5 = tpu.matmul %get3A_1, %get3A_4, %dot_general3A {dimension_numbers = #tpu.dot_dimension_numbers<[1], [0], [0], [1], [0, 0, 1, 1], [], []>, transpose_lhs_hint = false} : vector<1024x128xf32>, vector<128x256xf32>, vector<1024x256xf32> -> vector<1024x256xf32>
    %get3A_6 = arith.constant 0 : index
    %get3A_7 = arith.constant 0 : index
    %get3A_8 = vector.load %arg2[%get3A_6, %get3A_7] : memref<1024x128xf32, #tpu.memory_space<vmem>>, vector<1024x128xf32>
    %get3A_9 = arith.constant 0 : index
    %get3A_10 = arith.constant 0 : index
    %get3A_11 = vector.load %arg4[%get3A_9, %get3A_10] : memref<128x256xf32, #tpu.memory_space<vmem>>, vector<128x256xf32>
    %dot_general3A_12 = arith.constant dense<0.000000e+00> : vector<1024x256xf32>
    %dot_general3A_13 = tpu.matmul %get3A_8, %get3A_11, %dot_general3A_12 {dimension_numbers = #tpu.dot_dimension_numbers<[1], [0], [0], [1], [0, 0, 1, 1], [], []>, transpose_lhs_hint = false} : vector<1024x128xf32>, vector<128x256xf32>, vector<1024x256xf32> -> vector<1024x256xf32>
    %add3A = arith.addf %dot_general3A_5, %dot_general3A_13 : vector<1024x256xf32>
    %get3A_14 = arith.constant 0 : index
    %get3A_15 = arith.constant 0 : index
    %get3A_16 = vector.load %arg5[%get3A_14, %get3A_15] : memref<1x256xf32, #tpu.memory_space<vmem>>, vector<1x256xf32>
    %add3A_17 = vector.broadcast %get3A_16 : vector<1x256xf32> to vector<1024x256xf32>
    %add3A_18 = arith.addf %add3A, %add3A_17 : vector<1024x256xf32>
    %max3A = arith.constant 0.000000e+00 : f32
    %max3A_19 = vector.broadcast %max3A : f32 to vector<1024x256xf32>
    %max3A_20 = arith.maximumf %add3A_18, %max3A_19 : vector<1024x256xf32>
    %get3A_21 = arith.constant 0 : index
    %get3A_22 = arith.constant 0 : index
    %get3A_23 = vector.load %arg6[%get3A_21, %get3A_22] : memref<256x128xf32, #tpu.memory_space<vmem>>, vector<256x128xf32>
    %dot_general3A_24 = arith.constant dense<0.000000e+00> : vector<1024x128xf32>
    %dot_general3A_25 = tpu.matmul %max3A_20, %get3A_23, %dot_general3A_24 {dimension_numbers = #tpu.dot_dimension_numbers<[1], [0], [0], [1], [0, 0, 1, 1], [], []>, transpose_lhs_hint = false} : vector<1024x256xf32>, vector<256x128xf32>, vector<1024x128xf32> -> vector<1024x128xf32>
    %get3A_26 = arith.constant 0 : index
    %get3A_27 = arith.constant 0 : index
    %get3A_28 = vector.load %arg7[%get3A_26, %get3A_27] : memref<1x128xf32, #tpu.memory_space<vmem>>, vector<1x128xf32>
    %add3A_29 = vector.broadcast %get3A_28 : vector<1x128xf32> to vector<1024x128xf32>
    %add3A_30 = arith.addf %dot_general3A_25, %add3A_29 : vector<1024x128xf32>
    %max3A_31 = arith.constant 0.000000e+00 : f32
    %max3A_32 = vector.broadcast %max3A_31 : f32 to vector<1024x128xf32>
    %max3A_33 = arith.maximumf %add3A_30, %max3A_32 : vector<1024x128xf32>
    %get3A_34 = arith.constant 0 : index
    %get3A_35 = arith.constant 0 : index
    %get3A_36 = vector.load %arg8[%get3A_34, %get3A_35] : memref<128x4xf32, #tpu.memory_space<vmem>>, vector<128x4xf32>
    %dot_general3A_37 = arith.constant dense<0.000000e+00> : vector<1024x4xf32>
    %dot_general3A_38 = tpu.matmul %max3A_33, %get3A_36, %dot_general3A_37 {dimension_numbers = #tpu.dot_dimension_numbers<[1], [0], [0], [1], [0, 0, 1, 1], [], []>, transpose_lhs_hint = false} : vector<1024x128xf32>, vector<128x4xf32>, vector<1024x4xf32> -> vector<1024x4xf32>
    %get3A_39 = arith.constant 0 : index
    %get3A_40 = arith.constant 0 : index
    %get3A_41 = vector.load %arg9[%get3A_39, %get3A_40] : memref<1x1xf32, #tpu.memory_space<vmem>>, vector<1x1xf32>
    %get3A_42 = vector.extract %get3A_41[0, 0] : f32 from vector<1x1xf32>
    %add3A_43 = vector.broadcast %get3A_42 : f32 to vector<1024x4xf32>
    %add3A_44 = arith.addf %dot_general3A_38, %add3A_43 : vector<1024x4xf32>
    %swap3A = arith.constant 0 : index
    %swap3A_45 = arith.constant 0 : index
    %swap3A_46 = vector.load %arg10[%swap3A, %swap3A_45] : memref<1024x4xf32, #tpu.memory_space<vmem>>, vector<1024x4xf32>
    tpu.vector_store %arg10[%swap3A, %swap3A_45], %add3A_44 {strides = array<i32>} : memref<1024x4xf32, #tpu.memory_space<vmem>>, vector<1024x4xf32>,
    return
  }
  func.func @transform_0(%arg0: i32) -> (i32, i32) {
    %c0_i32 = arith.constant 0 : i32
    %c0_i32_0 = arith.constant 0 : i32
    return %arg0, %c0_i32 : i32, i32
  }
  func.func @transform_1(%arg0: i32) -> (i32, i32) {
    %c0_i32 = arith.constant 0 : i32
    %c0_i32_0 = arith.constant 0 : i32
    return %arg0, %c0_i32 : i32, i32
  }
  func.func @transform_2(%arg0: i32) -> (i32, i32) {
    %c0_i32 = arith.constant 0 : i32
    %c0_i32_0 = arith.constant 0 : i32
    %c0_i32_1 = arith.constant 0 : i32
    return %c0_i32, %c0_i32_0 : i32, i32
  }
  func.func @transform_3(%arg0: i32) -> (i32, i32) {
    %c0_i32 = arith.constant 0 : i32
    %c0_i32_0 = arith.constant 0 : i32
    %c0_i32_1 = arith.constant 0 : i32
    return %c0_i32, %c0_i32_0 : i32, i32
  }
  func.func @transform_4(%arg0: i32) -> (i32, i32) {
    %c0_i32 = arith.constant 0 : i32
    %c0_i32_0 = arith.constant 0 : i32
    %c0_i32_1 = arith.constant 0 : i32
    return %c0_i32, %c0_i32_0 : i32, i32
  }
  func.func @transform_5(%arg0: i32) -> (i32, i32) {
    %c0_i32 = arith.constant 0 : i32
    %c0_i32_0 = arith.constant 0 : i32
    %c0_i32_1 = arith.constant 0 : i32
    return %c0_i32, %c0_i32_0 : i32, i32
  }
  func.func @transform_6(%arg0: i32) -> (i32, i32) {
    %c0_i32 = arith.constant 0 : i32
    %c0_i32_0 = arith.constant 0 : i32
    %c0_i32_1 = arith.constant 0 : i32
    return %c0_i32, %c0_i32_0 : i32, i32
  }
  func.func @transform_7(%arg0: i32) -> (i32, i32) {
    %c0_i32 = arith.constant 0 : i32
    %c0_i32_0 = arith.constant 0 : i32
    %c0_i32_1 = arith.constant 0 : i32
    return %c0_i32, %c0_i32_0 : i32, i32
  }
  func.func @transform_8(%arg0: i32) -> (i32, i32) {
    %c0_i32 = arith.constant 0 : i32
    %c0_i32_0 = arith.constant 0 : i32
    %c0_i32_1 = arith.constant 0 : i32
    return %c0_i32, %c0_i32_0 : i32, i32
  }
  func.func @transform_9(%arg0: i32) -> (i32, i32) {
    %c0_i32 = arith.constant 0 : i32
    %c0_i32_0 = arith.constant 0 : i32
    return %arg0, %c0_i32 : i32, i32
  }
}

</mosaic_0001>

<sc_bundles>
// kernel: kernel.6.cloned.1.call-start
scs
__scs_entry_jumppad:
0x0: {  	(pc) =	sbr.rel $0x88, $3  }
0x1: {  	(tag) =	ssettag $0x0;
	lr =	simm.s32 $0x1  }
0x2: {  	[smem:$0x3F97] =	sst lr;
	_ =	strace $0xD0000000  }
0x3: {  	_ = 	snop  }
0x4: {  	_ = 	snop  }
0x5: {  	_ = 	snop  }
0x6: {  	_ = 	snop  }
0x7: {  	_ = 	snop  }
__scs_overlays_trampoline_lowered:
0x8: {  	[smem:$0x3FA6] =	sst s0  }
0x9: {  	[smem:$0x3FA7] =	sst s1  }
0xa: {  	[smem:$0x3FA8] =	sst s2  }
0xb: {  	[smem:$0x3FA9] =	sst s3  }
0xc: {  	[smem:$0x3FAA] =	sst s4  }
0xd: {  	[smem:$0x3FAB] =	sst s5  }
0xe: {  	[smem:$0x3FAC] =	sst s6  }
0xf: {  	[smem:$0x3FAD] =	sst s7  }
0x10: {  	[smem:$0x3FAE] =	sst s8  }
0x11: {  	[smem:$0x3FAF] =	sst s9;
	s0 =	simm.s32 @!p0 $0x0  }
0x12: {  	s1 =	sld [smem:$0x3F95];
	s0 =	simm.s32 @p0 $0x1  }
0x13: {  	[smem:$0x3FB0] =	sst s0;
	s0 =	simm.s32 @!p1 $0x0  }
0x14: {  	s2 =	sld [smem:$0x3F94];
	s0 =	simm.s32 @p1 $0x1  }
0x15: {  	[smem:$0x3FB1] =	sst s0;
	s0 =	simm.s32 @!p2 $0x0  }
0x16: {  	s3 =	sld [smem:$0x3FDB];
	s0 =	simm.s32 @p2 $0x1  }
0x17: {  	s4 =	simm.s32 $0x1BF5;
	[smem:$0x3FB3] =	sst s0  }
0x18: {  	s0 =	sld [smem:$0x3F96];
	_ =	swait.ge [sflag:s4], $0x0  }
0x19: {  	s7 =	sld [smem:$0x3F97]  }
0x1a: {  	s8 =	sadd.s32 $0xFFFFE003, lr  }
0x1b: {  	s9 =	sadd.s32 $0xFFFFFEF7, lr;
	s5 =	simm.s32 $0xFFFFFFFF;
	p2 =	slt.u32 s8, $0xFFFFF086  }
0x1c: {  	p1 =	slt.u32 s9, $0xF7A;
	s5 =	simm.s32 @!p2 $0x0  }
0x1d: {  	s5 =	simm.s32 @p1 $0x1;
	p0 =	seq.s32 s7, s2  }
0x1e: {  	s7 =	smul.u32 @!p0 $0xF7A, s2;
	p2 =	seq.s32 @!p0 s5, $0x0  }
0x1f: {  	s9 =	smul.u32 $0xF7A, s1;
	s8 =	simm.s32 @!p0 $0x1BF5;
	p2 =	por !p2, p0  }
0x20: {  	[sflag:s8] =	ssyncset.s32 @!p0 $0xFFFFF086;
	s6 =	sadd.s32 @!p0 s3, s7;
	s7 =	simm.s32 @!p0 $0x108  }
0x21: {  	s3 =	sadd.s32 s3, s9;
	s6 =	sadd.s32 @!p0 $0x88, s6;
	s7 =	simm.s32 @p2 $0x1082  }
0x22: {  	[simem:s7], [sflag:s8] =	dma.local @!p0 [hbm:s6], $0xF7A  }
0x23: {  	s9 =	sor.u32 $0xD0000000, s2;
	s6 =	simm.s32 $0x108;
	_ =	swait.ge @!p0 [sflag:s8], $0x0  }
0x24: {  	s3 =	sadd.s32 $0x88, s3;
	s6 =	simm.s32 @!p1 $0x1082;
	[sflag:s4] =	ssyncset.s32 $0xFFFFF086  }
0x25: {  	[simem:s6], [sflag:s4] =	dma.local [hbm:s3], $0xF7A  }
0x26: {  	[smem:$0x3F97] =	sst s1;
	(tag) =	ssettag s2;
	_ =	strace s9  }
0x27: {  	s1 =	sld [smem:$0x3FA7]  }
0x28: {  	s2 =	sld [smem:$0x3FA8]  }
0x29: {  	s4 =	sld [smem:$0x3FAA]  }
0x2a: {  	p0 =	seq.s32 s5, $0x0;
	s5 =	sld [smem:$0x3FAB]  }
0x2b: {  	s6 =	sld [smem:$0x3FAC]  }
0x2c: {  	s7 =	sld [smem:$0x3FAD]  }
0x2d: {  	s3 =	simm.s32 $0x108;
	s8 =	sld [smem:$0x3FAE]  }
0x2e: {  	s3 =	simm.s32 @!p0 $0x1082;
	s9 =	sld [smem:$0x3FAF]  }
0x2f: {  	lr =	sadd.s32 s0, s3;
	s0 =	sld [smem:$0x3FA6]  }
0x30: {  	s3 =	sld [smem:$0x3FA9]  }
0x31: {  	[smem:$0x3FB2] =	sst s10  }
0x32: {  	s10 =	sld [smem:$0x3FB0];
	_ =	sdelay $0x3  }
0x33: {  	p0 =	seq.s32 s10, $0x1;
	s10 =	sld [smem:$0x3FB2];
	_ =	sdelay $0x3  }
0x34: {  	[smem:$0x3FB2] =	sst s10  }
0x35: {  	s10 =	sld [smem:$0x3FB1];
	_ =	sdelay $0x3  }
0x36: {  	p1 =	seq.s32 s10, $0x1;
	s10 =	sld [smem:$0x3FB2];
	_ =	sdelay $0x3  }
0x37: {  	[smem:$0x3FB2] =	sst s10  }
0x38: {  	s10 =	sld [smem:$0x3FB3]  }
0x39: {  	_ = 	snop;
	(pc) =	sbr.ind lr, $3  }
0x3a: {  	_ = 	snop  }
0x3b: {  	_ = 	snop  }
0x3c: {  	p2 =	seq.s32 s10, $0x1;
	s10 =	sld [smem:$0x3FB2]  }
0x3d: {  	_ =	shalt  }
0x3e: {  	_ =	shalt  }
0x3f: {  	_ =	shalt  }
0x40: {  	_ =	shalt  }
0x41: {  	_ =	shalt  }
0x42: {  	_ =	shalt  }
0x43: {  	_ =	shalt  }
0x44: {  	_ =	shalt  }
0x45: {  	_ =	shalt  }
0x46: {  	_ =	shalt  }
0x47: {  	_ =	shalt  }
0x48: {  	_ =	shalt  }
0x49: {  	_ =	shalt  }
0x4a: {  	_ =	shalt  }
0x4b: {  	_ =	shalt  }
0x4c: {  	_ =	shalt  }
0x4d: {  	_ =	shalt  }
0x4e: {  	_ =	shalt  }
0x4f: {  	_ =	shalt  }
0x50: {  	_ =	shalt  }
0x51: {  	_ =	shalt  }
0x52: {  	_ =	shalt  }
0x53: {  	_ =	shalt  }
0x54: {  	_ =	shalt  }
0x55: {  	_ =	shalt  }
0x56: {  	_ =	shalt  }
0x57: {  	_ =	shalt  }
0x58: {  	_ =	shalt  }
0x59: {  	_ =	shalt  }
0x5a: {  	_ =	shalt  }
0x5b: {  	_ =	shalt  }
0x5c: {  	_ =	shalt  }
0x5d: {  	_ =	shalt  }
0x5e: {  	_ =	shalt  }
0x5f: {  	_ =	shalt  }
0x60: {  	_ =	shalt  }
0x61: {  	_ =	shalt  }
0x62: {  	_ =	shalt  }
0x63: {  	_ =	shalt  }
0x64: {  	_ =	shalt  }
0x65: {  	_ =	shalt  }
0x66: {  	_ =	shalt  }
0x67: {  	_ =	shalt  }
0x68: {  	_ =	shalt  }
0x69: {  	_ =	shalt  }
0x6a: {  	_ =	shalt  }
0x6b: {  	_ =	shalt  }
0x6c: {  	_ =	shalt  }
0x6d: {  	_ =	shalt  }
0x6e: {  	_ =	shalt  }
0x6f: {  	_ =	shalt  }
0x70: {  	_ =	shalt  }
0x71: {  	_ =	shalt  }
0x72: {  	_ =	shalt  }
0x73: {  	_ =	shalt  }
0x74: {  	_ =	shalt  }
0x75: {  	_ =	shalt  }
0x76: {  	_ =	shalt  }
0x77: {  	_ =	shalt  }
0x78: {  	_ =	shalt  }
0x79: {  	_ =	shalt  }
0x7a: {  	_ =	shalt  }
0x7b: {  	_ =	shalt  }
0x7c: {  	_ =	shalt  }
0x7d: {  	_ =	shalt  }
0x7e: {  	_ =	shalt  }
0x7f: {  	_ =	shalt  }
0x80: {  	_ =	shalt  }
0x81: {  	_ =	shalt  }
0x82: {  	_ =	shalt  }
0x83: {  	_ =	shalt  }
0x84: {  	_ =	shalt  }
0x85: {  	_ =	shalt  }
0x86: {  	_ =	shalt  }
0x87: {  	_ =	shalt  }
.Lfunc_end0:
.L_simem_size_0:
called_computation_lowered:
.L_overlay_start_0:
0x88: {  	s2 =	sld [smem:$0x3FD9]  }
0x89: {  	s3 =	sld [smem:$0x3FFE];
	_ =	sdelay $0x1  }
0x8a: {  	s1 =	srdreg.scid  }
0x8b: {  	s0 =	sand.u32 $0x1, s1  }
0x8c: {  	s17 =	sshll.u32 s0, $0xA;
	s2 =	sadd.s32 s3, s2  }
0x8d: {  	s2 =	sadd.s32 s2, s17  }
0x8e: {  	[smem:$0x3FBE] =	sst s2  }
0x8f: {  	_ = 	snop  }
0x90: {  	s2 =	sld [smem:$0x3FC7]  }
0x91: {  	s18 =	sld [smem:$0x3FC6];
	(tm) =	ssettm $0x1  }
0x92: {  	s4 =	sld [smem:$0x3FFB];
	_ =	sdelay $0x3  }
0x93: {  	_ =	strace s4  }
0x94: {  	s4 =	sld [smem:$0x3FFC];
	_ =	sdelay $0x3  }
0x95: {  	_ =	strace s4  }
0x96: {  	s4 =	sld [smem:$0x3FFD];
	_ =	sdelay $0x3  }
0x97: {  	_ =	strace s4  }
0x98: {  	_ =	strace $0x8FFFFFFF  }
0x99: {  	s19 =	sld [smem:$0x3FDB];
	_ =	sdelay $0x1  }
0x9a: {  	s5 =	simm.s32 $_scs_section_size  }
0x9b: {  	s6 =	simm.s32 $_size__tile_overlayer_lowered;
	s7 =	simm.s32 $_tile_overlayer_lowered  }
0x9c: {  	s22 =	simm.s32 $0x1BFF;
	s21 =	sshll.u32 s7, $0x1;
	s4 =	sadd.s32 s5, s19  }
0x9d: {  	s8 =	simm.s32 $0x0;
	s20 =	sshll.u32 s6, $0x1;
	s6 =	sadd.s32 s21, s4  }
0x9e: {  	[timem:s8], [sflag:s22] =	dma.local [hbm:s6], s20  }
0x9f: {  	_ =	swait.ge [sflag:s22], s20  }
0xa0: {  	s5 =	ssub.s32 $0x0, s20;
	[sflag:s22] =	ssyncset.done $0x0  }
0xa1: {  	[sflag:s22] =	ssyncadd.s32 s5;
	_ =	sdelay $0x1  }
0xa2: {  	s23 =	simm.s32 $0x1B8B  }
0xa3: {  	_ =	swait.ge [sflag:s23], $0x1  }
0xa4: {  	[sflag:s23] =	ssyncset.done $0x0  }
0xa5: {  	s25 =	simm.s32 $0x1B8E;
	s24 =	sld [smem:$0x3FFE];
	[sflag:s23] =	ssyncadd.s32 $0xFFFFFFFF  }
0xa6: {  	s26 =	simm.s32 $execute0_lowered;
	[smem:$0x3FD2] =	sst s25  }
0xa7: {  	s6 =	sshll.u32 s26, $0x1;
	_ =	strace $0x80000046;
	[dreg:$0x1] =	wrdreg $0xFFFFFFFF  }
0xa8: {  	s28 =	simm.s32 $_size_execute0_lowered;
	s4 =	sadd.s32 s4, s6;
	[dreg:$0x0] =	wrdreg $0x0  }
0xa9: {  	s6 =	sshll.u32 s28, $0x1;
	[dreg:$0x2] =	wrdreg s4  }
0xaa: {  	[dreg:$0x3] =	wrdreg s6  }
0xab: {  	[dreg:$0x4] =	wrdreg $0xC0  }
0xac: {  	_ =	task [dreg:s8], $0x5FFFF  }
0xad: {  	[dreg:$0x1] =	wrdreg $0xFFFFFFFF  }
0xae: {  	[dreg:$0x0] =	wrdreg $0x60  }
0xaf: {  	[dreg:$0x2] =	wrdreg s2  }
0xb0: {  	[dreg:$0x3] =	wrdreg s18  }
0xb1: {  	[dreg:$0x4] =	wrdreg s24  }
0xb2: {  	[dreg:$0x5] =	wrdreg $0x9  }
0xb3: {  	_ =	task.clear_ibuf [dreg:s8], $0x6FFFF;
	_ =	strace $0x90000046  }
0xb4: {  	s29 =	simm.s32 $0x9;
	_ =	strace $0x80000048  }
0xb5: {  	_ =	swait.ge [sflag:s29], $0x1  }
0xb6: {  	[sflag:s29] =	ssyncadd.s32 $0xFFFFFFFF  }
0xb7: {  	_ =	strace $0x90000048  }
0xb8: {  	_ =	sfence  }
0xb9: {  	s30 =	sld [smem:$0x0];
	_ =	sdelay $0x2  }
0xba: {  	s31 =	sshll.u32 s1, $0xD;
	s1 =	sshrl.u32 s1, $0x2  }
0xbb: {  	s3 =	sand.u32 $0x4000, s31;
	s1 =	sadd.s32 s1, s30  }
0xbc: {  	s0 =	sor.u32 s3, s0;
	s1 =	sshll.u32 s1, $0x11  }
0xbd: {  	s0 =	sor.u32 s1, s0  }
0xbe: {  	s0 =	sadd.s32 $0x8F2B, s0  }
0xbf: {  	[sflag:s0] =	ssyncadd.remote.s32 $0x1  }
0xc0: {  	_ =	sfence.sel $0xFFFF  }
0xc1: {  	[dreg:$0x0] =	wrdreg $0xFFFFFFFF;
	(pc) =	sbr.abs _section_cstart, $3  }
0xc2: {  	[dreg:$0x1] =	wrdreg $0xFFFFFFFF  }
0xc3: {  	_ =	task.clear_ibuf [dreg:s8], $0x2FFFF;
	_ =	strace $0x9FFFFFFF  }
0xc4: {  	(tm) =	ssettm $0x7FFFFFFF  }
0xc5: {  	_ =	shalt  }
tec
execute0_lowered:
.L_overlay_start_1:
0x0: {  	(tag) =	ssettag $0x1  }
0x1: {  	s1 =	rddreg [dreg:$0x0]  }
0x2: {  	s3 =	rddreg [dreg:$0x1]  }
0x3: {  	s0 =	rddreg [dreg:$0x2]  }
0x4: {  	s2 =	srdreg.scid;
	s5 =	stileid.u32  }
0x5: {  	s4 =	simm.s32 $0x0;
	s12 =	simm.s32 $0x3;
	s13 =	simm.s32 $0x100  }
0x6: {  	s14 =	simm.s32 $0x200;
	s15 =	simm.s32 $0x300;
	s16 =	simm.s32 $0x400  }
0x7: {  	s17 =	simm.s32 $0x7A1400;
	s18 =	simm.s32 $0x10400;
	s19 =	simm.s32 $0x12400  }
0x8: {  	s2 =	sand.u32 $0x1, s2;
	s5 =	sshll.u32 s5, $0x1;
	[smem:$0x7FF] =	sst s4  }
0x9: {  	s20 =	simm.s32 $0x0;
	s5 =	sor.u32 s2, s5;
	_ =	strace $0x80000047  }
.Ltmp0:
0xa: {  	s2 =	ssub.s32 $0x2, s2;
	s6 =	sshll.u32 s5, $0x5;
	(pc) =	sbr.rel .LBB2_1-.Ltmp0, $4  }
0xb: {  	v0 =	vlaneseq.u32;
	s5 =	sshll.u32 s5, $0xA;
	s31 =	sshrl.u32 s2, $0x1;
	s8 =	sadd.s32 s6, s0  }
0xc: {  	v0 =	vmul.u32 $0x80, v0;
	s0 =	sadd.s32 s5, s0;
	s2 =	ssub.s32 s2, s31;
	s5 =	sadd.s32 $0x5200, s8  }
0xd: {  	s6 =	sadd.s32 $0x6200, s8;
	s7 =	sadd.s32 $0x4E00, s8;
	s8 =	sadd.s32 $0x5E00, s8  }
0xe: {  	v1 =	vor.u32 $0x800, v0;
	s9 =	sadd.s32 $0x6600, s0;
	s10 =	sadd.s32 $0xE600, s0;
	s11 =	smax.u32 s2, $0x1  }
.LBB2_39:
0xf: {  	[hbm4b:s9+s4] =	stream.linear.scatter [tilespmem:s18], [sflag:$0x3], $0x2000, $0x38;
	[tilespmem:$0x14400] =	vst v63  }
0x10: {  	s20 =	sadd.s32 $0x1, s20;
	_ =	swait.ge [sflag:s12], $0x2000  }
0x11: {  	p0 =	sne.s32 s20, s11;
	[sflag:s12] =	ssyncset.done $0x0  }
.Ltmp1:
0x12: {  	[sflag:s12] =	ssyncadd.s32 $0xFFFFE000;
	(pc) =	sbr.rel @!p0 .LBB2_40-.Ltmp1, $4  }
0x13: {  	[hbm4b:s10+s4] =	stream.linear.scatter [tilespmem:s19], [sflag:$0x3], $0x2000, $0x38;
	[tilespmem:$0x14400] =	vst v63  }
0x14: {  	_ =	swait.ge [sflag:s12], $0x2000  }
0x15: {  	[sflag:s12] =	ssyncset.done $0x0  }
0x16: {  	[sflag:s12] =	ssyncadd.s32 $0xFFFFE000  }
.LBB2_1:
0x17: {  	[tilespmem:s4], [sflag:$0x3] =	stream.linear.gather [hbm4b:s5+s4], $0x100, $0x38;
	[tilespmem:$0x14400] =	vst v63  }
0x18: {  	_ =	swait.ge [sflag:s12], $0x100  }
0x19: {  	[sflag:s12] =	ssyncset.done $0x0  }
0x1a: {  	[sflag:s12] =	ssyncadd.s32 $0xFFFFFF00  }
0x1b: {  	[tilespmem:s13], [sflag:$0x3] =	stream.linear.gather [hbm4b:s6+s4], $0x100, $0x38;
	[tilespmem:$0x14400] =	vst v63  }
0x1c: {  	_ =	swait.ge [sflag:s12], $0x100  }
0x1d: {  	[sflag:s12] =	ssyncset.done $0x0  }
0x1e: {  	[sflag:s12] =	ssyncadd.s32 $0xFFFFFF00  }
0x1f: {  	[tilespmem:s14], [sflag:$0x3] =	stream.linear.gather [hbm4b:s7+s4], $0x100, $0x38;
	[tilespmem:$0x14400] =	vst v63  }
0x20: {  	_ =	swait.ge [sflag:s12], $0x100  }
0x21: {  	p2 =	por $0x0, $0x0;
	[sflag:s12] =	ssyncset.done $0x0  }
.Ltmp2:
0x22: {  	[sflag:s12] =	ssyncadd.s32 $0xFFFFFF00;
	(pc) =	sbr.rel @p2 .LBB2_2-.Ltmp2, $4  }
0x23: {  	[tilespmem:s15], [sflag:$0x3] =	stream.linear.gather [hbm4b:s8+s4], $0x100, $0x38;
	[tilespmem:$0x14400] =	vst v63  }
0x24: {  	_ =	swait.ge [sflag:s12], $0x100  }
0x25: {  	s0 =	simm.s32 $0x1;
	[sflag:s12] =	ssyncset.done $0x0  }
0x26: {  	v2 =	vmov s4;
	p0 =	por $0x0, $0x0;
	p1 =	por $0x0, $0x0;
	[sflag:s12] =	ssyncadd.s32 $0xFFFFFF00  }
0x27: {  	_ =	sdelay $0x2  }
0x28: {  	s21 =	simm.s32 $0x0  }
0x29: {  	v2 =	vld.idx.msk [tilespmem:v2+s21+$0x0], $0xffff;
	_ =	sdelay $0x4  }
0x2a: {  	v2 =	vxor.u32 $0x80000000, v2  }
0x2b: {  	(xrf0) =	vmax.scan.msk.u32 $0xffff, v2;
	_ =	sdelay $0x5  }
0x2c: {  	v2, _, _ =	vpop (xrf0)  }
0x2d: {  	(v2sf) =	vpush v2, $0xF;
	_ =	sdelay $0x9  }
0x2e: {  	p2 =	por $0x0, $0x0  }
.Ltmp3:
0x2f: {  	_ = 	snop;
	(pc) =	sbr.rel @p2 .LBB2_4-.Ltmp3, $2  }
0x30: {  	_ =	sdelay $0x2  }
0x31: {  	s24 =	simm.s32 $0x2;
	p0 =	por $0x1, $0x1;
	v2 =	vmov s0;
	s23 =	spop (v2sf)  }
0x32: {  	s0 =	sshll.u32 s23, $0x7  }
0x33: {  	s0 =	sand.u32 $0x1FFFFF80, s0  }
0x34: {  	s0 =	sadd.s32 s1, s0  }
0x35: {  	[tilespmem:s16], [sflag:$0x1] =	stream.strided.gather [hbm4b:s0+s16], $0x1000, s17, s16, $0x38;
	[tilespmem:$0x14400] =	vst v63  }
0x36: {  	v2 =	vld.idx.msk [tilespmem:v2+s21+$0x0], $0xffff;
	_ =	sdelay $0x4  }
0x37: {  	v2 =	vxor.u32 $0x80000000, v2  }
0x38: {  	(xrf0) =	vmax.scan.msk.u32 $0xffff, v2;
	_ =	sdelay $0x5  }
0x39: {  	v2, _, _ =	vpop (xrf0)  }
0x3a: {  	(v2sf) =	vpush v2, $0xF;
	_ =	sdelay $0x9  }
0x3b: {  	p2 =	por $0x0, $0x0  }
.Ltmp4:
0x3c: {  	_ = 	snop;
	(pc) =	sbr.rel @p2 .LBB2_6-.Ltmp4, $3  }
0x3d: {  	_ =	sdelay $0x1  }
0x3e: {  	s22 =	simm.s32 $0x3  }
0x3f: {  	p1 =	por $0x1, $0x1;
	s21 =	simm.s32 $0x400;
	v2 =	vmov s24;
	s23 =	spop (v2sf)  }
.LBB2_7:
0x40: {  	p2 =	seq.s32 s22, $0x7;
	s0 =	sshll.u32 s23, $0x7  }
0x41: {  	s0 =	sand.u32 $0x1FFFFF80, s0  }
0x42: {  	s2 =	simm.s32 $0x0;
	s21 =	sadd.s32 $0x1000, s21;
	s0 =	sadd.s32 s1, s0  }
0x43: {  	[tilespmem:s21], [sflag:$0x1] =	stream.strided.gather [hbm4b:s0+s16], $0x1000, s17, s16, $0x38;
	[tilespmem:$0x14400] =	vst v63  }
0x44: {  	v2 =	vld.idx.msk [tilespmem:v2+s2+$0x0], $0xffff;
	_ =	sdelay $0x5  }
0x45: {  	v2 =	vxor.u32 $0x80000000, v2  }
0x46: {  	(xrf0) =	vmax.scan.msk.u32 $0xffff, v2;
	_ =	sdelay $0x5  }
0x47: {  	v2, _, _ =	vpop (xrf0)  }
0x48: {  	(v2sf) =	vpush v2, $0xF;
	_ =	sdelay $0xa  }
.Ltmp5:
0x49: {  	(pc) =	sbr.rel @!p2 .LBB2_7-.Ltmp5, $2  }
0x4a: {  	_ =	sdelay $0x2  }
0x4b: {  	v2 =	vmov s22;
	s22 =	sadd.s32 $0x1, s22;
	s23 =	spop (v2sf)  }
.LBB2_8:
0x4c: {  	s0 =	sshll.u32 @p0 s23, $0x7  }
0x4d: {  	s2 =	sadd.s32 @p1 $0x1000, s21;
	s21 =	simm.s32 $0x400;
	s0 =	sand.u32 @p0 $0x1FFFFF80, s0  }
0x4e: {  	s23 =	simm.s32 $0x0;
	s21 =	smov.u32 @p1 s2;
	s0 =	sadd.s32 @p0 s1, s0  }
0x4f: {  	[tilespmem:s21], [sflag:$0x1] =	stream.strided.gather @p0 [hbm4b:s0+s16], $0x1000, s17, s16, $0x38;
	[tilespmem:$0x14400] =	vst v63  }
0x50: {  	v2 =	vld.idx.msk [tilespmem:v2+s23+$0x0], $0xffff;
	_ =	sdelay $0x4  }
0x51: {  	v2 =	vxor.u32 $0x80000000, v2  }
0x52: {  	(xrf0) =	vmax.scan.msk.u32 $0xffff, v2;
	_ =	sdelay $0x5  }
0x53: {  	v2, _, _ =	vpop (xrf0)  }
0x54: {  	(v2sf) =	vpush v2, $0xF;
	_ =	sdelay $0xe  }
0x55: {  	s31 =	spop (v2sf)  }
0x56: {  	s0 =	sshll.u32 s31, $0x7  }
0x57: {  	s2 =	sadd.s32 @p0 $0x1000, s21;
	s21 =	simm.s32 $0x400;
	s0 =	sand.u32 $0x1FFFFF80, s0  }
0x58: {  	s21 =	smov.u32 @p0 s2;
	s0 =	sadd.s32 s1, s0  }
0x59: {  	[tilespmem:s21], [sflag:$0x1] =	stream.strided.gather [hbm4b:s0+s16], $0x1000, s17, s16, $0x38;
	[tilespmem:$0x14400] =	vst v63  }
0x5a: {  	s21 =	simm.s32 $0x1  }
.LBB2_9:
0x5b: {  	s24 =	sand.u32 $0x1, s23  }
0x5c: {  	s0 =	simm.s32 $0x2;
	p0 =	seq.s32 s24, $0x1  }
0x5d: {  	s0 =	simm.s32 @!p0 $0x1  }
0x5e: {  	_ =	swait.ge [sflag:s0], $0x1000  }
0x5f: {  	[sflag:s0] =	ssyncset.done $0x0  }
0x60: {  	[sflag:s0] =	ssyncadd.s32 $0xFFFFF000  }
0x61: {  	_ =	swait.ge [sflag:s0], $0x1000  }
0x62: {  	[sflag:s0] =	ssyncset.done $0x0  }
0x63: {  	[sflag:s0] =	ssyncadd.s32 $0xFFFFF000  }
0x64: {  	_ =	swait.ge [sflag:s0], $0x1000  }
0x65: {  	[sflag:s0] =	ssyncset.done $0x0  }
0x66: {  	[sflag:s0] =	ssyncadd.s32 $0xFFFFF000  }
0x67: {  	_ =	swait.ge [sflag:s0], $0x1000  }
0x68: {  	[sflag:s0] =	ssyncset.done $0x0  }
0x69: {  	[sflag:s0] =	ssyncadd.s32 $0xFFFFF000  }
0x6a: {  	_ =	swait.ge [sflag:s0], $0x1000  }
0x6b: {  	[sflag:s0] =	ssyncset.done $0x0  }
0x6c: {  	[sflag:s0] =	ssyncadd.s32 $0xFFFFF000  }
0x6d: {  	_ =	swait.ge [sflag:s0], $0x1000  }
0x6e: {  	[sflag:s0] =	ssyncset.done $0x0  }
0x6f: {  	[sflag:s0] =	ssyncadd.s32 $0xFFFFF000  }
0x70: {  	p0 =	seq.s32 s23, $0x1F;
	_ =	swait.ge [sflag:s0], $0x1000  }
.Ltmp6:
0x71: {  	[sflag:s0] =	ssyncset.done $0x0;
	(pc) =	sbr.rel @!p0 .LBB2_10-.Ltmp6, $4  }
0x72: {  	[sflag:s0] =	ssyncadd.s32 $0xFFFFF000  }
0x73: {  	_ =	swait.ge [sflag:s0], $0x1000  }
0x74: {  	[sflag:s0] =	ssyncset.done $0x0  }
0x75: {  	s22 =	sadd.s32 $0x1, s23;
	[sflag:s0] =	ssyncadd.s32 $0xFFFFF000  }
.LBB2_19:
0x76: {  	s26 =	sshll.u32 s23, $0x3  }
0x77: {  	s0 =	sadd.s32 $0x0, s26  }
0x78: {  	s28 =	sand.u32 $0xFFFFFF80, s26;
	s2 =	sand.u32 $0x7F, s0  }
0x79: {  	s2 =	sadd.s32 s28, s2  }
0x7a: {  	v2 =	vmov s2;
	_ =	sdelay $0x4  }
0x7b: {  	v2 =	vld.idx.msk [tilespmem:v2+s14+$0x0], $0xffff;
	_ =	sdelay $0x3  }
0x7c: {  	s24 =	sshll.u32 s24, $0xF  }
0x7d: {  	s23 =	sadd.s32 $0x0, s24;
	v3 =	vand.u32 $0xFFFFFF80, v2  }
0x7e: {  	v2 =	vand.u32 $0x7F, v2;
	v3 =	vadd.s32 s23, v3  }
0x7f: {  	v2 =	vadd.s32 v2, v3  }
0x80: {  	v3 =	vadd.s32 v0, v2  }
0x81: {  	s29 =	simm.s32 $0x0;
	v4 =	vadd.s32 v1, v2  }
0x82: {  	s25 =	sand.u32 $0x3, s29  }
0x83: {  	p0 =	seq.s32 s0, $0x0;
	p1 =	sne.s32 s25, $0x0  }
0x84: {  	s30 =	simm.s32 $0x2;
	s25 =	sadd.s32 $0x1, s26;
	p0 =	por !p0, !p1  }
0x85: {  	s31 =	sshrl.u32 s0, $0x2;
	p0 =	por !p0, !p0;
	s2 =	simm.s32 $0x1;
	v2 =	vld.idx.msk [tilespmem:v3+s16+$0x0], $0xffff  }
0x86: {  	s0 =	sand.u32 $0x7F, s25;
	s2 =	simm.s32 @!p0 $0x0;
	s23 =	simm.s32 $0x1;
	v3 =	vld.idx.msk [tilespmem:v4+s16+$0x0], $0xffff  }
.LBB2_20:
0x87: {  	p0 =	seq.s32 s30, $0x7;
	s0 =	sadd.s32 s28, s0;
	s2 =	ssub.s32 s31, s2  }
0x88: {  	v4 =	vmov s0;
	s0 =	sshll.u32 s29, $0x5;
	s2 =	sshll.u32 s2, $0x9;
	s29 =	smov.u32 s23  }
0x89: {  	s23 =	smov.u32 s30;
	s0 =	sand.u32 $0x60, s0;
	s2 =	sshra.s32 s2, $0x2  }
0x8a: {  	s0 =	sor.u32 s0, s2  }
0x8b: {  	s2 =	sadd.s32 $0x10400, s0;
	[tilespmem:s0+$0x10400] =	vst v2  }
0x8c: {  	[tilespmem:s2+$0x10] =	vst v3  }
0x8d: {  	v2 =	vld.idx.msk [tilespmem:v4+s14+$0x0], $0xffff;
	_ =	sdelay $0x4  }
0x8e: {  	s0 =	sshll.u32 s29, $0xC  }
0x8f: {  	s0 =	sadd.s32 s24, s0;
	v3 =	vand.u32 $0xFFFFFF80, v2  }
0x90: {  	v2 =	vand.u32 $0x7F, v2;
	v3 =	vadd.s32 s0, v3  }
0x91: {  	v2 =	vadd.s32 v2, v3  }
0x92: {  	v3 =	vadd.s32 v0, v2  }
0x93: {  	v4 =	vadd.s32 v1, v2  }
.Ltmp7:
0x94: {  	s0 =	sand.u32 $0x3, s29;
	(pc) =	sbr.rel @!p0 .LBB2_20-.Ltmp7, $4  }
0x95: {  	p1 =	seq.s32 s25, $0x0;
	p2 =	sne.s32 s0, $0x0  }
0x96: {  	s31 =	sshrl.u32 s25, $0x2;
	p1 =	por !p1, !p2  }
0x97: {  	s25 =	sadd.s32 s26, s30;
	s2 =	simm.s32 $0x1;
	p1 =	por !p1, !p1;
	v2 =	vld.idx.msk [tilespmem:v3+s16+$0x0], $0xffff  }
0x98: {  	s30 =	sadd.s32 $0x1, s30;
	s0 =	sand.u32 $0x7F, s25;
	s2 =	simm.s32 @!p1 $0x0;
	v3 =	vld.idx.msk [tilespmem:v4+s16+$0x0], $0xffff  }
0x99: {  	s0 =	sadd.s32 s28, s0;
	s2 =	ssub.s32 s31, s2  }
0x9a: {  	s26 =	sshll.u32 s29, $0x5;
	v4 =	vmov s0;
	s2 =	sshll.u32 s2, $0x9  }
0x9b: {  	s0 =	sand.u32 $0x60, s26;
	s2 =	sshra.s32 s2, $0x2  }
0x9c: {  	s0 =	sor.u32 s0, s2  }
0x9d: {  	s2 =	sadd.s32 $0x10400, s0;
	[tilespmem:s0+$0x10400] =	vst v2  }
0x9e: {  	[tilespmem:s2+$0x10] =	vst v3  }
0x9f: {  	v2 =	vld.idx.msk [tilespmem:v4+s14+$0x0], $0xffff;
	_ =	sdelay $0x3  }
0xa0: {  	s28 =	sshll.u32 s23, $0xC  }
0xa1: {  	s0 =	sadd.s32 s24, s28;
	v3 =	vand.u32 $0xFFFFFF80, v2  }
0xa2: {  	v2 =	vand.u32 $0x7F, v2;
	v3 =	vadd.s32 s0, v3  }
0xa3: {  	v2 =	vadd.s32 v2, v3  }
0xa4: {  	v3 =	vadd.s32 v0, v2  }
0xa5: {  	s29 =	sand.u32 $0x3, s23;
	v2 =	vadd.s32 v1, v2  }
0xa6: {  	p0 =	seq.s32 s25, $0x0;
	p1 =	sne.s32 s29, $0x0  }
0xa7: {  	p0 =	por !p0, !p1  }
0xa8: {  	p0 =	por !p0, !p0;
	s0 =	simm.s32 $0x1  }
0xa9: {  	s30 =	sshrl.u32 s25, $0x2;
	s0 =	simm.s32 @!p0 $0x0;
	v3 =	vld.idx.msk [tilespmem:v3+s16+$0x0], $0xffff  }
0xaa: {  	s0 =	ssub.s32 s30, s0;
	v2 =	vld.idx.msk [tilespmem:v2+s16+$0x0], $0xffff  }
0xab: {  	s31 =	sshll.u32 s23, $0x5;
	s0 =	sshll.u32 s0, $0x9  }
0xac: {  	s2 =	sand.u32 $0x60, s31;
	s0 =	sshra.s32 s0, $0x2  }
0xad: {  	s0 =	sor.u32 s2, s0  }
0xae: {  	s2 =	sadd.s32 $0x10400, s0;
	[tilespmem:s0+$0x10400] =	vst v3  }
0xaf: {  	[tilespmem:s2+$0x10] =	vst v2  }
0xb0: {  	p0 =	seq.s32 s22, $0x20  }
.Ltmp8:
0xb1: {  	_ = 	snop;
	(pc) =	sbr.rel @!p0 .LBB2_9-.Ltmp8, $4  }
.Ltmp9:
0xb2: {  	_ = 	snop;
	(pc) =	sbr.rel @p0 .LBB2_14-.Ltmp9, $4  }
0xb3: {  	_ = 	snop  }
0xb4: {  	_ = 	snop  }
0xb5: {  	s21 =	sadd.s32 $0x1, s21;
	s23 =	smov.u32 s22  }
0xb6: {  	_ = 	snop  }
.LBB2_10:
.Ltmp10:
0xb7: {  	(pc) =	sbr.rel .LBB2_11-.Ltmp10, $4  }
0xb8: {  	_ = 	snop  }
0xb9: {  	s0 =	sand.u32 $0xF, s21;
	s2 =	sshll.u32 s22, $0x3;
	s28 =	sand.u32 $0x1, s22  }
0xba: {  	s29 =	simm.s32 $0x8400;
	p1 =	sne.s32 s24, $0x0;
	s25 =	sshll.u32 s0, $0x3  }
0xbb: {  	s26 =	sand.u32 $0xFFFFFF80, s2;
	p0 =	seq.s32 s28, $0x1;
	s28 =	simm.s32 $0x0  }
.LBB2_12:
0xbc: {  	s0 =	sadd.s32 s1, s0  }
.LBB2_17:
0xbd: {  	[tilespmem:s29], [sflag:$0x2] =	stream.strided.gather [hbm4b:s0+s16], $0x1000, s17, s16, $0x38;
	[tilespmem:$0x14400] =	vst v63  }
.LBB2_18:
0xbe: {  	s28 =	sadd.s32 $0x1, s28  }
0xbf: {  	p2 =	sne.s32 s28, $0x8  }
.Ltmp11:
0xc0: {  	_ = 	snop;
	(pc) =	sbr.rel @!p2 .LBB2_19-.Ltmp11, $2  }
0xc1: {  	_ =	sdelay $0x2  }
0xc2: {  	s29 =	sadd.s32 $0x1000, s29  }
.LBB2_11:
0xc3: {  	s0 =	sadd.s32 s28, s25  }
0xc4: {  	s0 =	sadd.s32 s26, s0  }
0xc5: {  	v2 =	vmov s0;
	_ =	sdelay $0x4  }
0xc6: {  	v2 =	vld.idx.msk [tilespmem:v2+s4+$0x0], $0xffff;
	_ =	sdelay $0x4  }
0xc7: {  	v2 =	vxor.u32 $0x80000000, v2  }
0xc8: {  	(xrf0) =	vmax.scan.msk.u32 $0xffff, v2;
	_ =	sdelay $0x5  }
0xc9: {  	v2, _, _ =	vpop (xrf0)  }
0xca: {  	(v2sf) =	vpush v2, $0xF;
	_ =	sdelay $0xc  }
.Ltmp12:
0xcb: {  	_ = 	snop;
	(pc) =	sbr.rel @p0 .LBB2_12-.Ltmp12, $4  }
0xcc: {  	_ = 	snop  }
0xcd: {  	s31 =	spop (v2sf)  }
0xce: {  	s0 =	sshll.u32 s31, $0x7  }
0xcf: {  	s0 =	sand.u32 $0x1FFFFF80, s0  }
.Ltmp13:
0xd0: {  	(pc) =	sbr.rel @p1 .LBB2_18-.Ltmp13, $4  }
.Ltmp14:
0xd1: {  	(pc) =	sbr.rel @!p1 .LBB2_17-.Ltmp14, $4  }
0xd2: {  	_ = 	snop  }
0xd3: {  	s2 =	sadd.s32 $0xFFFF8000, s29;
	s0 =	sadd.s32 s1, s0  }
0xd4: {  	[tilespmem:s2], [sflag:$0x1] =	stream.strided.gather [hbm4b:s0+s16], $0x1000, s17, s16, $0x38;
	[tilespmem:$0x14400] =	vst v63  }
0xd5: {  	_ = 	snop  }
.LBB2_14:
0xd6: {  	p2 =	por $0x0, $0x0  }
.Ltmp15:
0xd7: {  	_ = 	snop;
	(pc) =	sbr.rel @p2 .LBB2_15-.Ltmp15, $3  }
0xd8: {  	_ =	sdelay $0x1  }
0xd9: {  	s22 =	simm.s32 $0x0;
	s21 =	simm.s32 $0x400  }
0xda: {  	s0 =	simm.s32 $0x1;
	p0 =	por $0x0, $0x0;
	p1 =	por $0x0, $0x0;
	v2 =	vmov s22  }
0xdb: {  	_ =	sdelay $0x3  }
0xdc: {  	v2 =	vld.idx.msk [tilespmem:v2+s13+$0x0], $0xffff;
	_ =	sdelay $0x4  }
0xdd: {  	v2 =	vxor.u32 $0x80000000, v2  }
0xde: {  	(xrf0) =	vmax.scan.msk.u32 $0xffff, v2;
	_ =	sdelay $0x5  }
0xdf: {  	v2, _, _ =	vpop (xrf0)  }
0xe0: {  	(v2sf) =	vpush v2, $0xF;
	_ =	sdelay $0x9  }
0xe1: {  	p2 =	por $0x0, $0x0  }
.Ltmp16:
0xe2: {  	_ = 	snop;
	(pc) =	sbr.rel @p2 .LBB2_23-.Ltmp16, $2  }
0xe3: {  	_ =	sdelay $0x2  }
0xe4: {  	s23 =	simm.s32 $0x2;
	p0 =	por $0x1, $0x1;
	v2 =	vmov s0;
	s25 =	spop (v2sf)  }
0xe5: {  	s0 =	sshll.u32 s25, $0x7  }
0xe6: {  	s0 =	sand.u32 $0x1FFFFF80, s0  }
0xe7: {  	s0 =	sadd.s32 s3, s0  }
0xe8: {  	[tilespmem:s21], [sflag:$0x1] =	stream.strided.gather [hbm4b:s0+s16], $0x1000, s17, s16, $0x38;
	[tilespmem:$0x14400] =	vst v63  }
0xe9: {  	v2 =	vld.idx.msk [tilespmem:v2+s13+$0x0], $0xffff;
	_ =	sdelay $0x4  }
0xea: {  	v2 =	vxor.u32 $0x80000000, v2  }
0xeb: {  	(xrf0) =	vmax.scan.msk.u32 $0xffff, v2;
	_ =	sdelay $0x5  }
0xec: {  	v2, _, _ =	vpop (xrf0)  }
0xed: {  	(v2sf) =	vpush v2, $0xF;
	_ =	sdelay $0x9  }
0xee: {  	p2 =	por $0x0, $0x0  }
.Ltmp17:
0xef: {  	_ = 	snop;
	(pc) =	sbr.rel @p2 .LBB2_25-.Ltmp17, $3  }
0xf0: {  	_ =	sdelay $0x1  }
0xf1: {  	s24 =	simm.s32 $0x3  }
0xf2: {  	p1 =	por $0x1, $0x1;
	v2 =	vmov s23;
	s23 =	simm.s32 $0x400;
	s25 =	spop (v2sf)  }
.LBB2_26:
0xf3: {  	p2 =	seq.s32 s24, $0x7;
	s0 =	sshll.u32 s25, $0x7  }
0xf4: {  	s0 =	sand.u32 $0x1FFFFF80, s0  }
0xf5: {  	s23 =	sadd.s32 $0x1000, s23;
	s0 =	sadd.s32 s3, s0  }
0xf6: {  	[tilespmem:s23], [sflag:$0x1] =	stream.strided.gather [hbm4b:s0+s16], $0x1000, s17, s16, $0x38;
	[tilespmem:$0x14400] =	vst v63  }
0xf7: {  	v2 =	vld.idx.msk [tilespmem:v2+s13+$0x0], $0xffff;
	_ =	sdelay $0x5  }
0xf8: {  	v2 =	vxor.u32 $0x80000000, v2  }
0xf9: {  	(xrf0) =	vmax.scan.msk.u32 $0xffff, v2;
	_ =	sdelay $0x5  }
0xfa: {  	v2, _, _ =	vpop (xrf0)  }
0xfb: {  	(v2sf) =	vpush v2, $0xF;
	_ =	sdelay $0xa  }
.Ltmp18:
0xfc: {  	(pc) =	sbr.rel @!p2 .LBB2_26-.Ltmp18, $2  }
0xfd: {  	_ =	sdelay $0x2  }
0xfe: {  	v2 =	vmov s24;
	s24 =	sadd.s32 $0x1, s24;
	s25 =	spop (v2sf)  }
.LBB2_27:
0xff: {  	s0 =	sshll.u32 @p0 s25, $0x7  }
0x100: {  	s2 =	sadd.s32 @p1 $0x1000, s23;
	s23 =	simm.s32 $0x400;
	s0 =	sand.u32 @p0 $0x1FFFFF80, s0  }
0x101: {  	s23 =	smov.u32 @p1 s2;
	s0 =	sadd.s32 @p0 s3, s0  }
0x102: {  	[tilespmem:s23], [sflag:$0x1] =	stream.strided.gather @p0 [hbm4b:s0+s16], $0x1000, s17, s16, $0x38;
	[tilespmem:$0x14400] =	vst v63  }
0x103: {  	v2 =	vld.idx.msk [tilespmem:v2+s13+$0x0], $0xffff;
	_ =	sdelay $0x4  }
0x104: {  	v2 =	vxor.u32 $0x80000000, v2  }
0x105: {  	(xrf0) =	vmax.scan.msk.u32 $0xffff, v2;
	_ =	sdelay $0x5  }
0x106: {  	v2, _, _ =	vpop (xrf0)  }
0x107: {  	(v2sf) =	vpush v2, $0xF;
	_ =	sdelay $0xe  }
0x108: {  	s31 =	spop (v2sf)  }
0x109: {  	s0 =	sshll.u32 s31, $0x7  }
0x10a: {  	s2 =	sadd.s32 @p0 $0x1000, s23;
	s0 =	sand.u32 $0x1FFFFF80, s0  }
0x10b: {  	s21 =	smov.u32 @p0 s2;
	s0 =	sadd.s32 s3, s0  }
0x10c: {  	[tilespmem:s21], [sflag:$0x1] =	stream.strided.gather [hbm4b:s0+s16], $0x1000, s17, s16, $0x38;
	[tilespmem:$0x14400] =	vst v63  }
0x10d: {  	s21 =	simm.s32 $0x1  }
.LBB2_29:
0x10e: {  	s24 =	sand.u32 $0x1, s22  }
0x10f: {  	s0 =	simm.s32 $0x2;
	p0 =	seq.s32 s24, $0x1  }
0x110: {  	s0 =	simm.s32 @!p0 $0x1  }
0x111: {  	_ =	swait.ge [sflag:s0], $0x1000  }
0x112: {  	[sflag:s0] =	ssyncset.done $0x0  }
0x113: {  	[sflag:s0] =	ssyncadd.s32 $0xFFFFF000  }
0x114: {  	_ =	swait.ge [sflag:s0], $0x1000  }
0x115: {  	[sflag:s0] =	ssyncset.done $0x0  }
0x116: {  	[sflag:s0] =	ssyncadd.s32 $0xFFFFF000  }
0x117: {  	_ =	swait.ge [sflag:s0], $0x1000  }
0x118: {  	[sflag:s0] =	ssyncset.done $0x0  }
0x119: {  	[sflag:s0] =	ssyncadd.s32 $0xFFFFF000  }
0x11a: {  	_ =	swait.ge [sflag:s0], $0x1000  }
0x11b: {  	[sflag:s0] =	ssyncset.done $0x0  }
0x11c: {  	[sflag:s0] =	ssyncadd.s32 $0xFFFFF000  }
0x11d: {  	_ =	swait.ge [sflag:s0], $0x1000  }
0x11e: {  	[sflag:s0] =	ssyncset.done $0x0  }
0x11f: {  	[sflag:s0] =	ssyncadd.s32 $0xFFFFF000  }
0x120: {  	_ =	swait.ge [sflag:s0], $0x1000  }
0x121: {  	[sflag:s0] =	ssyncset.done $0x0  }
0x122: {  	[sflag:s0] =	ssyncadd.s32 $0xFFFFF000  }
0x123: {  	p0 =	seq.s32 s22, $0x1F;
	_ =	swait.ge [sflag:s0], $0x1000  }
.Ltmp19:
0x124: {  	[sflag:s0] =	ssyncset.done $0x0;
	(pc) =	sbr.rel @!p0 .LBB2_30-.Ltmp19, $4  }
0x125: {  	[sflag:s0] =	ssyncadd.s32 $0xFFFFF000  }
0x126: {  	_ =	swait.ge [sflag:s0], $0x1000  }
0x127: {  	[sflag:s0] =	ssyncset.done $0x0  }
0x128: {  	s23 =	sadd.s32 $0x1, s22;
	[sflag:s0] =	ssyncadd.s32 $0xFFFFF000  }
.LBB2_36:
0x129: {  	s26 =	sshll.u32 s22, $0x3  }
0x12a: {  	s0 =	sadd.s32 $0x0, s26  }
0x12b: {  	s28 =	sand.u32 $0xFFFFFF80, s26;
	s2 =	sand.u32 $0x7F, s0  }
0x12c: {  	s2 =	sadd.s32 s28, s2  }
0x12d: {  	v2 =	vmov s2;
	_ =	sdelay $0x4  }
0x12e: {  	v2 =	vld.idx.msk [tilespmem:v2+s15+$0x0], $0xffff;
	_ =	sdelay $0x3  }
0x12f: {  	s24 =	sshll.u32 s24, $0xF  }
0x130: {  	s22 =	sadd.s32 $0x0, s24;
	v3 =	vand.u32 $0xFFFFFF80, v2  }
0x131: {  	v2 =	vand.u32 $0x7F, v2;
	v3 =	vadd.s32 s22, v3  }
0x132: {  	v2 =	vadd.s32 v2, v3  }
0x133: {  	v3 =	vadd.s32 v0, v2  }
0x134: {  	s29 =	simm.s32 $0x0;
	v4 =	vadd.s32 v1, v2  }
0x135: {  	s25 =	sand.u32 $0x3, s29  }
0x136: {  	p0 =	seq.s32 s0, $0x0;
	p1 =	sne.s32 s25, $0x0  }
0x137: {  	s30 =	simm.s32 $0x2;
	s25 =	sadd.s32 $0x1, s26;
	p0 =	por !p0, !p1  }
0x138: {  	s31 =	sshrl.u32 s0, $0x2;
	p0 =	por !p0, !p0;
	s2 =	simm.s32 $0x1;
	v2 =	vld.idx.msk [tilespmem:v3+s16+$0x0], $0xffff  }
0x139: {  	s0 =	sand.u32 $0x7F, s25;
	s2 =	simm.s32 @!p0 $0x0;
	s22 =	simm.s32 $0x1;
	v3 =	vld.idx.msk [tilespmem:v4+s16+$0x0], $0xffff  }
.LBB2_37:
0x13a: {  	p0 =	seq.s32 s30, $0x7;
	s0 =	sadd.s32 s28, s0;
	s2 =	ssub.s32 s31, s2  }
0x13b: {  	v4 =	vmov s0;
	s0 =	sshll.u32 s29, $0x5;
	s2 =	sshll.u32 s2, $0x9;
	s29 =	smov.u32 s22  }
0x13c: {  	s22 =	smov.u32 s30;
	s0 =	sand.u32 $0x60, s0;
	s2 =	sshra.s32 s2, $0x2  }
0x13d: {  	s0 =	sor.u32 s0, s2  }
0x13e: {  	s2 =	sadd.s32 $0x12400, s0;
	[tilespmem:s0+$0x12400] =	vst v2  }
0x13f: {  	[tilespmem:s2+$0x10] =	vst v3  }
0x140: {  	v2 =	vld.idx.msk [tilespmem:v4+s15+$0x0], $0xffff;
	_ =	sdelay $0x4  }
0x141: {  	s0 =	sshll.u32 s29, $0xC  }
0x142: {  	s0 =	sadd.s32 s24, s0;
	v3 =	vand.u32 $0xFFFFFF80, v2  }
0x143: {  	v2 =	vand.u32 $0x7F, v2;
	v3 =	vadd.s32 s0, v3  }
0x144: {  	v2 =	vadd.s32 v2, v3  }
0x145: {  	v3 =	vadd.s32 v0, v2  }
0x146: {  	v4 =	vadd.s32 v1, v2  }
.Ltmp20:
0x147: {  	s0 =	sand.u32 $0x3, s29;
	(pc) =	sbr.rel @!p0 .LBB2_37-.Ltmp20, $4  }
0x148: {  	p1 =	seq.s32 s25, $0x0;
	p2 =	sne.s32 s0, $0x0  }
0x149: {  	s31 =	sshrl.u32 s25, $0x2;
	p1 =	por !p1, !p2  }
0x14a: {  	s25 =	sadd.s32 s26, s30;
	s2 =	simm.s32 $0x1;
	p1 =	por !p1, !p1;
	v2 =	vld.idx.msk [tilespmem:v3+s16+$0x0], $0xffff  }
0x14b: {  	s30 =	sadd.s32 $0x1, s30;
	s0 =	sand.u32 $0x7F, s25;
	s2 =	simm.s32 @!p1 $0x0;
	v3 =	vld.idx.msk [tilespmem:v4+s16+$0x0], $0xffff  }
0x14c: {  	s0 =	sadd.s32 s28, s0;
	s2 =	ssub.s32 s31, s2  }
0x14d: {  	s26 =	sshll.u32 s29, $0x5;
	v4 =	vmov s0;
	s2 =	sshll.u32 s2, $0x9  }
0x14e: {  	s0 =	sand.u32 $0x60, s26;
	s2 =	sshra.s32 s2, $0x2  }
0x14f: {  	s0 =	sor.u32 s0, s2  }
0x150: {  	s2 =	sadd.s32 $0x12400, s0;
	[tilespmem:s0+$0x12400] =	vst v2  }
0x151: {  	[tilespmem:s2+$0x10] =	vst v3  }
0x152: {  	v2 =	vld.idx.msk [tilespmem:v4+s15+$0x0], $0xffff;
	_ =	sdelay $0x3  }
0x153: {  	s28 =	sshll.u32 s22, $0xC  }
0x154: {  	s0 =	sadd.s32 s24, s28;
	v3 =	vand.u32 $0xFFFFFF80, v2  }
0x155: {  	v2 =	vand.u32 $0x7F, v2;
	v3 =	vadd.s32 s0, v3  }
0x156: {  	v2 =	vadd.s32 v2, v3  }
0x157: {  	v3 =	vadd.s32 v0, v2  }
0x158: {  	s29 =	sand.u32 $0x3, s22;
	v2 =	vadd.s32 v1, v2  }
0x159: {  	p0 =	seq.s32 s25, $0x0;
	p1 =	sne.s32 s29, $0x0  }
0x15a: {  	p0 =	por !p0, !p1  }
0x15b: {  	p0 =	por !p0, !p0;
	s0 =	simm.s32 $0x1  }
0x15c: {  	s30 =	sshrl.u32 s25, $0x2;
	s0 =	simm.s32 @!p0 $0x0;
	v3 =	vld.idx.msk [tilespmem:v3+s16+$0x0], $0xffff  }
0x15d: {  	s0 =	ssub.s32 s30, s0;
	v2 =	vld.idx.msk [tilespmem:v2+s16+$0x0], $0xffff  }
0x15e: {  	s31 =	sshll.u32 s22, $0x5;
	s0 =	sshll.u32 s0, $0x9  }
0x15f: {  	s2 =	sand.u32 $0x60, s31;
	s0 =	sshra.s32 s0, $0x2  }
0x160: {  	s0 =	sor.u32 s2, s0  }
0x161: {  	s2 =	sadd.s32 $0x12400, s0;
	[tilespmem:s0+$0x12400] =	vst v3  }
0x162: {  	[tilespmem:s2+$0x10] =	vst v2  }
0x163: {  	p0 =	seq.s32 s23, $0x20  }
.Ltmp21:
0x164: {  	_ = 	snop;
	(pc) =	sbr.rel @!p0 .LBB2_29-.Ltmp21, $4  }
.Ltmp22:
0x165: {  	_ = 	snop;
	(pc) =	sbr.rel @p0 .LBB2_39-.Ltmp22, $4  }
0x166: {  	_ = 	snop  }
0x167: {  	_ = 	snop  }
0x168: {  	s21 =	sadd.s32 $0x1, s21;
	s22 =	smov.u32 s23  }
0x169: {  	_ = 	snop  }
.LBB2_30:
.Ltmp23:
0x16a: {  	(pc) =	sbr.rel .LBB2_31-.Ltmp23, $4  }
0x16b: {  	_ = 	snop  }
0x16c: {  	s0 =	sand.u32 $0xF, s21;
	s2 =	sshll.u32 s23, $0x3;
	s28 =	sand.u32 $0x1, s23  }
0x16d: {  	s29 =	simm.s32 $0x8400;
	p1 =	sne.s32 s24, $0x0;
	s25 =	sshll.u32 s0, $0x3  }
0x16e: {  	s26 =	sand.u32 $0xFFFFFF80, s2;
	p0 =	seq.s32 s28, $0x1;
	s28 =	simm.s32 $0x0  }
.LBB2_32:
0x16f: {  	s0 =	sadd.s32 s3, s0  }
.LBB2_34:
0x170: {  	[tilespmem:s29], [sflag:$0x2] =	stream.strided.gather [hbm4b:s0+s16], $0x1000, s17, s16, $0x38;
	[tilespmem:$0x14400] =	vst v63  }
.LBB2_35:
0x171: {  	s28 =	sadd.s32 $0x1, s28  }
0x172: {  	p2 =	sne.s32 s28, $0x8  }
.Ltmp24:
0x173: {  	_ = 	snop;
	(pc) =	sbr.rel @!p2 .LBB2_36-.Ltmp24, $2  }
0x174: {  	_ =	sdelay $0x2  }
0x175: {  	s29 =	sadd.s32 $0x1000, s29  }
.LBB2_31:
0x176: {  	s0 =	sadd.s32 s28, s25  }
0x177: {  	s0 =	sadd.s32 s26, s0  }
0x178: {  	v2 =	vmov s0;
	_ =	sdelay $0x4  }
0x179: {  	v2 =	vld.idx.msk [tilespmem:v2+s13+$0x0], $0xffff;
	_ =	sdelay $0x4  }
0x17a: {  	v2 =	vxor.u32 $0x80000000, v2  }
0x17b: {  	(xrf0) =	vmax.scan.msk.u32 $0xffff, v2;
	_ =	sdelay $0x5  }
0x17c: {  	v2, _, _ =	vpop (xrf0)  }
0x17d: {  	(v2sf) =	vpush v2, $0xF;
	_ =	sdelay $0xc  }
.Ltmp25:
0x17e: {  	_ = 	snop;
	(pc) =	sbr.rel @p0 .LBB2_32-.Ltmp25, $4  }
0x17f: {  	_ = 	snop  }
0x180: {  	s31 =	spop (v2sf)  }
0x181: {  	s0 =	sshll.u32 s31, $0x7  }
0x182: {  	s0 =	sand.u32 $0x1FFFFF80, s0  }
.Ltmp26:
0x183: {  	(pc) =	sbr.rel @p1 .LBB2_35-.Ltmp26, $4  }
.Ltmp27:
0x184: {  	(pc) =	sbr.rel @!p1 .LBB2_34-.Ltmp27, $4  }
0x185: {  	_ = 	snop  }
0x186: {  	s2 =	sadd.s32 $0xFFFF8000, s29;
	s0 =	sadd.s32 s3, s0  }
0x187: {  	[tilespmem:s2], [sflag:$0x1] =	stream.strided.gather [hbm4b:s0+s16], $0x1000, s17, s16, $0x38;
	[tilespmem:$0x14400] =	vst v63  }
0x188: {  	_ = 	snop  }
.LBB2_2:
.Ltmp28:
0x189: {  	(pc) =	sbr.rel .LBB2_8-.Ltmp28, $2  }
0x18a: {  	_ =	sdelay $0x2  }
0x18b: {  	s21 =	simm.s32 $0x400  }
.LBB2_15:
.Ltmp29:
0x18c: {  	(pc) =	sbr.rel .LBB2_27-.Ltmp29, $2  }
0x18d: {  	_ =	sdelay $0x2  }
0x18e: {  	s23 =	simm.s32 $0x400  }
.LBB2_4:
.Ltmp30:
0x18f: {  	(pc) =	sbr.rel .LBB2_8-.Ltmp30, $2  }
0x190: {  	_ =	sdelay $0x2  }
0x191: {  	s21 =	simm.s32 $0x400  }
.LBB2_23:
.Ltmp31:
0x192: {  	(pc) =	sbr.rel .LBB2_27-.Ltmp31, $2  }
0x193: {  	_ =	sdelay $0x2  }
0x194: {  	s23 =	simm.s32 $0x400  }
.LBB2_6:
.Ltmp32:
0x195: {  	(pc) =	sbr.rel .LBB2_8-.Ltmp32, $2  }
0x196: {  	_ =	sdelay $0x2  }
0x197: {  	s21 =	simm.s32 $0x400  }
.LBB2_25:
.Ltmp33:
0x198: {  	(pc) =	sbr.rel .LBB2_27-.Ltmp33, $2  }
0x199: {  	_ =	sdelay $0x2  }
0x19a: {  	s23 =	simm.s32 $0x400  }
.LBB2_40:
0x19b: {  	_ =	sfence.sel $0x180000  }
0x19c: {  	[bflag:$0x0] =	sbarrier.arrive $0xFFFF  }
0x19d: {  	_ =	strace $0x90000047  }
0x19e: {  	s0 =	stileid.u32;
	[bflag:$0x2] =	sbarrier.arrive $0xFFFF  }
0x19f: {  	p0 =	sne.s32 s0, $0x0;
	s0 =	rddreg [dreg:$0x3]  }
0x1a0: {  	s0 =	sadd.s32 @!p0 $0x100000, s0  }
0x1a1: {  	[sflag:s0] =	ssyncadd.tile.s32 @!p0 $0x1;
	_ =	shalt  }
.Lfunc_end2:
_tile_overlayer_lowered:
.L_overlay_start_2:
0x1a2: {  	(tag) =	ssettag $0x2  }
0x1a3: {  	s0 =	rddreg [dreg:$0x0];
	s2 =	stileid.u32  }
0x1a4: {  	s1 =	rddreg [dreg:$0x1];
	p0 =	sne.s32 s2, $0x0  }
0x1a5: {  	s3 =	rddreg [dreg:$0x2];
	[bflag:$0x3] =	sbarrier.arrive $0xFFFF;
	s2 =	simm.s32 @!p0 $0x1C03  }
0x1a6: {  	[timem:s3], [sflag:s2] =	dma.local @!p0 [hbm:s0], s1  }
0x1a7: {  	s0 =	simm.s32 @!p0 $0x3  }
0x1a8: {  	_ =	swait.ge @!p0 [sflag:s0], s1  }
0x1a9: {  	s1 =	ssub.s32 @!p0 $0x0, s1;
	[sflag:s0] =	ssyncset.done @!p0 $0x0  }
0x1aa: {  	[sflag:s0] =	ssyncadd.s32 @!p0 s1  }
0x1ab: {  	[bflag:$0x3] =	sbarrier.arrive $0xFFFF  }
0x1ac: {  	_ =	shalt  }

// kernel: kernel.9.cloned.1.call-start
scs
__scs_entry_jumppad:
0x0: {  	(pc) =	sbr.rel $0x88, $3  }
0x1: {  	(tag) =	ssettag $0x0;
	lr =	simm.s32 $0x1  }
0x2: {  	[smem:$0x3F97] =	sst lr;
	_ =	strace $0xD0000000  }
0x3: {  	_ = 	snop  }
0x4: {  	_ = 	snop  }
0x5: {  	_ = 	snop  }
0x6: {  	_ = 	snop  }
0x7: {  	_ = 	snop  }
__scs_overlays_trampoline_lowered:
0x8: {  	[smem:$0x3FA6] =	sst s0  }
0x9: {  	[smem:$0x3FA7] =	sst s1  }
0xa: {  	[smem:$0x3FA8] =	sst s2  }
0xb: {  	[smem:$0x3FA9] =	sst s3  }
0xc: {  	[smem:$0x3FAA] =	sst s4  }
0xd: {  	[smem:$0x3FAB] =	sst s5  }
0xe: {  	[smem:$0x3FAC] =	sst s6  }
0xf: {  	[smem:$0x3FAD] =	sst s7  }
0x10: {  	[smem:$0x3FAE] =	sst s8  }
0x11: {  	[smem:$0x3FAF] =	sst s9;
	s0 =	simm.s32 @!p0 $0x0  }
0x12: {  	s1 =	sld [smem:$0x3F95];
	s0 =	simm.s32 @p0 $0x1  }
0x13: {  	[smem:$0x3FB0] =	sst s0;
	s0 =	simm.s32 @!p1 $0x0  }
0x14: {  	s2 =	sld [smem:$0x3F94];
	s0 =	simm.s32 @p1 $0x1  }
0x15: {  	[smem:$0x3FB1] =	sst s0;
	s0 =	simm.s32 @!p2 $0x0  }
0x16: {  	s3 =	sld [smem:$0x3FDB];
	s0 =	simm.s32 @p2 $0x1  }
0x17: {  	s4 =	simm.s32 $0x1BF5;
	[smem:$0x3FB3] =	sst s0  }
0x18: {  	s0 =	sld [smem:$0x3F96];
	_ =	swait.ge [sflag:s4], $0x0  }
0x19: {  	s7 =	sld [smem:$0x3F97]  }
0x1a: {  	s8 =	sadd.s32 $0xFFFFE003, lr  }
0x1b: {  	s9 =	sadd.s32 $0xFFFFFEF7, lr;
	s5 =	simm.s32 $0xFFFFFFFF;
	p2 =	slt.u32 s8, $0xFFFFF086  }
0x1c: {  	p1 =	slt.u32 s9, $0xF7A;
	s5 =	simm.s32 @!p2 $0x0  }
0x1d: {  	s5 =	simm.s32 @p1 $0x1;
	p0 =	seq.s32 s7, s2  }
0x1e: {  	s7 =	smul.u32 @!p0 $0xF7A, s2;
	p2 =	seq.s32 @!p0 s5, $0x0  }
0x1f: {  	s9 =	smul.u32 $0xF7A, s1;
	s8 =	simm.s32 @!p0 $0x1BF5;
	p2 =	por !p2, p0  }
0x20: {  	[sflag:s8] =	ssyncset.s32 @!p0 $0xFFFFF086;
	s6 =	sadd.s32 @!p0 s3, s7;
	s7 =	simm.s32 @!p0 $0x108  }
0x21: {  	s3 =	sadd.s32 s3, s9;
	s6 =	sadd.s32 @!p0 $0x88, s6;
	s7 =	simm.s32 @p2 $0x1082  }
0x22: {  	[simem:s7], [sflag:s8] =	dma.local @!p0 [hbm:s6], $0xF7A  }
0x23: {  	s9 =	sor.u32 $0xD0000000, s2;
	s6 =	simm.s32 $0x108;
	_ =	swait.ge @!p0 [sflag:s8], $0x0  }
0x24: {  	s3 =	sadd.s32 $0x88, s3;
	s6 =	simm.s32 @!p1 $0x1082;
	[sflag:s4] =	ssyncset.s32 $0xFFFFF086  }
0x25: {  	[simem:s6], [sflag:s4] =	dma.local [hbm:s3], $0xF7A  }
0x26: {  	[smem:$0x3F97] =	sst s1;
	(tag) =	ssettag s2;
	_ =	strace s9  }
0x27: {  	s1 =	sld [smem:$0x3FA7]  }
0x28: {  	s2 =	sld [smem:$0x3FA8]  }
0x29: {  	s4 =	sld [smem:$0x3FAA]  }
0x2a: {  	p0 =	seq.s32 s5, $0x0;
	s5 =	sld [smem:$0x3FAB]  }
0x2b: {  	s6 =	sld [smem:$0x3FAC]  }
0x2c: {  	s7 =	sld [smem:$0x3FAD]  }
0x2d: {  	s3 =	simm.s32 $0x108;
	s8 =	sld [smem:$0x3FAE]  }
0x2e: {  	s3 =	simm.s32 @!p0 $0x1082;
	s9 =	sld [smem:$0x3FAF]  }
0x2f: {  	lr =	sadd.s32 s0, s3;
	s0 =	sld [smem:$0x3FA6]  }
0x30: {  	s3 =	sld [smem:$0x3FA9]  }
0x31: {  	[smem:$0x3FB2] =	sst s10  }
0x32: {  	s10 =	sld [smem:$0x3FB0];
	_ =	sdelay $0x3  }
0x33: {  	p0 =	seq.s32 s10, $0x1;
	s10 =	sld [smem:$0x3FB2];
	_ =	sdelay $0x3  }
0x34: {  	[smem:$0x3FB2] =	sst s10  }
0x35: {  	s10 =	sld [smem:$0x3FB1];
	_ =	sdelay $0x3  }
0x36: {  	p1 =	seq.s32 s10, $0x1;
	s10 =	sld [smem:$0x3FB2];
	_ =	sdelay $0x3  }
0x37: {  	[smem:$0x3FB2] =	sst s10  }
0x38: {  	s10 =	sld [smem:$0x3FB3]  }
0x39: {  	_ = 	snop;
	(pc) =	sbr.ind lr, $3  }
0x3a: {  	_ = 	snop  }
0x3b: {  	_ = 	snop  }
0x3c: {  	p2 =	seq.s32 s10, $0x1;
	s10 =	sld [smem:$0x3FB2]  }
0x3d: {  	_ =	shalt  }
0x3e: {  	_ =	shalt  }
0x3f: {  	_ =	shalt  }
0x40: {  	_ =	shalt  }
0x41: {  	_ =	shalt  }
0x42: {  	_ =	shalt  }
0x43: {  	_ =	shalt  }
0x44: {  	_ =	shalt  }
0x45: {  	_ =	shalt  }
0x46: {  	_ =	shalt  }
0x47: {  	_ =	shalt  }
0x48: {  	_ =	shalt  }
0x49: {  	_ =	shalt  }
0x4a: {  	_ =	shalt  }
0x4b: {  	_ =	shalt  }
0x4c: {  	_ =	shalt  }
0x4d: {  	_ =	shalt  }
0x4e: {  	_ =	shalt  }
0x4f: {  	_ =	shalt  }
0x50: {  	_ =	shalt  }
0x51: {  	_ =	shalt  }
0x52: {  	_ =	shalt  }
0x53: {  	_ =	shalt  }
0x54: {  	_ =	shalt  }
0x55: {  	_ =	shalt  }
0x56: {  	_ =	shalt  }
0x57: {  	_ =	shalt  }
0x58: {  	_ =	shalt  }
0x59: {  	_ =	shalt  }
0x5a: {  	_ =	shalt  }
0x5b: {  	_ =	shalt  }
0x5c: {  	_ =	shalt  }
0x5d: {  	_ =	shalt  }
0x5e: {  	_ =	shalt  }
0x5f: {  	_ =	shalt  }
0x60: {  	_ =	shalt  }
0x61: {  	_ =	shalt  }
0x62: {  	_ =	shalt  }
0x63: {  	_ =	shalt  }
0x64: {  	_ =	shalt  }
0x65: {  	_ =	shalt  }
0x66: {  	_ =	shalt  }
0x67: {  	_ =	shalt  }
0x68: {  	_ =	shalt  }
0x69: {  	_ =	shalt  }
0x6a: {  	_ =	shalt  }
0x6b: {  	_ =	shalt  }
0x6c: {  	_ =	shalt  }
0x6d: {  	_ =	shalt  }
0x6e: {  	_ =	shalt  }
0x6f: {  	_ =	shalt  }
0x70: {  	_ =	shalt  }
0x71: {  	_ =	shalt  }
0x72: {  	_ =	shalt  }
0x73: {  	_ =	shalt  }
0x74: {  	_ =	shalt  }
0x75: {  	_ =	shalt  }
0x76: {  	_ =	shalt  }
0x77: {  	_ =	shalt  }
0x78: {  	_ =	shalt  }
0x79: {  	_ =	shalt  }
0x7a: {  	_ =	shalt  }
0x7b: {  	_ =	shalt  }
0x7c: {  	_ =	shalt  }
0x7d: {  	_ =	shalt  }
0x7e: {  	_ =	shalt  }
0x7f: {  	_ =	shalt  }
0x80: {  	_ =	shalt  }
0x81: {  	_ =	shalt  }
0x82: {  	_ =	shalt  }
0x83: {  	_ =	shalt  }
0x84: {  	_ =	shalt  }
0x85: {  	_ =	shalt  }
0x86: {  	_ =	shalt  }
0x87: {  	_ =	shalt  }
.Lfunc_end0:
.L_simem_size_0:
called_computation.1_lowered:
.L_overlay_start_0:
0x88: {  	s2 =	sld [smem:$0x3FD9]  }
0x89: {  	s3 =	sld [smem:$0x3FFE];
	_ =	sdelay $0x1  }
0x8a: {  	s1 =	srdreg.scid  }
0x8b: {  	s0 =	sand.u32 $0x1, s1  }
0x8c: {  	s17 =	sshll.u32 s0, $0xA;
	s2 =	sadd.s32 s3, s2  }
0x8d: {  	s2 =	sadd.s32 s2, s17  }
0x8e: {  	[smem:$0x3FBE] =	sst s2  }
0x8f: {  	_ = 	snop  }
0x90: {  	s4 =	sld [smem:$0x3FC7]  }
0x91: {  	s5 =	sld [smem:$0x3FC6]  }
0x92: {  	s18 =	sld [smem:$0x3FD0];
	(tm) =	ssettm $0x1  }
0x93: {  	s19 =	sld [smem:$0x3FFB];
	_ =	sdelay $0x3  }
0x94: {  	_ =	strace s19  }
0x95: {  	s2 =	sld [smem:$0x3FFC];
	_ =	sdelay $0x3  }
0x96: {  	_ =	strace s2  }
0x97: {  	s2 =	sld [smem:$0x3FFD];
	_ =	sdelay $0x3  }
0x98: {  	_ =	strace s2  }
0x99: {  	_ =	strace $0x8FFFFFFF  }
0x9a: {  	s20 =	sld [smem:$0x3FDB];
	_ =	sdelay $0x1  }
0x9b: {  	s6 =	simm.s32 $_scs_section_size  }
0x9c: {  	s7 =	simm.s32 $_size__tile_overlayer_lowered;
	s8 =	simm.s32 $_tile_overlayer_lowered  }
0x9d: {  	s9 =	simm.s32 $0x1BFF;
	s21 =	sshll.u32 s8, $0x1;
	s6 =	sadd.s32 s6, s20  }
0x9e: {  	s22 =	simm.s32 $0x0;
	s7 =	sshll.u32 s7, $0x1;
	s8 =	sadd.s32 s21, s6  }
0x9f: {  	[timem:s22], [sflag:s9] =	dma.local [hbm:s8], s7  }
0xa0: {  	_ =	swait.ge [sflag:s9], s7  }
0xa1: {  	s7 =	ssub.s32 $0x0, s7;
	[sflag:s9] =	ssyncset.done $0x0  }
0xa2: {  	[sflag:s9] =	ssyncadd.s32 s7;
	_ =	sdelay $0x1  }
0xa3: {  	s23 =	simm.s32 $0x1B8B  }
0xa4: {  	_ =	swait.ge [sflag:s23], $0x1  }
0xa5: {  	[sflag:s23] =	ssyncset.done $0x0  }
0xa6: {  	[sflag:s23] =	ssyncadd.s32 $0xFFFFFFFF  }
0xa7: {  	s7 =	sld [smem:$0x0]  }
0xa8: {  	s8 =	sand.u32 $0xFFFFFFFE, s1  }
0xa9: {  	p0 =	sne.s32 s1, s8  }
0xaa: {  	s8 =	sshll.u32 @p0 s8, $0xE  }
0xab: {  	s8 =	sadd.s32 @p0 $0x11B8D, s8;
	s9 =	sshll.u32 @p0 s7, $0x11  }
0xac: {  	s8 =	sor.u32 @p0 s9, s8  }
0xad: {  	[sflag:s8] =	ssyncadd.remote.s32 @p0 $0x1;
	_ =	sdelay $0x1  }
0xae: {  	s8 =	simm.s32 @p0 $0x1B8D  }
0xaf: {  	_ =	swait.eq @p0 [sflag:s8], $0x1  }
0xb0: {  	[sflag:s8] =	ssyncadd.s32 @p0 $0xFFFFFFFF  }
0xb1: {  	s9 =	sshll.u32 @!p0 s1, $0xE  }
0xb2: {  	s9 =	sor.u32 @!p0 $0x4000, s9;
	s8 =	simm.s32 @!p0 $0x1B8D  }
0xb3: {  	s7 =	sshll.u32 @!p0 s7, $0x11;
	s9 =	sadd.s32 @!p0 $0x11B8D, s9;
	_ =	swait.eq @!p0 [sflag:s8], $0x1  }
0xb4: {  	s7 =	sor.u32 @!p0 s7, s9;
	[sflag:s8] =	ssyncadd.s32 @!p0 $0xFFFFFFFF  }
0xb5: {  	s25 =	simm.s32 $0x1B8E;
	s24 =	sld [smem:$0x3FFE];
	[sflag:s7] =	ssyncadd.remote.s32 @!p0 $0x1  }
0xb6: {  	s26 =	simm.s32 $execute0_lowered;
	[smem:$0x3FD2] =	sst s25  }
0xb7: {  	s8 =	sshll.u32 s26, $0x1;
	_ =	strace $0x80000049;
	[dreg:$0x1] =	wrdreg $0xFFFFFFFF  }
0xb8: {  	s28 =	simm.s32 $_size_execute0_lowered;
	s6 =	sadd.s32 s6, s8;
	[dreg:$0x0] =	wrdreg $0x0  }
0xb9: {  	s8 =	sshll.u32 s28, $0x1;
	[dreg:$0x2] =	wrdreg s6  }
0xba: {  	[dreg:$0x3] =	wrdreg s8  }
0xbb: {  	[dreg:$0x4] =	wrdreg $0xC0  }
0xbc: {  	_ =	task [dreg:s22], $0x5FFFF  }
0xbd: {  	[dreg:$0x1] =	wrdreg $0xFFFFFFFF  }
0xbe: {  	[dreg:$0x0] =	wrdreg $0x60  }
0xbf: {  	[dreg:$0x2] =	wrdreg s4  }
0xc0: {  	[dreg:$0x3] =	wrdreg s5  }
0xc1: {  	[dreg:$0x4] =	wrdreg s24  }
0xc2: {  	[dreg:$0x5] =	wrdreg s18  }
0xc3: {  	[dreg:$0x6] =	wrdreg $0xA  }
0xc4: {  	_ =	task.clear_ibuf [dreg:s22], $0x7FFFF;
	_ =	strace $0x90000049  }
0xc5: {  	s29 =	simm.s32 $0xA;
	_ =	strace $0x8000004B  }
0xc6: {  	_ =	swait.ge [sflag:s29], $0x1  }
0xc7: {  	[sflag:s29] =	ssyncadd.s32 $0xFFFFFFFF  }
0xc8: {  	_ =	strace $0x9000004B  }
0xc9: {  	_ =	sfence  }
0xca: {  	s30 =	sld [smem:$0x0];
	_ =	sdelay $0x2  }
0xcb: {  	s31 =	sshll.u32 s1, $0xD;
	s1 =	sshrl.u32 s1, $0x2  }
0xcc: {  	s4 =	sand.u32 $0x4000, s31;
	s1 =	sadd.s32 s1, s30  }
0xcd: {  	s0 =	sor.u32 s4, s0;
	s1 =	sshll.u32 s1, $0x11  }
0xce: {  	s0 =	sor.u32 s1, s0  }
0xcf: {  	s0 =	sadd.s32 $0x8F2B, s0  }
0xd0: {  	[sflag:s0] =	ssyncadd.remote.s32 $0x1  }
0xd1: {  	_ =	sfence.sel $0xFFFF  }
0xd2: {  	[dreg:$0x0] =	wrdreg $0xFFFFFFFF;
	(pc) =	sbr.abs _section_cstart, $3  }
0xd3: {  	[dreg:$0x1] =	wrdreg $0xFFFFFFFF  }
0xd4: {  	_ =	task.clear_ibuf [dreg:s22], $0x2FFFF;
	_ =	strace $0x9FFFFFFF  }
0xd5: {  	(tm) =	ssettm $0x7FFFFFFF  }
tec
execute0_lowered:
.L_overlay_start_1:
0x0: {  	(tag) =	ssettag $0x1  }
0x1: {  	s1 =	rddreg [dreg:$0x0]  }
0x2: {  	s2 =	rddreg [dreg:$0x1]  }
0x3: {  	s0 =	rddreg [dreg:$0x2]  }
0x4: {  	s3 =	rddreg [dreg:$0x3]  }
0x5: {  	s5 =	srdreg.scid;
	s6 =	stileid.u32  }
0x6: {  	s4 =	simm.s32 $0x0;
	s12 =	simm.s32 $0x3;
	s13 =	simm.s32 $0x100  }
0x7: {  	s14 =	simm.s32 $0x200;
	s15 =	simm.s32 $0x300;
	s16 =	simm.s32 $0x400  }
0x8: {  	s17 =	simm.s32 $0x7A1400;
	s18 =	simm.s32 $0x10400;
	s19 =	simm.s32 $0x12400  }
0x9: {  	s5 =	sand.u32 $0x1, s5;
	s6 =	sshll.u32 s6, $0x1;
	[smem:$0x7FF] =	sst s4  }
0xa: {  	s20 =	simm.s32 $0x0;
	s6 =	sor.u32 s5, s6;
	_ =	strace $0x8000004A  }
.Ltmp0:
0xb: {  	s5 =	ssub.s32 $0x2, s5;
	s7 =	sshll.u32 s6, $0x5;
	(pc) =	sbr.rel .LBB2_1-.Ltmp0, $4  }
0xc: {  	v0 =	vlaneseq.u32;
	s6 =	sshll.u32 s6, $0xA;
	s9 =	sshrl.u32 s5, $0x1;
	s8 =	sadd.s32 s7, s0  }
0xd: {  	v0 =	vmul.u32 $0x80, v0;
	s0 =	sadd.s32 s6, s0;
	s11 =	ssub.s32 s5, s9;
	s6 =	sadd.s32 s3, s7  }
0xe: {  	s5 =	sadd.s32 $0x4600, s8;
	s7 =	sadd.s32 $0x3E00, s8;
	s8 =	sadd.s32 $0x4A00, s8  }
0xf: {  	v1 =	vor.u32 $0x800, v0;
	s9 =	sadd.s32 $0x16600, s0;
	s10 =	sadd.s32 $0x1E600, s0;
	s11 =	smax.u32 s11, $0x1  }
.LBB2_39:
0x10: {  	[hbm4b:s9+s4] =	stream.linear.scatter [tilespmem:s18], [sflag:$0x3], $0x2000, $0x38;
	[tilespmem:$0x14400] =	vst v63  }
0x11: {  	s20 =	sadd.s32 $0x1, s20;
	_ =	swait.ge [sflag:s12], $0x2000  }
0x12: {  	p0 =	sne.s32 s20, s11;
	[sflag:s12] =	ssyncset.done $0x0  }
.Ltmp1:
0x13: {  	[sflag:s12] =	ssyncadd.s32 $0xFFFFE000;
	(pc) =	sbr.rel @!p0 .LBB2_40-.Ltmp1, $4  }
0x14: {  	[hbm4b:s10+s4] =	stream.linear.scatter [tilespmem:s19], [sflag:$0x3], $0x2000, $0x38;
	[tilespmem:$0x14400] =	vst v63  }
0x15: {  	_ =	swait.ge [sflag:s12], $0x2000  }
0x16: {  	[sflag:s12] =	ssyncset.done $0x0  }
0x17: {  	[sflag:s12] =	ssyncadd.s32 $0xFFFFE000  }
.LBB2_1:
0x18: {  	[tilespmem:s4], [sflag:$0x3] =	stream.linear.gather [hbm4b:s5+s4], $0x100, $0x38;
	[tilespmem:$0x14400] =	vst v63  }
0x19: {  	_ =	swait.ge [sflag:s12], $0x100  }
0x1a: {  	[sflag:s12] =	ssyncset.done $0x0  }
0x1b: {  	[sflag:s12] =	ssyncadd.s32 $0xFFFFFF00  }
0x1c: {  	[tilespmem:s13], [sflag:$0x3] =	stream.linear.gather [hbm4b:s6+s4], $0x100, $0x38;
	[tilespmem:$0x14400] =	vst v63  }
0x1d: {  	_ =	swait.ge [sflag:s12], $0x100  }
0x1e: {  	[sflag:s12] =	ssyncset.done $0x0  }
0x1f: {  	[sflag:s12] =	ssyncadd.s32 $0xFFFFFF00  }
0x20: {  	[tilespmem:s14], [sflag:$0x3] =	stream.linear.gather [hbm4b:s7+s4], $0x100, $0x38;
	[tilespmem:$0x14400] =	vst v63  }
0x21: {  	_ =	swait.ge [sflag:s12], $0x100  }
0x22: {  	p2 =	por $0x0, $0x0;
	[sflag:s12] =	ssyncset.done $0x0  }
.Ltmp2:
0x23: {  	[sflag:s12] =	ssyncadd.s32 $0xFFFFFF00;
	(pc) =	sbr.rel @p2 .LBB2_2-.Ltmp2, $4  }
0x24: {  	[tilespmem:s15], [sflag:$0x3] =	stream.linear.gather [hbm4b:s8+s4], $0x100, $0x38;
	[tilespmem:$0x14400] =	vst v63  }
0x25: {  	_ =	swait.ge [sflag:s12], $0x100  }
0x26: {  	s0 =	simm.s32 $0x1;
	[sflag:s12] =	ssyncset.done $0x0  }
0x27: {  	v2 =	vmov s4;
	p0 =	por $0x0, $0x0;
	p1 =	por $0x0, $0x0;
	[sflag:s12] =	ssyncadd.s32 $0xFFFFFF00  }
0x28: {  	_ =	sdelay $0x2  }
0x29: {  	s21 =	simm.s32 $0x0  }
0x2a: {  	v2 =	vld.idx.msk [tilespmem:v2+s21+$0x0], $0xffff;
	_ =	sdelay $0x4  }
0x2b: {  	v2 =	vxor.u32 $0x80000000, v2  }
0x2c: {  	(xrf0) =	vmax.scan.msk.u32 $0xffff, v2;
	_ =	sdelay $0x5  }
0x2d: {  	v2, _, _ =	vpop (xrf0)  }
0x2e: {  	(v2sf) =	vpush v2, $0xF;
	_ =	sdelay $0x9  }
0x2f: {  	p2 =	por $0x0, $0x0  }
.Ltmp3:
0x30: {  	_ = 	snop;
	(pc) =	sbr.rel @p2 .LBB2_4-.Ltmp3, $2  }
0x31: {  	_ =	sdelay $0x2  }
0x32: {  	s24 =	simm.s32 $0x2;
	p0 =	por $0x1, $0x1;
	v2 =	vmov s0;
	s23 =	spop (v2sf)  }
0x33: {  	s0 =	sshll.u32 s23, $0x7  }
0x34: {  	s0 =	sand.u32 $0x1FFFFF80, s0  }
0x35: {  	s0 =	sadd.s32 s1, s0  }
0x36: {  	[tilespmem:s16], [sflag:$0x1] =	stream.strided.gather [hbm4b:s0+s16], $0x1000, s17, s16, $0x38;
	[tilespmem:$0x14400] =	vst v63  }
0x37: {  	v2 =	vld.idx.msk [tilespmem:v2+s21+$0x0], $0xffff;
	_ =	sdelay $0x4  }
0x38: {  	v2 =	vxor.u32 $0x80000000, v2  }
0x39: {  	(xrf0) =	vmax.scan.msk.u32 $0xffff, v2;
	_ =	sdelay $0x5  }
0x3a: {  	v2, _, _ =	vpop (xrf0)  }
0x3b: {  	(v2sf) =	vpush v2, $0xF;
	_ =	sdelay $0x9  }
0x3c: {  	p2 =	por $0x0, $0x0  }
.Ltmp4:
0x3d: {  	_ = 	snop;
	(pc) =	sbr.rel @p2 .LBB2_6-.Ltmp4, $3  }
0x3e: {  	_ =	sdelay $0x1  }
0x3f: {  	s22 =	simm.s32 $0x3  }
0x40: {  	p1 =	por $0x1, $0x1;
	s21 =	simm.s32 $0x400;
	v2 =	vmov s24;
	s23 =	spop (v2sf)  }
.LBB2_7:
0x41: {  	p2 =	seq.s32 s22, $0x7;
	s0 =	sshll.u32 s23, $0x7  }
0x42: {  	s0 =	sand.u32 $0x1FFFFF80, s0  }
0x43: {  	s3 =	simm.s32 $0x0;
	s21 =	sadd.s32 $0x1000, s21;
	s0 =	sadd.s32 s1, s0  }
0x44: {  	[tilespmem:s21], [sflag:$0x1] =	stream.strided.gather [hbm4b:s0+s16], $0x1000, s17, s16, $0x38;
	[tilespmem:$0x14400] =	vst v63  }
0x45: {  	v2 =	vld.idx.msk [tilespmem:v2+s3+$0x0], $0xffff;
	_ =	sdelay $0x5  }
0x46: {  	v2 =	vxor.u32 $0x80000000, v2  }
0x47: {  	(xrf0) =	vmax.scan.msk.u32 $0xffff, v2;
	_ =	sdelay $0x5  }
0x48: {  	v2, _, _ =	vpop (xrf0)  }
0x49: {  	(v2sf) =	vpush v2, $0xF;
	_ =	sdelay $0xa  }
.Ltmp5:
0x4a: {  	(pc) =	sbr.rel @!p2 .LBB2_7-.Ltmp5, $2  }
0x4b: {  	_ =	sdelay $0x2  }
0x4c: {  	v2 =	vmov s22;
	s22 =	sadd.s32 $0x1, s22;
	s23 =	spop (v2sf)  }
.LBB2_8:
0x4d: {  	s0 =	sshll.u32 @p0 s23, $0x7  }
0x4e: {  	s3 =	sadd.s32 @p1 $0x1000, s21;
	s21 =	simm.s32 $0x400;
	s0 =	sand.u32 @p0 $0x1FFFFF80, s0  }
0x4f: {  	s23 =	simm.s32 $0x0;
	s21 =	smov.u32 @p1 s3;
	s0 =	sadd.s32 @p0 s1, s0  }
0x50: {  	[tilespmem:s21], [sflag:$0x1] =	stream.strided.gather @p0 [hbm4b:s0+s16], $0x1000, s17, s16, $0x38;
	[tilespmem:$0x14400] =	vst v63  }
0x51: {  	v2 =	vld.idx.msk [tilespmem:v2+s23+$0x0], $0xffff;
	_ =	sdelay $0x4  }
0x52: {  	v2 =	vxor.u32 $0x80000000, v2  }
0x53: {  	(xrf0) =	vmax.scan.msk.u32 $0xffff, v2;
	_ =	sdelay $0x5  }
0x54: {  	v2, _, _ =	vpop (xrf0)  }
0x55: {  	(v2sf) =	vpush v2, $0xF;
	_ =	sdelay $0xe  }
0x56: {  	s31 =	spop (v2sf)  }
0x57: {  	s0 =	sshll.u32 s31, $0x7  }
0x58: {  	s3 =	sadd.s32 @p0 $0x1000, s21;
	s21 =	simm.s32 $0x400;
	s0 =	sand.u32 $0x1FFFFF80, s0  }
0x59: {  	s21 =	smov.u32 @p0 s3;
	s0 =	sadd.s32 s1, s0  }
0x5a: {  	[tilespmem:s21], [sflag:$0x1] =	stream.strided.gather [hbm4b:s0+s16], $0x1000, s17, s16, $0x38;
	[tilespmem:$0x14400] =	vst v63  }
0x5b: {  	s21 =	simm.s32 $0x1  }
.LBB2_9:
0x5c: {  	s24 =	sand.u32 $0x1, s23  }
0x5d: {  	s0 =	simm.s32 $0x2;
	p0 =	seq.s32 s24, $0x1  }
0x5e: {  	s0 =	simm.s32 @!p0 $0x1  }
0x5f: {  	_ =	swait.ge [sflag:s0], $0x1000  }
0x60: {  	[sflag:s0] =	ssyncset.done $0x0  }
0x61: {  	[sflag:s0] =	ssyncadd.s32 $0xFFFFF000  }
0x62: {  	_ =	swait.ge [sflag:s0], $0x1000  }
0x63: {  	[sflag:s0] =	ssyncset.done $0x0  }
0x64: {  	[sflag:s0] =	ssyncadd.s32 $0xFFFFF000  }
0x65: {  	_ =	swait.ge [sflag:s0], $0x1000  }
0x66: {  	[sflag:s0] =	ssyncset.done $0x0  }
0x67: {  	[sflag:s0] =	ssyncadd.s32 $0xFFFFF000  }
0x68: {  	_ =	swait.ge [sflag:s0], $0x1000  }
0x69: {  	[sflag:s0] =	ssyncset.done $0x0  }
0x6a: {  	[sflag:s0] =	ssyncadd.s32 $0xFFFFF000  }
0x6b: {  	_ =	swait.ge [sflag:s0], $0x1000  }
0x6c: {  	[sflag:s0] =	ssyncset.done $0x0  }
0x6d: {  	[sflag:s0] =	ssyncadd.s32 $0xFFFFF000  }
0x6e: {  	_ =	swait.ge [sflag:s0], $0x1000  }
0x6f: {  	[sflag:s0] =	ssyncset.done $0x0  }
0x70: {  	[sflag:s0] =	ssyncadd.s32 $0xFFFFF000  }
0x71: {  	p0 =	seq.s32 s23, $0x1F;
	_ =	swait.ge [sflag:s0], $0x1000  }
.Ltmp6:
0x72: {  	[sflag:s0] =	ssyncset.done $0x0;
	(pc) =	sbr.rel @!p0 .LBB2_10-.Ltmp6, $4  }
0x73: {  	[sflag:s0] =	ssyncadd.s32 $0xFFFFF000  }
0x74: {  	_ =	swait.ge [sflag:s0], $0x1000  }
0x75: {  	[sflag:s0] =	ssyncset.done $0x0  }
0x76: {  	s22 =	sadd.s32 $0x1, s23;
	[sflag:s0] =	ssyncadd.s32 $0xFFFFF000  }
.LBB2_19:
0x77: {  	s26 =	sshll.u32 s23, $0x3  }
0x78: {  	s0 =	sadd.s32 $0x0, s26  }
0x79: {  	s28 =	sand.u32 $0xFFFFFF80, s26;
	s3 =	sand.u32 $0x7F, s0  }
0x7a: {  	s3 =	sadd.s32 s28, s3  }
0x7b: {  	v2 =	vmov s3;
	_ =	sdelay $0x4  }
0x7c: {  	v2 =	vld.idx.msk [tilespmem:v2+s14+$0x0], $0xffff;
	_ =	sdelay $0x3  }
0x7d: {  	s24 =	sshll.u32 s24, $0xF  }
0x7e: {  	s23 =	sadd.s32 $0x0, s24;
	v3 =	vand.u32 $0xFFFFFF80, v2  }
0x7f: {  	v2 =	vand.u32 $0x7F, v2;
	v3 =	vadd.s32 s23, v3  }
0x80: {  	v2 =	vadd.s32 v2, v3  }
0x81: {  	v3 =	vadd.s32 v0, v2  }
0x82: {  	s29 =	simm.s32 $0x0;
	v4 =	vadd.s32 v1, v2  }
0x83: {  	s25 =	sand.u32 $0x3, s29  }
0x84: {  	p0 =	seq.s32 s0, $0x0;
	p1 =	sne.s32 s25, $0x0  }
0x85: {  	s30 =	simm.s32 $0x2;
	s25 =	sadd.s32 $0x1, s26;
	p0 =	por !p0, !p1  }
0x86: {  	s31 =	sshrl.u32 s0, $0x2;
	p0 =	por !p0, !p0;
	s3 =	simm.s32 $0x1;
	v2 =	vld.idx.msk [tilespmem:v3+s16+$0x0], $0xffff  }
0x87: {  	s0 =	sand.u32 $0x7F, s25;
	s3 =	simm.s32 @!p0 $0x0;
	s23 =	simm.s32 $0x1;
	v3 =	vld.idx.msk [tilespmem:v4+s16+$0x0], $0xffff  }
.LBB2_20:
0x88: {  	p0 =	seq.s32 s30, $0x7;
	s0 =	sadd.s32 s28, s0;
	s3 =	ssub.s32 s31, s3  }
0x89: {  	v4 =	vmov s0;
	s0 =	sshll.u32 s29, $0x5;
	s3 =	sshll.u32 s3, $0x9;
	s29 =	smov.u32 s23  }
0x8a: {  	s23 =	smov.u32 s30;
	s0 =	sand.u32 $0x60, s0;
	s3 =	sshra.s32 s3, $0x2  }
0x8b: {  	s0 =	sor.u32 s0, s3  }
0x8c: {  	s3 =	sadd.s32 $0x10400, s0;
	[tilespmem:s0+$0x10400] =	vst v2  }
0x8d: {  	[tilespmem:s3+$0x10] =	vst v3  }
0x8e: {  	v2 =	vld.idx.msk [tilespmem:v4+s14+$0x0], $0xffff;
	_ =	sdelay $0x4  }
0x8f: {  	s0 =	sshll.u32 s29, $0xC  }
0x90: {  	s0 =	sadd.s32 s24, s0;
	v3 =	vand.u32 $0xFFFFFF80, v2  }
0x91: {  	v2 =	vand.u32 $0x7F, v2;
	v3 =	vadd.s32 s0, v3  }
0x92: {  	v2 =	vadd.s32 v2, v3  }
0x93: {  	v3 =	vadd.s32 v0, v2  }
0x94: {  	v4 =	vadd.s32 v1, v2  }
.Ltmp7:
0x95: {  	s0 =	sand.u32 $0x3, s29;
	(pc) =	sbr.rel @!p0 .LBB2_20-.Ltmp7, $4  }
0x96: {  	p1 =	seq.s32 s25, $0x0;
	p2 =	sne.s32 s0, $0x0  }
0x97: {  	s31 =	sshrl.u32 s25, $0x2;
	p1 =	por !p1, !p2  }
0x98: {  	s25 =	sadd.s32 s26, s30;
	s3 =	simm.s32 $0x1;
	p1 =	por !p1, !p1;
	v2 =	vld.idx.msk [tilespmem:v3+s16+$0x0], $0xffff  }
0x99: {  	s30 =	sadd.s32 $0x1, s30;
	s0 =	sand.u32 $0x7F, s25;
	s3 =	simm.s32 @!p1 $0x0;
	v3 =	vld.idx.msk [tilespmem:v4+s16+$0x0], $0xffff  }
0x9a: {  	s0 =	sadd.s32 s28, s0;
	s3 =	ssub.s32 s31, s3  }
0x9b: {  	s26 =	sshll.u32 s29, $0x5;
	v4 =	vmov s0;
	s3 =	sshll.u32 s3, $0x9  }
0x9c: {  	s0 =	sand.u32 $0x60, s26;
	s3 =	sshra.s32 s3, $0x2  }
0x9d: {  	s0 =	sor.u32 s0, s3  }
0x9e: {  	s3 =	sadd.s32 $0x10400, s0;
	[tilespmem:s0+$0x10400] =	vst v2  }
0x9f: {  	[tilespmem:s3+$0x10] =	vst v3  }
0xa0: {  	v2 =	vld.idx.msk [tilespmem:v4+s14+$0x0], $0xffff;
	_ =	sdelay $0x3  }
0xa1: {  	s28 =	sshll.u32 s23, $0xC  }
0xa2: {  	s0 =	sadd.s32 s24, s28;
	v3 =	vand.u32 $0xFFFFFF80, v2  }
0xa3: {  	v2 =	vand.u32 $0x7F, v2;
	v3 =	vadd.s32 s0, v3  }
0xa4: {  	v2 =	vadd.s32 v2, v3  }
0xa5: {  	v3 =	vadd.s32 v0, v2  }
0xa6: {  	s29 =	sand.u32 $0x3, s23;
	v2 =	vadd.s32 v1, v2  }
0xa7: {  	p0 =	seq.s32 s25, $0x0;
	p1 =	sne.s32 s29, $0x0  }
0xa8: {  	p0 =	por !p0, !p1  }
0xa9: {  	p0 =	por !p0, !p0;
	s0 =	simm.s32 $0x1  }
0xaa: {  	s30 =	sshrl.u32 s25, $0x2;
	s0 =	simm.s32 @!p0 $0x0;
	v3 =	vld.idx.msk [tilespmem:v3+s16+$0x0], $0xffff  }
0xab: {  	s0 =	ssub.s32 s30, s0;
	v2 =	vld.idx.msk [tilespmem:v2+s16+$0x0], $0xffff  }
0xac: {  	s31 =	sshll.u32 s23, $0x5;
	s0 =	sshll.u32 s0, $0x9  }
0xad: {  	s3 =	sand.u32 $0x60, s31;
	s0 =	sshra.s32 s0, $0x2  }
0xae: {  	s0 =	sor.u32 s3, s0  }
0xaf: {  	s3 =	sadd.s32 $0x10400, s0;
	[tilespmem:s0+$0x10400] =	vst v3  }
0xb0: {  	[tilespmem:s3+$0x10] =	vst v2  }
0xb1: {  	p0 =	seq.s32 s22, $0x20  }
.Ltmp8:
0xb2: {  	_ = 	snop;
	(pc) =	sbr.rel @!p0 .LBB2_9-.Ltmp8, $4  }
.Ltmp9:
0xb3: {  	_ = 	snop;
	(pc) =	sbr.rel @p0 .LBB2_14-.Ltmp9, $4  }
0xb4: {  	_ = 	snop  }
0xb5: {  	_ = 	snop  }
0xb6: {  	s21 =	sadd.s32 $0x1, s21;
	s23 =	smov.u32 s22  }
0xb7: {  	_ = 	snop  }
.LBB2_10:
.Ltmp10:
0xb8: {  	(pc) =	sbr.rel .LBB2_11-.Ltmp10, $4  }
0xb9: {  	_ = 	snop  }
0xba: {  	s0 =	sand.u32 $0xF, s21;
	s3 =	sshll.u32 s22, $0x3;
	s28 =	sand.u32 $0x1, s22  }
0xbb: {  	s29 =	simm.s32 $0x8400;
	p1 =	sne.s32 s24, $0x0;
	s25 =	sshll.u32 s0, $0x3  }
0xbc: {  	s26 =	sand.u32 $0xFFFFFF80, s3;
	p0 =	seq.s32 s28, $0x1;
	s28 =	simm.s32 $0x0  }
.LBB2_12:
0xbd: {  	s0 =	sadd.s32 s1, s0  }
.LBB2_17:
0xbe: {  	[tilespmem:s29], [sflag:$0x2] =	stream.strided.gather [hbm4b:s0+s16], $0x1000, s17, s16, $0x38;
	[tilespmem:$0x14400] =	vst v63  }
.LBB2_18:
0xbf: {  	s28 =	sadd.s32 $0x1, s28  }
0xc0: {  	p2 =	sne.s32 s28, $0x8  }
.Ltmp11:
0xc1: {  	_ = 	snop;
	(pc) =	sbr.rel @!p2 .LBB2_19-.Ltmp11, $2  }
0xc2: {  	_ =	sdelay $0x2  }
0xc3: {  	s29 =	sadd.s32 $0x1000, s29  }
.LBB2_11:
0xc4: {  	s0 =	sadd.s32 s28, s25  }
0xc5: {  	s0 =	sadd.s32 s26, s0  }
0xc6: {  	v2 =	vmov s0;
	_ =	sdelay $0x4  }
0xc7: {  	v2 =	vld.idx.msk [tilespmem:v2+s4+$0x0], $0xffff;
	_ =	sdelay $0x4  }
0xc8: {  	v2 =	vxor.u32 $0x80000000, v2  }
0xc9: {  	(xrf0) =	vmax.scan.msk.u32 $0xffff, v2;
	_ =	sdelay $0x5  }
0xca: {  	v2, _, _ =	vpop (xrf0)  }
0xcb: {  	(v2sf) =	vpush v2, $0xF;
	_ =	sdelay $0xc  }
.Ltmp12:
0xcc: {  	_ = 	snop;
	(pc) =	sbr.rel @p0 .LBB2_12-.Ltmp12, $4  }
0xcd: {  	_ = 	snop  }
0xce: {  	s31 =	spop (v2sf)  }
0xcf: {  	s0 =	sshll.u32 s31, $0x7  }
0xd0: {  	s0 =	sand.u32 $0x1FFFFF80, s0  }
.Ltmp13:
0xd1: {  	(pc) =	sbr.rel @p1 .LBB2_18-.Ltmp13, $4  }
.Ltmp14:
0xd2: {  	(pc) =	sbr.rel @!p1 .LBB2_17-.Ltmp14, $4  }
0xd3: {  	_ = 	snop  }
0xd4: {  	s3 =	sadd.s32 $0xFFFF8000, s29;
	s0 =	sadd.s32 s1, s0  }
0xd5: {  	[tilespmem:s3], [sflag:$0x1] =	stream.strided.gather [hbm4b:s0+s16], $0x1000, s17, s16, $0x38;
	[tilespmem:$0x14400] =	vst v63  }
0xd6: {  	_ = 	snop  }
.LBB2_14:
0xd7: {  	p2 =	por $0x0, $0x0  }
.Ltmp15:
0xd8: {  	_ = 	snop;
	(pc) =	sbr.rel @p2 .LBB2_15-.Ltmp15, $3  }
0xd9: {  	_ =	sdelay $0x1  }
0xda: {  	s22 =	simm.s32 $0x0;
	s21 =	simm.s32 $0x400  }
0xdb: {  	s0 =	simm.s32 $0x1;
	p0 =	por $0x0, $0x0;
	p1 =	por $0x0, $0x0;
	v2 =	vmov s22  }
0xdc: {  	_ =	sdelay $0x3  }
0xdd: {  	v2 =	vld.idx.msk [tilespmem:v2+s13+$0x0], $0xffff;
	_ =	sdelay $0x4  }
0xde: {  	v2 =	vxor.u32 $0x80000000, v2  }
0xdf: {  	(xrf0) =	vmax.scan.msk.u32 $0xffff, v2;
	_ =	sdelay $0x5  }
0xe0: {  	v2, _, _ =	vpop (xrf0)  }
0xe1: {  	(v2sf) =	vpush v2, $0xF;
	_ =	sdelay $0x9  }
0xe2: {  	p2 =	por $0x0, $0x0  }
.Ltmp16:
0xe3: {  	_ = 	snop;
	(pc) =	sbr.rel @p2 .LBB2_23-.Ltmp16, $2  }
0xe4: {  	_ =	sdelay $0x2  }
0xe5: {  	s23 =	simm.s32 $0x2;
	p0 =	por $0x1, $0x1;
	v2 =	vmov s0;
	s25 =	spop (v2sf)  }
0xe6: {  	s0 =	sshll.u32 s25, $0x7  }
0xe7: {  	s0 =	sand.u32 $0x1FFFFF80, s0  }
0xe8: {  	s0 =	sadd.s32 s2, s0  }
0xe9: {  	[tilespmem:s21], [sflag:$0x1] =	stream.strided.gather [hbm4b:s0+s16], $0x1000, s17, s16, $0x38;
	[tilespmem:$0x14400] =	vst v63  }
0xea: {  	v2 =	vld.idx.msk [tilespmem:v2+s13+$0x0], $0xffff;
	_ =	sdelay $0x4  }
0xeb: {  	v2 =	vxor.u32 $0x80000000, v2  }
0xec: {  	(xrf0) =	vmax.scan.msk.u32 $0xffff, v2;
	_ =	sdelay $0x5  }
0xed: {  	v2, _, _ =	vpop (xrf0)  }
0xee: {  	(v2sf) =	vpush v2, $0xF;
	_ =	sdelay $0x9  }
0xef: {  	p2 =	por $0x0, $0x0  }
.Ltmp17:
0xf0: {  	_ = 	snop;
	(pc) =	sbr.rel @p2 .LBB2_25-.Ltmp17, $3  }
0xf1: {  	_ =	sdelay $0x1  }
0xf2: {  	s24 =	simm.s32 $0x3  }
0xf3: {  	p1 =	por $0x1, $0x1;
	v2 =	vmov s23;
	s23 =	simm.s32 $0x400;
	s25 =	spop (v2sf)  }
.LBB2_26:
0xf4: {  	p2 =	seq.s32 s24, $0x7;
	s0 =	sshll.u32 s25, $0x7  }
0xf5: {  	s0 =	sand.u32 $0x1FFFFF80, s0  }
0xf6: {  	s23 =	sadd.s32 $0x1000, s23;
	s0 =	sadd.s32 s2, s0  }
0xf7: {  	[tilespmem:s23], [sflag:$0x1] =	stream.strided.gather [hbm4b:s0+s16], $0x1000, s17, s16, $0x38;
	[tilespmem:$0x14400] =	vst v63  }
0xf8: {  	v2 =	vld.idx.msk [tilespmem:v2+s13+$0x0], $0xffff;
	_ =	sdelay $0x5  }
0xf9: {  	v2 =	vxor.u32 $0x80000000, v2  }
0xfa: {  	(xrf0) =	vmax.scan.msk.u32 $0xffff, v2;
	_ =	sdelay $0x5  }
0xfb: {  	v2, _, _ =	vpop (xrf0)  }
0xfc: {  	(v2sf) =	vpush v2, $0xF;
	_ =	sdelay $0xa  }
.Ltmp18:
0xfd: {  	(pc) =	sbr.rel @!p2 .LBB2_26-.Ltmp18, $2  }
0xfe: {  	_ =	sdelay $0x2  }
0xff: {  	v2 =	vmov s24;
	s24 =	sadd.s32 $0x1, s24;
	s25 =	spop (v2sf)  }
.LBB2_27:
0x100: {  	s0 =	sshll.u32 @p0 s25, $0x7  }
0x101: {  	s3 =	sadd.s32 @p1 $0x1000, s23;
	s23 =	simm.s32 $0x400;
	s0 =	sand.u32 @p0 $0x1FFFFF80, s0  }
0x102: {  	s23 =	smov.u32 @p1 s3;
	s0 =	sadd.s32 @p0 s2, s0  }
0x103: {  	[tilespmem:s23], [sflag:$0x1] =	stream.strided.gather @p0 [hbm4b:s0+s16], $0x1000, s17, s16, $0x38;
	[tilespmem:$0x14400] =	vst v63  }
0x104: {  	v2 =	vld.idx.msk [tilespmem:v2+s13+$0x0], $0xffff;
	_ =	sdelay $0x4  }
0x105: {  	v2 =	vxor.u32 $0x80000000, v2  }
0x106: {  	(xrf0) =	vmax.scan.msk.u32 $0xffff, v2;
	_ =	sdelay $0x5  }
0x107: {  	v2, _, _ =	vpop (xrf0)  }
0x108: {  	(v2sf) =	vpush v2, $0xF;
	_ =	sdelay $0xe  }
0x109: {  	s31 =	spop (v2sf)  }
0x10a: {  	s0 =	sshll.u32 s31, $0x7  }
0x10b: {  	s3 =	sadd.s32 @p0 $0x1000, s23;
	s0 =	sand.u32 $0x1FFFFF80, s0  }
0x10c: {  	s21 =	smov.u32 @p0 s3;
	s0 =	sadd.s32 s2, s0  }
0x10d: {  	[tilespmem:s21], [sflag:$0x1] =	stream.strided.gather [hbm4b:s0+s16], $0x1000, s17, s16, $0x38;
	[tilespmem:$0x14400] =	vst v63  }
0x10e: {  	s21 =	simm.s32 $0x1  }
.LBB2_29:
0x10f: {  	s24 =	sand.u32 $0x1, s22  }
0x110: {  	s0 =	simm.s32 $0x2;
	p0 =	seq.s32 s24, $0x1  }
0x111: {  	s0 =	simm.s32 @!p0 $0x1  }
0x112: {  	_ =	swait.ge [sflag:s0], $0x1000  }
0x113: {  	[sflag:s0] =	ssyncset.done $0x0  }
0x114: {  	[sflag:s0] =	ssyncadd.s32 $0xFFFFF000  }
0x115: {  	_ =	swait.ge [sflag:s0], $0x1000  }
0x116: {  	[sflag:s0] =	ssyncset.done $0x0  }
0x117: {  	[sflag:s0] =	ssyncadd.s32 $0xFFFFF000  }
0x118: {  	_ =	swait.ge [sflag:s0], $0x1000  }
0x119: {  	[sflag:s0] =	ssyncset.done $0x0  }
0x11a: {  	[sflag:s0] =	ssyncadd.s32 $0xFFFFF000  }
0x11b: {  	_ =	swait.ge [sflag:s0], $0x1000  }
0x11c: {  	[sflag:s0] =	ssyncset.done $0x0  }
0x11d: {  	[sflag:s0] =	ssyncadd.s32 $0xFFFFF000  }
0x11e: {  	_ =	swait.ge [sflag:s0], $0x1000  }
0x11f: {  	[sflag:s0] =	ssyncset.done $0x0  }
0x120: {  	[sflag:s0] =	ssyncadd.s32 $0xFFFFF000  }
0x121: {  	_ =	swait.ge [sflag:s0], $0x1000  }
0x122: {  	[sflag:s0] =	ssyncset.done $0x0  }
0x123: {  	[sflag:s0] =	ssyncadd.s32 $0xFFFFF000  }
0x124: {  	p0 =	seq.s32 s22, $0x1F;
	_ =	swait.ge [sflag:s0], $0x1000  }
.Ltmp19:
0x125: {  	[sflag:s0] =	ssyncset.done $0x0;
	(pc) =	sbr.rel @!p0 .LBB2_30-.Ltmp19, $4  }
0x126: {  	[sflag:s0] =	ssyncadd.s32 $0xFFFFF000  }
0x127: {  	_ =	swait.ge [sflag:s0], $0x1000  }
0x128: {  	[sflag:s0] =	ssyncset.done $0x0  }
0x129: {  	s23 =	sadd.s32 $0x1, s22;
	[sflag:s0] =	ssyncadd.s32 $0xFFFFF000  }
.LBB2_36:
0x12a: {  	s26 =	sshll.u32 s22, $0x3  }
0x12b: {  	s0 =	sadd.s32 $0x0, s26  }
0x12c: {  	s28 =	sand.u32 $0xFFFFFF80, s26;
	s3 =	sand.u32 $0x7F, s0  }
0x12d: {  	s3 =	sadd.s32 s28, s3  }
0x12e: {  	v2 =	vmov s3;
	_ =	sdelay $0x4  }
0x12f: {  	v2 =	vld.idx.msk [tilespmem:v2+s15+$0x0], $0xffff;
	_ =	sdelay $0x3  }
0x130: {  	s24 =	sshll.u32 s24, $0xF  }
0x131: {  	s22 =	sadd.s32 $0x0, s24;
	v3 =	vand.u32 $0xFFFFFF80, v2  }
0x132: {  	v2 =	vand.u32 $0x7F, v2;
	v3 =	vadd.s32 s22, v3  }
0x133: {  	v2 =	vadd.s32 v2, v3  }
0x134: {  	v3 =	vadd.s32 v0, v2  }
0x135: {  	s29 =	simm.s32 $0x0;
	v4 =	vadd.s32 v1, v2  }
0x136: {  	s25 =	sand.u32 $0x3, s29  }
0x137: {  	p0 =	seq.s32 s0, $0x0;
	p1 =	sne.s32 s25, $0x0  }
0x138: {  	s30 =	simm.s32 $0x2;
	s25 =	sadd.s32 $0x1, s26;
	p0 =	por !p0, !p1  }
0x139: {  	s31 =	sshrl.u32 s0, $0x2;
	p0 =	por !p0, !p0;
	s3 =	simm.s32 $0x1;
	v2 =	vld.idx.msk [tilespmem:v3+s16+$0x0], $0xffff  }
0x13a: {  	s0 =	sand.u32 $0x7F, s25;
	s3 =	simm.s32 @!p0 $0x0;
	s22 =	simm.s32 $0x1;
	v3 =	vld.idx.msk [tilespmem:v4+s16+$0x0], $0xffff  }
.LBB2_37:
0x13b: {  	p0 =	seq.s32 s30, $0x7;
	s0 =	sadd.s32 s28, s0;
	s3 =	ssub.s32 s31, s3  }
0x13c: {  	v4 =	vmov s0;
	s0 =	sshll.u32 s29, $0x5;
	s3 =	sshll.u32 s3, $0x9;
	s29 =	smov.u32 s22  }
0x13d: {  	s22 =	smov.u32 s30;
	s0 =	sand.u32 $0x60, s0;
	s3 =	sshra.s32 s3, $0x2  }
0x13e: {  	s0 =	sor.u32 s0, s3  }
0x13f: {  	s3 =	sadd.s32 $0x12400, s0;
	[tilespmem:s0+$0x12400] =	vst v2  }
0x140: {  	[tilespmem:s3+$0x10] =	vst v3  }
0x141: {  	v2 =	vld.idx.msk [tilespmem:v4+s15+$0x0], $0xffff;
	_ =	sdelay $0x4  }
0x142: {  	s0 =	sshll.u32 s29, $0xC  }
0x143: {  	s0 =	sadd.s32 s24, s0;
	v3 =	vand.u32 $0xFFFFFF80, v2  }
0x144: {  	v2 =	vand.u32 $0x7F, v2;
	v3 =	vadd.s32 s0, v3  }
0x145: {  	v2 =	vadd.s32 v2, v3  }
0x146: {  	v3 =	vadd.s32 v0, v2  }
0x147: {  	v4 =	vadd.s32 v1, v2  }
.Ltmp20:
0x148: {  	s0 =	sand.u32 $0x3, s29;
	(pc) =	sbr.rel @!p0 .LBB2_37-.Ltmp20, $4  }
0x149: {  	p1 =	seq.s32 s25, $0x0;
	p2 =	sne.s32 s0, $0x0  }
0x14a: {  	s31 =	sshrl.u32 s25, $0x2;
	p1 =	por !p1, !p2  }
0x14b: {  	s25 =	sadd.s32 s26, s30;
	s3 =	simm.s32 $0x1;
	p1 =	por !p1, !p1;
	v2 =	vld.idx.msk [tilespmem:v3+s16+$0x0], $0xffff  }
0x14c: {  	s30 =	sadd.s32 $0x1, s30;
	s0 =	sand.u32 $0x7F, s25;
	s3 =	simm.s32 @!p1 $0x0;
	v3 =	vld.idx.msk [tilespmem:v4+s16+$0x0], $0xffff  }
0x14d: {  	s0 =	sadd.s32 s28, s0;
	s3 =	ssub.s32 s31, s3  }
0x14e: {  	s26 =	sshll.u32 s29, $0x5;
	v4 =	vmov s0;
	s3 =	sshll.u32 s3, $0x9  }
0x14f: {  	s0 =	sand.u32 $0x60, s26;
	s3 =	sshra.s32 s3, $0x2  }
0x150: {  	s0 =	sor.u32 s0, s3  }
0x151: {  	s3 =	sadd.s32 $0x12400, s0;
	[tilespmem:s0+$0x12400] =	vst v2  }
0x152: {  	[tilespmem:s3+$0x10] =	vst v3  }
0x153: {  	v2 =	vld.idx.msk [tilespmem:v4+s15+$0x0], $0xffff;
	_ =	sdelay $0x3  }
0x154: {  	s28 =	sshll.u32 s22, $0xC  }
0x155: {  	s0 =	sadd.s32 s24, s28;
	v3 =	vand.u32 $0xFFFFFF80, v2  }
0x156: {  	v2 =	vand.u32 $0x7F, v2;
	v3 =	vadd.s32 s0, v3  }
0x157: {  	v2 =	vadd.s32 v2, v3  }
0x158: {  	v3 =	vadd.s32 v0, v2  }
0x159: {  	s29 =	sand.u32 $0x3, s22;
	v2 =	vadd.s32 v1, v2  }
0x15a: {  	p0 =	seq.s32 s25, $0x0;
	p1 =	sne.s32 s29, $0x0  }
0x15b: {  	p0 =	por !p0, !p1  }
0x15c: {  	p0 =	por !p0, !p0;
	s0 =	simm.s32 $0x1  }
0x15d: {  	s30 =	sshrl.u32 s25, $0x2;
	s0 =	simm.s32 @!p0 $0x0;
	v3 =	vld.idx.msk [tilespmem:v3+s16+$0x0], $0xffff  }
0x15e: {  	s0 =	ssub.s32 s30, s0;
	v2 =	vld.idx.msk [tilespmem:v2+s16+$0x0], $0xffff  }
0x15f: {  	s31 =	sshll.u32 s22, $0x5;
	s0 =	sshll.u32 s0, $0x9  }
0x160: {  	s3 =	sand.u32 $0x60, s31;
	s0 =	sshra.s32 s0, $0x2  }
0x161: {  	s0 =	sor.u32 s3, s0  }
0x162: {  	s3 =	sadd.s32 $0x12400, s0;
	[tilespmem:s0+$0x12400] =	vst v3  }
0x163: {  	[tilespmem:s3+$0x10] =	vst v2  }
0x164: {  	p0 =	seq.s32 s23, $0x20  }
.Ltmp21:
0x165: {  	_ = 	snop;
	(pc) =	sbr.rel @!p0 .LBB2_29-.Ltmp21, $4  }
.Ltmp22:
0x166: {  	_ = 	snop;
	(pc) =	sbr.rel @p0 .LBB2_39-.Ltmp22, $4  }
0x167: {  	_ = 	snop  }
0x168: {  	_ = 	snop  }
0x169: {  	s21 =	sadd.s32 $0x1, s21;
	s22 =	smov.u32 s23  }
0x16a: {  	_ = 	snop  }
.LBB2_30:
.Ltmp23:
0x16b: {  	(pc) =	sbr.rel .LBB2_31-.Ltmp23, $4  }
0x16c: {  	_ = 	snop  }
0x16d: {  	s0 =	sand.u32 $0xF, s21;
	s3 =	sshll.u32 s23, $0x3;
	s28 =	sand.u32 $0x1, s23  }
0x16e: {  	s29 =	simm.s32 $0x8400;
	p1 =	sne.s32 s24, $0x0;
	s25 =	sshll.u32 s0, $0x3  }
0x16f: {  	s26 =	sand.u32 $0xFFFFFF80, s3;
	p0 =	seq.s32 s28, $0x1;
	s28 =	simm.s32 $0x0  }
.LBB2_32:
0x170: {  	s0 =	sadd.s32 s2, s0  }
.LBB2_34:
0x171: {  	[tilespmem:s29], [sflag:$0x2] =	stream.strided.gather [hbm4b:s0+s16], $0x1000, s17, s16, $0x38;
	[tilespmem:$0x14400] =	vst v63  }
.LBB2_35:
0x172: {  	s28 =	sadd.s32 $0x1, s28  }
0x173: {  	p2 =	sne.s32 s28, $0x8  }
.Ltmp24:
0x174: {  	_ = 	snop;
	(pc) =	sbr.rel @!p2 .LBB2_36-.Ltmp24, $2  }
0x175: {  	_ =	sdelay $0x2  }
0x176: {  	s29 =	sadd.s32 $0x1000, s29  }
.LBB2_31:
0x177: {  	s0 =	sadd.s32 s28, s25  }
0x178: {  	s0 =	sadd.s32 s26, s0  }
0x179: {  	v2 =	vmov s0;
	_ =	sdelay $0x4  }
0x17a: {  	v2 =	vld.idx.msk [tilespmem:v2+s13+$0x0], $0xffff;
	_ =	sdelay $0x4  }
0x17b: {  	v2 =	vxor.u32 $0x80000000, v2  }
0x17c: {  	(xrf0) =	vmax.scan.msk.u32 $0xffff, v2;
	_ =	sdelay $0x5  }
0x17d: {  	v2, _, _ =	vpop (xrf0)  }
0x17e: {  	(v2sf) =	vpush v2, $0xF;
	_ =	sdelay $0xc  }
.Ltmp25:
0x17f: {  	_ = 	snop;
	(pc) =	sbr.rel @p0 .LBB2_32-.Ltmp25, $4  }
0x180: {  	_ = 	snop  }
0x181: {  	s31 =	spop (v2sf)  }
0x182: {  	s0 =	sshll.u32 s31, $0x7  }
0x183: {  	s0 =	sand.u32 $0x1FFFFF80, s0  }
.Ltmp26:
0x184: {  	(pc) =	sbr.rel @p1 .LBB2_35-.Ltmp26, $4  }
.Ltmp27:
0x185: {  	(pc) =	sbr.rel @!p1 .LBB2_34-.Ltmp27, $4  }
0x186: {  	_ = 	snop  }
0x187: {  	s3 =	sadd.s32 $0xFFFF8000, s29;
	s0 =	sadd.s32 s2, s0  }
0x188: {  	[tilespmem:s3], [sflag:$0x1] =	stream.strided.gather [hbm4b:s0+s16], $0x1000, s17, s16, $0x38;
	[tilespmem:$0x14400] =	vst v63  }
0x189: {  	_ = 	snop  }
.LBB2_2:
.Ltmp28:
0x18a: {  	(pc) =	sbr.rel .LBB2_8-.Ltmp28, $2  }
0x18b: {  	_ =	sdelay $0x2  }
0x18c: {  	s21 =	simm.s32 $0x400  }
.LBB2_15:
.Ltmp29:
0x18d: {  	(pc) =	sbr.rel .LBB2_27-.Ltmp29, $2  }
0x18e: {  	_ =	sdelay $0x2  }
0x18f: {  	s23 =	simm.s32 $0x400  }
.LBB2_4:
.Ltmp30:
0x190: {  	(pc) =	sbr.rel .LBB2_8-.Ltmp30, $2  }
0x191: {  	_ =	sdelay $0x2  }
0x192: {  	s21 =	simm.s32 $0x400  }
.LBB2_23:
.Ltmp31:
0x193: {  	(pc) =	sbr.rel .LBB2_27-.Ltmp31, $2  }
0x194: {  	_ =	sdelay $0x2  }
0x195: {  	s23 =	simm.s32 $0x400  }
.LBB2_6:
.Ltmp32:
0x196: {  	(pc) =	sbr.rel .LBB2_8-.Ltmp32, $2  }
0x197: {  	_ =	sdelay $0x2  }
0x198: {  	s21 =	simm.s32 $0x400  }
.LBB2_25:
.Ltmp33:
0x199: {  	(pc) =	sbr.rel .LBB2_27-.Ltmp33, $2  }
0x19a: {  	_ =	sdelay $0x2  }
0x19b: {  	s23 =	simm.s32 $0x400  }
.LBB2_40:
0x19c: {  	_ =	sfence.sel $0x180000  }
0x19d: {  	[bflag:$0x0] =	sbarrier.arrive $0xFFFF  }
0x19e: {  	_ =	strace $0x9000004A  }
0x19f: {  	s0 =	stileid.u32;
	[bflag:$0x2] =	sbarrier.arrive $0xFFFF  }
0x1a0: {  	p0 =	sne.s32 s0, $0x0;
	s0 =	rddreg [dreg:$0x4]  }
0x1a1: {  	s0 =	sadd.s32 @!p0 $0x100000, s0  }
0x1a2: {  	[sflag:s0] =	ssyncadd.tile.s32 @!p0 $0x1;
	_ =	shalt  }
.Lfunc_end2:
_tile_overlayer_lowered:
.L_overlay_start_2:
0x1a3: {  	(tag) =	ssettag $0x2  }
0x1a4: {  	s0 =	rddreg [dreg:$0x0];
	s2 =	stileid.u32  }
0x1a5: {  	s1 =	rddreg [dreg:$0x1];
	p0 =	sne.s32 s2, $0x0  }
0x1a6: {  	s3 =	rddreg [dreg:$0x2];
	[bflag:$0x3] =	sbarrier.arrive $0xFFFF;
	s2 =	simm.s32 @!p0 $0x1C03  }
0x1a7: {  	[timem:s3], [sflag:s2] =	dma.local @!p0 [hbm:s0], s1  }
0x1a8: {  	s0 =	simm.s32 @!p0 $0x3  }
0x1a9: {  	_ =	swait.ge @!p0 [sflag:s0], s1  }
0x1aa: {  	s1 =	ssub.s32 @!p0 $0x0, s1;
	[sflag:s0] =	ssyncset.done @!p0 $0x0  }
0x1ab: {  	[sflag:s0] =	ssyncadd.s32 @!p0 s1  }
0x1ac: {  	[bflag:$0x3] =	sbarrier.arrive $0xFFFF  }
0x1ad: {  	_ =	shalt  }

</sc_bundles>
